<compile_context>
chip_gen: v7x
topology: tpu7x:2x2x1
jax: 0.10.2.dev20260603
libtpu: 0.0.44.dev20260713+nightly
codegen_flags: <defaults>
</compile_context>

<pallas_src>
import functools

import jax
import jax.numpy as jnp
from jax import lax
from jax.experimental import pallas as pl
from jax.experimental.pallas import tpu as pltpu, tpu_sc as plsc


def kernel(users, table):
    B = users.shape[0]
    V, D = table.shape
    L = 16

    info = plsc.get_sparse_core_info()
    NC, NS = info.num_cores, info.num_subcores
    NW = NC * NS

    W = 512
    NWIN = 61
    RPW = NWIN * W
    LIST = 1024
    STAGE = 640
    UB = 1024

    users = users.astype(jnp.int32)
    tt = table.T
    mesh = plsc.VectorSubcoreMesh(core_axis_name="c", subcore_axis_name="s")

    @functools.partial(
        pl.kernel,
        mesh=mesh,
        out_type=jax.ShapeDtypeStruct((B + L, D * 4), jnp.float32),
        scratch_types=[
            pltpu.VMEM((UB,), jnp.int32),
            pltpu.VMEM((LIST,), jnp.int32),
            pltpu.VMEM((LIST,), jnp.int32),
            pltpu.VMEM((LIST,), jnp.int32),
            pltpu.VMEM((LIST,), jnp.int32),
            pltpu.VMEM((LIST,), jnp.int32),
            pltpu.VMEM((D, W), jnp.float32),
            pltpu.VMEM((D, W), jnp.float32),
            pltpu.VMEM((STAGE, D * 4), jnp.float32),
            pltpu.SemaphoreType.DMA,
            pltpu.SemaphoreType.DMA,
            pltpu.SemaphoreType.DMA,
        ],
        compiler_params=pltpu.CompilerParams(needs_layout_passes=False),
    )
    def scan_kernel(users_hbm, tt_hbm, out_hbm, ub_v, ul0_v, bl0_v, ul_v, bl_v,
                    pos_v, buf_a, buf_b, stage, sem_a, sem_b, sem_o):
        wid = lax.axis_index("s") * NC + lax.axis_index("c")
        lo = wid * RPW
        hi = jnp.where(wid == NW - 1, NW * RPW + W, lo + RPW)
        iota = lax.iota(jnp.int32, L)

        def initp(c, carry):
            pos_v[pl.ds(pl.multiple_of(c * L, L), L)] = B + iota
            return carry

        lax.fori_loop(0, LIST // L, initp, jnp.int32(0))

        SEGC = LIST // 4
        off = jnp.zeros((L,), jnp.int32)
        for k in range(B // UB):
            pltpu.sync_copy(users_hbm.at[pl.ds(k * UB, UB)], ub_v)

            def filt(c, off_vec, k=k):
                base = pl.multiple_of(c * L, L)
                u = ub_v[pl.ds(base, L)]
                m = (u >= lo) & (u < hi)
                mi = m.astype(jnp.int32)
                slot = off_vec + plsc.cumsum(mi) - 1
                plsc.store_scatter(ul0_v, [slot], u, mask=m)
                plsc.store_scatter(bl0_v, [slot], k * UB + base + iota, mask=m)
                return off_vec + plsc.all_reduce_population_count(m)

            off = lax.fori_loop(0, UB // L, filt, off)
        count0 = jnp.max(off)

        def seg_filt(c, offs):
            base = pl.multiple_of(c * L, L)
            u = ul0_v[pl.ds(base, L)]
            b = bl0_v[pl.ds(base, L)]
            m = (base + iota) < count0
            useg = lax.shift_right_logical(u - lo, 13)
            new = []
            for s in range(4):
                ms = m & (useg == s)
                mi = ms.astype(jnp.int32)
                slot = s * SEGC + offs[s] + plsc.cumsum(mi) - 1
                plsc.store_scatter(ul_v, [slot], u, mask=ms)
                plsc.store_scatter(bl_v, [slot], b, mask=ms)
                new.append(offs[s] + plsc.all_reduce_population_count(ms))
            return tuple(new)

        offs = lax.fori_loop(
            0, (count0 + L - 1) // L, seg_filt, (jnp.zeros((L,), jnp.int32),) * 4
        )
        counts = [jnp.max(o) for o in offs]

        def match_window(buf, win, stc):
            win_lo = pl.multiple_of(lo + win * W, 128)
            seg = lax.shift_right_logical(win, 4)
            cnt = counts[3]
            for s in range(3):
                cnt = jnp.where(seg == s, counts[s], cnt)
            nch = (cnt + L - 1) // L

            def mbody(c, stc):
                base = pl.multiple_of(seg * SEGC + c * L, L)
                u = ul_v[pl.ds(base, L)]
                bpos = bl_v[pl.ds(base, L)]
                m = ((c * L + iota) < cnt) & (u >= win_lo) & (u < win_lo + W)
                mi = m.astype(jnp.int32)

                @pl.when(jnp.any(m))
                def _():
                    slot = stc + plsc.cumsum(mi) - 1
                    col = u - win_lo
                    plsc.store_scatter(pos_v, [slot], bpos, mask=m)

                    def dbody(d4, cc):
                        for j in range(4):
                            dv = jnp.full((L,), d4 * 4 + j, jnp.int32)
                            val = plsc.load_gather(buf, [dv, col], mask=m)
                            plsc.store_scatter(stage, [slot, dv], val, mask=m)
                        return cc

                    lax.fori_loop(0, D // 4, dbody, jnp.int32(0))

                return stc + plsc.all_reduce_population_count(m)

            return lax.fori_loop(0, nch, mbody, stc)

        def start(win, buf, sem):
            win_lo = pl.multiple_of(lo + win * W, 128)
            return pltpu.make_async_copy(tt_hbm.at[:, pl.ds(win_lo, W)], buf, sem)

        start(0, buf_a, sem_a).start()

        def wpair(k, stc):
            win_a = 2 * k
            win_b = win_a + 1
            start(win_b, buf_b, sem_b).start()
            start(0, buf_a, sem_a).wait()
            stc = match_window(buf_a, win_a, stc)

            @pl.when(win_b < NWIN)
            def _():
                start(win_b + 1, buf_a, sem_a).start()

            start(0, buf_b, sem_b).wait()
            return match_window(buf_b, win_b, stc)

        lax.fori_loop(0, (NWIN + 1) // 2, wpair, jnp.zeros((L,), jnp.int32))

        total = counts[0] + counts[1] + counts[2] + counts[3]
        for g in range(STAGE // (D * 4)):
            @pl.when(g * D * 4 < total)
            def _(g=g):
                pltpu.async_copy(
                    stage.at[pl.ds(g * D * 4, D * 4), :],
                    out_hbm.at[pos_v.at[pl.ds(g * D * 4, D * 4)]],
                    sem_o,
                ).wait()

    out_pad = scan_kernel(users, tt)
    out = out_pad[:B, :D]

    UT = NW * RPW + W
    in_tail = users >= UT
    tail_vals = jnp.take(table[UT:], jnp.where(in_tail, users - UT, 0), axis=0)
    return jnp.where(in_tail[:, None], tail_vals, out)

# --- scband reference (transcript-rebuilt; emitter-appended) ---
"""Pipeline reference for scband-user-embedding-32521492365904 (READ-ONLY COPY).

The authoritative reference and input builder live on the scoring server;
editing this copy changes nothing except your own understanding.
"""

import jax, jax.numpy as jnp
import numpy as np

NUM_USERS = 1000000
EMB_SIZE = 32
BATCH = 16384

def setup_inputs(seed: int = 0) -> dict:
    key = jax.random.key(seed)
    k_idx, k_tab = jax.random.split(key)
    users = jax.random.randint(k_idx, (BATCH,), 0, NUM_USERS, dtype=jnp.int64 if jax.config.jax_enable_x64 else jnp.int32)
    table = jax.random.normal(k_tab, (NUM_USERS, EMB_SIZE), dtype=jnp.float32)
    return {"users": users, "table": table}

def reference(users, table):
    # nn.Embedding forward: row gather from the embedding table
    return jnp.take(table, users, axis=0)

if __name__ == "__main__":
    import jax
    _d = setup_inputs()
    print(jax.jit(kernel)(*tuple(_d.values())))

</pallas_src>

<mosaic_0001>
#map = affine_map<(d0, d1) -> (0)>
#map1 = affine_map<(d0, d1) -> (0, 0)>
module attributes {stable_mosaic.version = 14 : i64} {
  func.func @scan_kernel(%arg0: i32, %arg1: i32, %arg2: memref<16384xi32, #tpu.memory_space<hbm>>, %arg3: memref<32x1000000xf32, #tpu.memory_space<hbm>>, %arg4: memref<16400x128xf32, #tpu.memory_space<hbm>>, %arg5: memref<1024xi32, #tpu.memory_space<vmem>>, %arg6: memref<1024xi32, #tpu.memory_space<vmem>>, %arg7: memref<1024xi32, #tpu.memory_space<vmem>>, %arg8: memref<1024xi32, #tpu.memory_space<vmem>>, %arg9: memref<1024xi32, #tpu.memory_space<vmem>>, %arg10: memref<1024xi32, #tpu.memory_space<vmem>>, %arg11: memref<32x512xf32, #tpu.memory_space<vmem>>, %arg12: memref<32x512xf32, #tpu.memory_space<vmem>>, %arg13: memref<640x128xf32, #tpu.memory_space<vmem>>, %arg14: memref<!tpu.dma_semaphore, #tpu.memory_space<semaphore_mem>>, %arg15: memref<!tpu.dma_semaphore, #tpu.memory_space<semaphore_mem>>, %arg16: memref<!tpu.dma_semaphore, #tpu.memory_space<semaphore_mem>>) attributes {dimension_semantics = [#tpu.dimension_semantics<core_parallel>, #tpu.dimension_semantics<subcore_parallel>], iteration_bounds = array<i64: 2, 16>, scalar_prefetch = 0 : i64, scratch_operands = 12 : i64, tpu.core_type = #tpu.core_type<sc_vector_subcore>, window_params = [{transform_indices = #map}, {transform_indices = #map1}, {transform_indices = #map1}]} {
    %mul3A = arith.constant 2 : i32
    %mul3A_0 = arith.muli %arg1, %mul3A : i32
    %add3A = arith.addi %mul3A_0, %arg0 : i32
    %mul3A_1 = arith.constant 31232 : i32
    %mul3A_2 = arith.muli %add3A, %mul3A_1 : i32
    %eq3A = arith.constant 31 : i32
    %eq3A_3 = arith.cmpi eq, %add3A, %eq3A : i32
    %add3A_4 = arith.constant 31232 : i32
    %add3A_5 = arith.addi %mul3A_2, %add3A_4 : i32
    %jit3A = arith.constant 999936 : i32
    %select_n3A = arith.select %eq3A_3, %jit3A, %add3A_5 : i32
    %iota3A = tpu.iota {dimensions = array<i32: 0>} : vector<16xi32>
    %scan3A = arith.constant 0 : i32
    %scan3A_6 = arith.constant 0 : i32
    %scan3A_7 = arith.constant 64 : i32
    %scan3A_8 = arith.addi %scan3A_6, %scan3A_7 : i32
    %scan3A_9 = arith.constant 1 : i32
    scf.for %scan3A_219 = %scan3A_6 to %scan3A_8 step %scan3A_9  : i32 {
      %add3A_220 = arith.constant 16384 : i32
      %add3A_221 = vector.broadcast %add3A_220 : i32 to vector<16xi32>
      %add3A_222 = arith.addi %add3A_221, %iota3A : vector<16xi32>
      %mul3A_223 = arith.constant 16 : i32
      %mul3A_224 = arith.muli %scan3A_219, %mul3A_223 : i32
      %multiple_of3A_225 = tpu.assume_multiple %mul3A_224, 16 : i32
      %swap3A = arith.index_cast %multiple_of3A_225 : i32 to index
      %swap3A_226 = tpu.vector_load %arg10[%swap3A] {strides = array<i32>} : memref<1024xi32, #tpu.memory_space<vmem>>, vector<16xi32>,
      tpu.vector_store %arg10[%swap3A], %add3A_222 {strides = array<i32>} : memref<1024xi32, #tpu.memory_space<vmem>>, vector<16xi32>,
    }
    %scan3A_10 = arith.constant 64 : i32
    %broadcast_in_dim3A = arith.constant 0 : i32
    %broadcast_in_dim3A_11 = vector.broadcast %broadcast_in_dim3A : i32 to vector<16xi32>
    "tpu.region"() ({
      %run_scoped3A = tpu.sem_alloc : memref<!tpu.dma_semaphore, #tpu.memory_space<semaphore_mem>>
      %dma_start3A_219 = arith.constant 0 : i32
      %dma_start3A_220 = tpu.memref_slice %arg2[%dma_start3A_219] : memref<16384xi32, #tpu.memory_space<hbm>> -> memref<1024xi32, #tpu.memory_space<hbm>>
      %dma_start3A_221 = arith.constant 0 : i32
      %dma_start3A_222 = tpu.memref_slice %arg2[%dma_start3A_221] : memref<16384xi32, #tpu.memory_space<hbm>> -> memref<1024xi32, #tpu.memory_space<hbm>>
      tpu.enqueue_dma source(%dma_start3A_222 : memref<1024xi32, #tpu.memory_space<hbm>>) target(%arg5 : memref<1024xi32, #tpu.memory_space<vmem>>) target_semaphore(%run_scoped3A : memref<!tpu.dma_semaphore, #tpu.memory_space<semaphore_mem>>)
      %dma_wait3A = arith.constant 0 : i32
      %dma_wait3A_223 = tpu.memref_slice %arg2[%dma_wait3A] : memref<16384xi32, #tpu.memory_space<hbm>> -> memref<1024xi32, #tpu.memory_space<hbm>>
      %dma_wait3A_224 = arith.constant 0 : i32
      %dma_wait3A_225 = tpu.memref_slice %arg2[%dma_wait3A_224] : memref<16384xi32, #tpu.memory_space<hbm>> -> memref<1024xi32, #tpu.memory_space<hbm>>
      tpu.wait_dma2 semaphore(%run_scoped3A : memref<!tpu.dma_semaphore, #tpu.memory_space<semaphore_mem>>) src(%dma_wait3A_225 : memref<1024xi32, #tpu.memory_space<hbm>>) dst(%arg5 : memref<1024xi32, #tpu.memory_space<vmem>>)
      tpu.yield
    }) : () -> ()
    %scan3A_12 = arith.constant 0 : i32
    %scan3A_13 = arith.constant 64 : i32
    %scan3A_14 = arith.addi %scan3A_12, %scan3A_13 : i32
    %scan3A_15 = arith.constant 1 : i32
    %scan3A_16 = scf.for %scan3A_219 = %scan3A_12 to %scan3A_14 step %scan3A_15 iter_args(%scan3A_220 = %broadcast_in_dim3A_11) -> (vector<16xi32>)  : i32 {
      %mul3A_221 = arith.constant 16 : i32
      %mul3A_222 = arith.muli %scan3A_219, %mul3A_221 : i32
      %multiple_of3A_223 = tpu.assume_multiple %mul3A_222, 16 : i32
      %get3A = arith.index_cast %multiple_of3A_223 : i32 to index
      %get3A_224 = tpu.vector_load %arg5[%get3A] {strides = array<i32>} : memref<1024xi32, #tpu.memory_space<vmem>>, vector<16xi32>,
      %ge3A = vector.broadcast %mul3A_2 : i32 to vector<16xi32>
      %ge3A_225 = arith.cmpi sge, %get3A_224, %ge3A : vector<16xi32>
      %lt3A = vector.broadcast %select_n3A : i32 to vector<16xi32>
      %lt3A_226 = arith.cmpi slt, %get3A_224, %lt3A : vector<16xi32>
      %and3A_227 = arith.andi %ge3A_225, %lt3A_226 : vector<16xi1>
      %convert_element_type3A_228 = arith.extui %and3A_227 : vector<16xi1> to vector<16xi32>
      %broadcast_in_dim3A_229 = arith.constant true
      %broadcast_in_dim3A_230 = vector.broadcast %broadcast_in_dim3A_229 : i1 to vector<16xi1>
      %masked_cumsum3A = tpu.scan <sum>, %convert_element_type3A_228 masked %broadcast_in_dim3A_230 : vector<16xi32>, vector<16xi1> -> vector<16xi32>
      %add3A_231 = arith.addi %scan3A_220, %masked_cumsum3A : vector<16xi32>
      %sub3A_232 = arith.constant 1 : i32
      %sub3A_233 = vector.broadcast %sub3A_232 : i32 to vector<16xi32>
      %sub3A_234 = arith.subi %add3A_231, %sub3A_233 : vector<16xi32>
      tpu.vector_store_idx %arg6[%sub3A_234], %get3A_224 masked %and3A_227 : memref<1024xi32, #tpu.memory_space<vmem>>[vector<16xi32>], vector<16xi32>, vector<16xi1>
      %add3A_235 = arith.constant 0 : i32
      %add3A_236 = arith.addi %add3A_235, %multiple_of3A_223 : i32
      %add3A_237 = vector.broadcast %add3A_236 : i32 to vector<16xi32>
      %add3A_238 = arith.addi %add3A_237, %iota3A : vector<16xi32>
      tpu.vector_store_idx %arg7[%sub3A_234], %add3A_238 masked %and3A_227 : memref<1024xi32, #tpu.memory_space<vmem>>[vector<16xi32>], vector<16xi32>, vector<16xi1>
      %all_reduce_population_count3A = tpu.all_reduce %and3A_227 {dim = 0 : i64, kind = #tpu.reduction_kind<sum>} : vector<16xi1> -> vector<16xi32>
      %add3A_239 = arith.addi %scan3A_220, %all_reduce_population_count3A : vector<16xi32>
      scf.yield %add3A_239 : vector<16xi32>
    }
    %scan3A_17 = arith.constant 64 : i32
    "tpu.region"() ({
      %run_scoped3A = tpu.sem_alloc : memref<!tpu.dma_semaphore, #tpu.memory_space<semaphore_mem>>
      %dma_start3A_219 = arith.constant 1024 : i32
      %dma_start3A_220 = tpu.memref_slice %arg2[%dma_start3A_219] : memref<16384xi32, #tpu.memory_space<hbm>> -> memref<1024xi32, #tpu.memory_space<hbm>>
      %dma_start3A_221 = arith.constant 1024 : i32
      %dma_start3A_222 = tpu.memref_slice %arg2[%dma_start3A_221] : memref<16384xi32, #tpu.memory_space<hbm>> -> memref<1024xi32, #tpu.memory_space<hbm>>
      tpu.enqueue_dma source(%dma_start3A_222 : memref<1024xi32, #tpu.memory_space<hbm>>) target(%arg5 : memref<1024xi32, #tpu.memory_space<vmem>>) target_semaphore(%run_scoped3A : memref<!tpu.dma_semaphore, #tpu.memory_space<semaphore_mem>>)
      %dma_wait3A = arith.constant 1024 : i32
      %dma_wait3A_223 = tpu.memref_slice %arg2[%dma_wait3A] : memref<16384xi32, #tpu.memory_space<hbm>> -> memref<1024xi32, #tpu.memory_space<hbm>>
      %dma_wait3A_224 = arith.constant 1024 : i32
      %dma_wait3A_225 = tpu.memref_slice %arg2[%dma_wait3A_224] : memref<16384xi32, #tpu.memory_space<hbm>> -> memref<1024xi32, #tpu.memory_space<hbm>>
      tpu.wait_dma2 semaphore(%run_scoped3A : memref<!tpu.dma_semaphore, #tpu.memory_space<semaphore_mem>>) src(%dma_wait3A_225 : memref<1024xi32, #tpu.memory_space<hbm>>) dst(%arg5 : memref<1024xi32, #tpu.memory_space<vmem>>)
      tpu.yield
    }) : () -> ()
    %scan3A_18 = arith.constant 0 : i32
    %scan3A_19 = arith.constant 64 : i32
    %scan3A_20 = arith.addi %scan3A_18, %scan3A_19 : i32
    %scan3A_21 = arith.constant 1 : i32
    %scan3A_22 = scf.for %scan3A_219 = %scan3A_18 to %scan3A_20 step %scan3A_21 iter_args(%scan3A_220 = %scan3A_16) -> (vector<16xi32>)  : i32 {
      %mul3A_221 = arith.constant 16 : i32
      %mul3A_222 = arith.muli %scan3A_219, %mul3A_221 : i32
      %multiple_of3A_223 = tpu.assume_multiple %mul3A_222, 16 : i32
      %get3A = arith.index_cast %multiple_of3A_223 : i32 to index
      %get3A_224 = tpu.vector_load %arg5[%get3A] {strides = array<i32>} : memref<1024xi32, #tpu.memory_space<vmem>>, vector<16xi32>,
      %ge3A = vector.broadcast %mul3A_2 : i32 to vector<16xi32>
      %ge3A_225 = arith.cmpi sge, %get3A_224, %ge3A : vector<16xi32>
      %lt3A = vector.broadcast %select_n3A : i32 to vector<16xi32>
      %lt3A_226 = arith.cmpi slt, %get3A_224, %lt3A : vector<16xi32>
      %and3A_227 = arith.andi %ge3A_225, %lt3A_226 : vector<16xi1>
      %convert_element_type3A_228 = arith.extui %and3A_227 : vector<16xi1> to vector<16xi32>
      %broadcast_in_dim3A_229 = arith.constant true
      %broadcast_in_dim3A_230 = vector.broadcast %broadcast_in_dim3A_229 : i1 to vector<16xi1>
      %masked_cumsum3A = tpu.scan <sum>, %convert_element_type3A_228 masked %broadcast_in_dim3A_230 : vector<16xi32>, vector<16xi1> -> vector<16xi32>
      %add3A_231 = arith.addi %scan3A_220, %masked_cumsum3A : vector<16xi32>
      %sub3A_232 = arith.constant 1 : i32
      %sub3A_233 = vector.broadcast %sub3A_232 : i32 to vector<16xi32>
      %sub3A_234 = arith.subi %add3A_231, %sub3A_233 : vector<16xi32>
      tpu.vector_store_idx %arg6[%sub3A_234], %get3A_224 masked %and3A_227 : memref<1024xi32, #tpu.memory_space<vmem>>[vector<16xi32>], vector<16xi32>, vector<16xi1>
      %add3A_235 = arith.constant 1024 : i32
      %add3A_236 = arith.addi %add3A_235, %multiple_of3A_223 : i32
      %add3A_237 = vector.broadcast %add3A_236 : i32 to vector<16xi32>
      %add3A_238 = arith.addi %add3A_237, %iota3A : vector<16xi32>
      tpu.vector_store_idx %arg7[%sub3A_234], %add3A_238 masked %and3A_227 : memref<1024xi32, #tpu.memory_space<vmem>>[vector<16xi32>], vector<16xi32>, vector<16xi1>
      %all_reduce_population_count3A = tpu.all_reduce %and3A_227 {dim = 0 : i64, kind = #tpu.reduction_kind<sum>} : vector<16xi1> -> vector<16xi32>
      %add3A_239 = arith.addi %scan3A_220, %all_reduce_population_count3A : vector<16xi32>
      scf.yield %add3A_239 : vector<16xi32>
    }
    %scan3A_23 = arith.constant 64 : i32
    "tpu.region"() ({
      %run_scoped3A = tpu.sem_alloc : memref<!tpu.dma_semaphore, #tpu.memory_space<semaphore_mem>>
      %dma_start3A_219 = arith.constant 2048 : i32
      %dma_start3A_220 = tpu.memref_slice %arg2[%dma_start3A_219] : memref<16384xi32, #tpu.memory_space<hbm>> -> memref<1024xi32, #tpu.memory_space<hbm>>
      %dma_start3A_221 = arith.constant 2048 : i32
      %dma_start3A_222 = tpu.memref_slice %arg2[%dma_start3A_221] : memref<16384xi32, #tpu.memory_space<hbm>> -> memref<1024xi32, #tpu.memory_space<hbm>>
      tpu.enqueue_dma source(%dma_start3A_222 : memref<1024xi32, #tpu.memory_space<hbm>>) target(%arg5 : memref<1024xi32, #tpu.memory_space<vmem>>) target_semaphore(%run_scoped3A : memref<!tpu.dma_semaphore, #tpu.memory_space<semaphore_mem>>)
      %dma_wait3A = arith.constant 2048 : i32
      %dma_wait3A_223 = tpu.memref_slice %arg2[%dma_wait3A] : memref<16384xi32, #tpu.memory_space<hbm>> -> memref<1024xi32, #tpu.memory_space<hbm>>
      %dma_wait3A_224 = arith.constant 2048 : i32
      %dma_wait3A_225 = tpu.memref_slice %arg2[%dma_wait3A_224] : memref<16384xi32, #tpu.memory_space<hbm>> -> memref<1024xi32, #tpu.memory_space<hbm>>
      tpu.wait_dma2 semaphore(%run_scoped3A : memref<!tpu.dma_semaphore, #tpu.memory_space<semaphore_mem>>) src(%dma_wait3A_225 : memref<1024xi32, #tpu.memory_space<hbm>>) dst(%arg5 : memref<1024xi32, #tpu.memory_space<vmem>>)
      tpu.yield
    }) : () -> ()
    %scan3A_24 = arith.constant 0 : i32
    %scan3A_25 = arith.constant 64 : i32
    %scan3A_26 = arith.addi %scan3A_24, %scan3A_25 : i32
    %scan3A_27 = arith.constant 1 : i32
    %scan3A_28 = scf.for %scan3A_219 = %scan3A_24 to %scan3A_26 step %scan3A_27 iter_args(%scan3A_220 = %scan3A_22) -> (vector<16xi32>)  : i32 {
      %mul3A_221 = arith.constant 16 : i32
      %mul3A_222 = arith.muli %scan3A_219, %mul3A_221 : i32
      %multiple_of3A_223 = tpu.assume_multiple %mul3A_222, 16 : i32
      %get3A = arith.index_cast %multiple_of3A_223 : i32 to index
      %get3A_224 = tpu.vector_load %arg5[%get3A] {strides = array<i32>} : memref<1024xi32, #tpu.memory_space<vmem>>, vector<16xi32>,
      %ge3A = vector.broadcast %mul3A_2 : i32 to vector<16xi32>
      %ge3A_225 = arith.cmpi sge, %get3A_224, %ge3A : vector<16xi32>
      %lt3A = vector.broadcast %select_n3A : i32 to vector<16xi32>
      %lt3A_226 = arith.cmpi slt, %get3A_224, %lt3A : vector<16xi32>
      %and3A_227 = arith.andi %ge3A_225, %lt3A_226 : vector<16xi1>
      %convert_element_type3A_228 = arith.extui %and3A_227 : vector<16xi1> to vector<16xi32>
      %broadcast_in_dim3A_229 = arith.constant true
      %broadcast_in_dim3A_230 = vector.broadcast %broadcast_in_dim3A_229 : i1 to vector<16xi1>
      %masked_cumsum3A = tpu.scan <sum>, %convert_element_type3A_228 masked %broadcast_in_dim3A_230 : vector<16xi32>, vector<16xi1> -> vector<16xi32>
      %add3A_231 = arith.addi %scan3A_220, %masked_cumsum3A : vector<16xi32>
      %sub3A_232 = arith.constant 1 : i32
      %sub3A_233 = vector.broadcast %sub3A_232 : i32 to vector<16xi32>
      %sub3A_234 = arith.subi %add3A_231, %sub3A_233 : vector<16xi32>
      tpu.vector_store_idx %arg6[%sub3A_234], %get3A_224 masked %and3A_227 : memref<1024xi32, #tpu.memory_space<vmem>>[vector<16xi32>], vector<16xi32>, vector<16xi1>
      %add3A_235 = arith.constant 2048 : i32
      %add3A_236 = arith.addi %add3A_235, %multiple_of3A_223 : i32
      %add3A_237 = vector.broadcast %add3A_236 : i32 to vector<16xi32>
      %add3A_238 = arith.addi %add3A_237, %iota3A : vector<16xi32>
      tpu.vector_store_idx %arg7[%sub3A_234], %add3A_238 masked %and3A_227 : memref<1024xi32, #tpu.memory_space<vmem>>[vector<16xi32>], vector<16xi32>, vector<16xi1>
      %all_reduce_population_count3A = tpu.all_reduce %and3A_227 {dim = 0 : i64, kind = #tpu.reduction_kind<sum>} : vector<16xi1> -> vector<16xi32>
      %add3A_239 = arith.addi %scan3A_220, %all_reduce_population_count3A : vector<16xi32>
      scf.yield %add3A_239 : vector<16xi32>
    }
    %scan3A_29 = arith.constant 64 : i32
    "tpu.region"() ({
      %run_scoped3A = tpu.sem_alloc : memref<!tpu.dma_semaphore, #tpu.memory_space<semaphore_mem>>
      %dma_start3A_219 = arith.constant 3072 : i32
      %dma_start3A_220 = tpu.memref_slice %arg2[%dma_start3A_219] : memref<16384xi32, #tpu.memory_space<hbm>> -> memref<1024xi32, #tpu.memory_space<hbm>>
      %dma_start3A_221 = arith.constant 3072 : i32
      %dma_start3A_222 = tpu.memref_slice %arg2[%dma_start3A_221] : memref<16384xi32, #tpu.memory_space<hbm>> -> memref<1024xi32, #tpu.memory_space<hbm>>
      tpu.enqueue_dma source(%dma_start3A_222 : memref<1024xi32, #tpu.memory_space<hbm>>) target(%arg5 : memref<1024xi32, #tpu.memory_space<vmem>>) target_semaphore(%run_scoped3A : memref<!tpu.dma_semaphore, #tpu.memory_space<semaphore_mem>>)
      %dma_wait3A = arith.constant 3072 : i32
      %dma_wait3A_223 = tpu.memref_slice %arg2[%dma_wait3A] : memref<16384xi32, #tpu.memory_space<hbm>> -> memref<1024xi32, #tpu.memory_space<hbm>>
      %dma_wait3A_224 = arith.constant 3072 : i32
      %dma_wait3A_225 = tpu.memref_slice %arg2[%dma_wait3A_224] : memref<16384xi32, #tpu.memory_space<hbm>> -> memref<1024xi32, #tpu.memory_space<hbm>>
      tpu.wait_dma2 semaphore(%run_scoped3A : memref<!tpu.dma_semaphore, #tpu.memory_space<semaphore_mem>>) src(%dma_wait3A_225 : memref<1024xi32, #tpu.memory_space<hbm>>) dst(%arg5 : memref<1024xi32, #tpu.memory_space<vmem>>)
      tpu.yield
    }) : () -> ()
    %scan3A_30 = arith.constant 0 : i32
    %scan3A_31 = arith.constant 64 : i32
    %scan3A_32 = arith.addi %scan3A_30, %scan3A_31 : i32
    %scan3A_33 = arith.constant 1 : i32
    %scan3A_34 = scf.for %scan3A_219 = %scan3A_30 to %scan3A_32 step %scan3A_33 iter_args(%scan3A_220 = %scan3A_28) -> (vector<16xi32>)  : i32 {
      %mul3A_221 = arith.constant 16 : i32
      %mul3A_222 = arith.muli %scan3A_219, %mul3A_221 : i32
      %multiple_of3A_223 = tpu.assume_multiple %mul3A_222, 16 : i32
      %get3A = arith.index_cast %multiple_of3A_223 : i32 to index
      %get3A_224 = tpu.vector_load %arg5[%get3A] {strides = array<i32>} : memref<1024xi32, #tpu.memory_space<vmem>>, vector<16xi32>,
      %ge3A = vector.broadcast %mul3A_2 : i32 to vector<16xi32>
      %ge3A_225 = arith.cmpi sge, %get3A_224, %ge3A : vector<16xi32>
      %lt3A = vector.broadcast %select_n3A : i32 to vector<16xi32>
      %lt3A_226 = arith.cmpi slt, %get3A_224, %lt3A : vector<16xi32>
      %and3A_227 = arith.andi %ge3A_225, %lt3A_226 : vector<16xi1>
      %convert_element_type3A_228 = arith.extui %and3A_227 : vector<16xi1> to vector<16xi32>
      %broadcast_in_dim3A_229 = arith.constant true
      %broadcast_in_dim3A_230 = vector.broadcast %broadcast_in_dim3A_229 : i1 to vector<16xi1>
      %masked_cumsum3A = tpu.scan <sum>, %convert_element_type3A_228 masked %broadcast_in_dim3A_230 : vector<16xi32>, vector<16xi1> -> vector<16xi32>
      %add3A_231 = arith.addi %scan3A_220, %masked_cumsum3A : vector<16xi32>
      %sub3A_232 = arith.constant 1 : i32
      %sub3A_233 = vector.broadcast %sub3A_232 : i32 to vector<16xi32>
      %sub3A_234 = arith.subi %add3A_231, %sub3A_233 : vector<16xi32>
      tpu.vector_store_idx %arg6[%sub3A_234], %get3A_224 masked %and3A_227 : memref<1024xi32, #tpu.memory_space<vmem>>[vector<16xi32>], vector<16xi32>, vector<16xi1>
      %add3A_235 = arith.constant 3072 : i32
      %add3A_236 = arith.addi %add3A_235, %multiple_of3A_223 : i32
      %add3A_237 = vector.broadcast %add3A_236 : i32 to vector<16xi32>
      %add3A_238 = arith.addi %add3A_237, %iota3A : vector<16xi32>
      tpu.vector_store_idx %arg7[%sub3A_234], %add3A_238 masked %and3A_227 : memref<1024xi32, #tpu.memory_space<vmem>>[vector<16xi32>], vector<16xi32>, vector<16xi1>
      %all_reduce_population_count3A = tpu.all_reduce %and3A_227 {dim = 0 : i64, kind = #tpu.reduction_kind<sum>} : vector<16xi1> -> vector<16xi32>
      %add3A_239 = arith.addi %scan3A_220, %all_reduce_population_count3A : vector<16xi32>
      scf.yield %add3A_239 : vector<16xi32>
    }
    %scan3A_35 = arith.constant 64 : i32
    "tpu.region"() ({
      %run_scoped3A = tpu.sem_alloc : memref<!tpu.dma_semaphore, #tpu.memory_space<semaphore_mem>>
      %dma_start3A_219 = arith.constant 4096 : i32
      %dma_start3A_220 = tpu.memref_slice %arg2[%dma_start3A_219] : memref<16384xi32, #tpu.memory_space<hbm>> -> memref<1024xi32, #tpu.memory_space<hbm>>
      %dma_start3A_221 = arith.constant 4096 : i32
      %dma_start3A_222 = tpu.memref_slice %arg2[%dma_start3A_221] : memref<16384xi32, #tpu.memory_space<hbm>> -> memref<1024xi32, #tpu.memory_space<hbm>>
      tpu.enqueue_dma source(%dma_start3A_222 : memref<1024xi32, #tpu.memory_space<hbm>>) target(%arg5 : memref<1024xi32, #tpu.memory_space<vmem>>) target_semaphore(%run_scoped3A : memref<!tpu.dma_semaphore, #tpu.memory_space<semaphore_mem>>)
      %dma_wait3A = arith.constant 4096 : i32
      %dma_wait3A_223 = tpu.memref_slice %arg2[%dma_wait3A] : memref<16384xi32, #tpu.memory_space<hbm>> -> memref<1024xi32, #tpu.memory_space<hbm>>
      %dma_wait3A_224 = arith.constant 4096 : i32
      %dma_wait3A_225 = tpu.memref_slice %arg2[%dma_wait3A_224] : memref<16384xi32, #tpu.memory_space<hbm>> -> memref<1024xi32, #tpu.memory_space<hbm>>
      tpu.wait_dma2 semaphore(%run_scoped3A : memref<!tpu.dma_semaphore, #tpu.memory_space<semaphore_mem>>) src(%dma_wait3A_225 : memref<1024xi32, #tpu.memory_space<hbm>>) dst(%arg5 : memref<1024xi32, #tpu.memory_space<vmem>>)
      tpu.yield
    }) : () -> ()
    %scan3A_36 = arith.constant 0 : i32
    %scan3A_37 = arith.constant 64 : i32
    %scan3A_38 = arith.addi %scan3A_36, %scan3A_37 : i32
    %scan3A_39 = arith.constant 1 : i32
    %scan3A_40 = scf.for %scan3A_219 = %scan3A_36 to %scan3A_38 step %scan3A_39 iter_args(%scan3A_220 = %scan3A_34) -> (vector<16xi32>)  : i32 {
      %mul3A_221 = arith.constant 16 : i32
      %mul3A_222 = arith.muli %scan3A_219, %mul3A_221 : i32
      %multiple_of3A_223 = tpu.assume_multiple %mul3A_222, 16 : i32
      %get3A = arith.index_cast %multiple_of3A_223 : i32 to index
      %get3A_224 = tpu.vector_load %arg5[%get3A] {strides = array<i32>} : memref<1024xi32, #tpu.memory_space<vmem>>, vector<16xi32>,
      %ge3A = vector.broadcast %mul3A_2 : i32 to vector<16xi32>
      %ge3A_225 = arith.cmpi sge, %get3A_224, %ge3A : vector<16xi32>
      %lt3A = vector.broadcast %select_n3A : i32 to vector<16xi32>
      %lt3A_226 = arith.cmpi slt, %get3A_224, %lt3A : vector<16xi32>
      %and3A_227 = arith.andi %ge3A_225, %lt3A_226 : vector<16xi1>
      %convert_element_type3A_228 = arith.extui %and3A_227 : vector<16xi1> to vector<16xi32>
      %broadcast_in_dim3A_229 = arith.constant true
      %broadcast_in_dim3A_230 = vector.broadcast %broadcast_in_dim3A_229 : i1 to vector<16xi1>
      %masked_cumsum3A = tpu.scan <sum>, %convert_element_type3A_228 masked %broadcast_in_dim3A_230 : vector<16xi32>, vector<16xi1> -> vector<16xi32>
      %add3A_231 = arith.addi %scan3A_220, %masked_cumsum3A : vector<16xi32>
      %sub3A_232 = arith.constant 1 : i32
      %sub3A_233 = vector.broadcast %sub3A_232 : i32 to vector<16xi32>
      %sub3A_234 = arith.subi %add3A_231, %sub3A_233 : vector<16xi32>
      tpu.vector_store_idx %arg6[%sub3A_234], %get3A_224 masked %and3A_227 : memref<1024xi32, #tpu.memory_space<vmem>>[vector<16xi32>], vector<16xi32>, vector<16xi1>
      %add3A_235 = arith.constant 4096 : i32
      %add3A_236 = arith.addi %add3A_235, %multiple_of3A_223 : i32
      %add3A_237 = vector.broadcast %add3A_236 : i32 to vector<16xi32>
      %add3A_238 = arith.addi %add3A_237, %iota3A : vector<16xi32>
      tpu.vector_store_idx %arg7[%sub3A_234], %add3A_238 masked %and3A_227 : memref<1024xi32, #tpu.memory_space<vmem>>[vector<16xi32>], vector<16xi32>, vector<16xi1>
      %all_reduce_population_count3A = tpu.all_reduce %and3A_227 {dim = 0 : i64, kind = #tpu.reduction_kind<sum>} : vector<16xi1> -> vector<16xi32>
      %add3A_239 = arith.addi %scan3A_220, %all_reduce_population_count3A : vector<16xi32>
      scf.yield %add3A_239 : vector<16xi32>
    }
    %scan3A_41 = arith.constant 64 : i32
    "tpu.region"() ({
      %run_scoped3A = tpu.sem_alloc : memref<!tpu.dma_semaphore, #tpu.memory_space<semaphore_mem>>
      %dma_start3A_219 = arith.constant 5120 : i32
      %dma_start3A_220 = tpu.memref_slice %arg2[%dma_start3A_219] : memref<16384xi32, #tpu.memory_space<hbm>> -> memref<1024xi32, #tpu.memory_space<hbm>>
      %dma_start3A_221 = arith.constant 5120 : i32
      %dma_start3A_222 = tpu.memref_slice %arg2[%dma_start3A_221] : memref<16384xi32, #tpu.memory_space<hbm>> -> memref<1024xi32, #tpu.memory_space<hbm>>
      tpu.enqueue_dma source(%dma_start3A_222 : memref<1024xi32, #tpu.memory_space<hbm>>) target(%arg5 : memref<1024xi32, #tpu.memory_space<vmem>>) target_semaphore(%run_scoped3A : memref<!tpu.dma_semaphore, #tpu.memory_space<semaphore_mem>>)
      %dma_wait3A = arith.constant 5120 : i32
      %dma_wait3A_223 = tpu.memref_slice %arg2[%dma_wait3A] : memref<16384xi32, #tpu.memory_space<hbm>> -> memref<1024xi32, #tpu.memory_space<hbm>>
      %dma_wait3A_224 = arith.constant 5120 : i32
      %dma_wait3A_225 = tpu.memref_slice %arg2[%dma_wait3A_224] : memref<16384xi32, #tpu.memory_space<hbm>> -> memref<1024xi32, #tpu.memory_space<hbm>>
      tpu.wait_dma2 semaphore(%run_scoped3A : memref<!tpu.dma_semaphore, #tpu.memory_space<semaphore_mem>>) src(%dma_wait3A_225 : memref<1024xi32, #tpu.memory_space<hbm>>) dst(%arg5 : memref<1024xi32, #tpu.memory_space<vmem>>)
      tpu.yield
    }) : () -> ()
    %scan3A_42 = arith.constant 0 : i32
    %scan3A_43 = arith.constant 64 : i32
    %scan3A_44 = arith.addi %scan3A_42, %scan3A_43 : i32
    %scan3A_45 = arith.constant 1 : i32
    %scan3A_46 = scf.for %scan3A_219 = %scan3A_42 to %scan3A_44 step %scan3A_45 iter_args(%scan3A_220 = %scan3A_40) -> (vector<16xi32>)  : i32 {
      %mul3A_221 = arith.constant 16 : i32
      %mul3A_222 = arith.muli %scan3A_219, %mul3A_221 : i32
      %multiple_of3A_223 = tpu.assume_multiple %mul3A_222, 16 : i32
      %get3A = arith.index_cast %multiple_of3A_223 : i32 to index
      %get3A_224 = tpu.vector_load %arg5[%get3A] {strides = array<i32>} : memref<1024xi32, #tpu.memory_space<vmem>>, vector<16xi32>,
      %ge3A = vector.broadcast %mul3A_2 : i32 to vector<16xi32>
      %ge3A_225 = arith.cmpi sge, %get3A_224, %ge3A : vector<16xi32>
      %lt3A = vector.broadcast %select_n3A : i32 to vector<16xi32>
      %lt3A_226 = arith.cmpi slt, %get3A_224, %lt3A : vector<16xi32>
      %and3A_227 = arith.andi %ge3A_225, %lt3A_226 : vector<16xi1>
      %convert_element_type3A_228 = arith.extui %and3A_227 : vector<16xi1> to vector<16xi32>
      %broadcast_in_dim3A_229 = arith.constant true
      %broadcast_in_dim3A_230 = vector.broadcast %broadcast_in_dim3A_229 : i1 to vector<16xi1>
      %masked_cumsum3A = tpu.scan <sum>, %convert_element_type3A_228 masked %broadcast_in_dim3A_230 : vector<16xi32>, vector<16xi1> -> vector<16xi32>
      %add3A_231 = arith.addi %scan3A_220, %masked_cumsum3A : vector<16xi32>
      %sub3A_232 = arith.constant 1 : i32
      %sub3A_233 = vector.broadcast %sub3A_232 : i32 to vector<16xi32>
      %sub3A_234 = arith.subi %add3A_231, %sub3A_233 : vector<16xi32>
      tpu.vector_store_idx %arg6[%sub3A_234], %get3A_224 masked %and3A_227 : memref<1024xi32, #tpu.memory_space<vmem>>[vector<16xi32>], vector<16xi32>, vector<16xi1>
      %add3A_235 = arith.constant 5120 : i32
      %add3A_236 = arith.addi %add3A_235, %multiple_of3A_223 : i32
      %add3A_237 = vector.broadcast %add3A_236 : i32 to vector<16xi32>
      %add3A_238 = arith.addi %add3A_237, %iota3A : vector<16xi32>
      tpu.vector_store_idx %arg7[%sub3A_234], %add3A_238 masked %and3A_227 : memref<1024xi32, #tpu.memory_space<vmem>>[vector<16xi32>], vector<16xi32>, vector<16xi1>
      %all_reduce_population_count3A = tpu.all_reduce %and3A_227 {dim = 0 : i64, kind = #tpu.reduction_kind<sum>} : vector<16xi1> -> vector<16xi32>
      %add3A_239 = arith.addi %scan3A_220, %all_reduce_population_count3A : vector<16xi32>
      scf.yield %add3A_239 : vector<16xi32>
    }
    %scan3A_47 = arith.constant 64 : i32
    "tpu.region"() ({
      %run_scoped3A = tpu.sem_alloc : memref<!tpu.dma_semaphore, #tpu.memory_space<semaphore_mem>>
      %dma_start3A_219 = arith.constant 6144 : i32
      %dma_start3A_220 = tpu.memref_slice %arg2[%dma_start3A_219] : memref<16384xi32, #tpu.memory_space<hbm>> -> memref<1024xi32, #tpu.memory_space<hbm>>
      %dma_start3A_221 = arith.constant 6144 : i32
      %dma_start3A_222 = tpu.memref_slice %arg2[%dma_start3A_221] : memref<16384xi32, #tpu.memory_space<hbm>> -> memref<1024xi32, #tpu.memory_space<hbm>>
      tpu.enqueue_dma source(%dma_start3A_222 : memref<1024xi32, #tpu.memory_space<hbm>>) target(%arg5 : memref<1024xi32, #tpu.memory_space<vmem>>) target_semaphore(%run_scoped3A : memref<!tpu.dma_semaphore, #tpu.memory_space<semaphore_mem>>)
      %dma_wait3A = arith.constant 6144 : i32
      %dma_wait3A_223 = tpu.memref_slice %arg2[%dma_wait3A] : memref<16384xi32, #tpu.memory_space<hbm>> -> memref<1024xi32, #tpu.memory_space<hbm>>
      %dma_wait3A_224 = arith.constant 6144 : i32
      %dma_wait3A_225 = tpu.memref_slice %arg2[%dma_wait3A_224] : memref<16384xi32, #tpu.memory_space<hbm>> -> memref<1024xi32, #tpu.memory_space<hbm>>
      tpu.wait_dma2 semaphore(%run_scoped3A : memref<!tpu.dma_semaphore, #tpu.memory_space<semaphore_mem>>) src(%dma_wait3A_225 : memref<1024xi32, #tpu.memory_space<hbm>>) dst(%arg5 : memref<1024xi32, #tpu.memory_space<vmem>>)
      tpu.yield
    }) : () -> ()
    %scan3A_48 = arith.constant 0 : i32
    %scan3A_49 = arith.constant 64 : i32
    %scan3A_50 = arith.addi %scan3A_48, %scan3A_49 : i32
    %scan3A_51 = arith.constant 1 : i32
    %scan3A_52 = scf.for %scan3A_219 = %scan3A_48 to %scan3A_50 step %scan3A_51 iter_args(%scan3A_220 = %scan3A_46) -> (vector<16xi32>)  : i32 {
      %mul3A_221 = arith.constant 16 : i32
      %mul3A_222 = arith.muli %scan3A_219, %mul3A_221 : i32
      %multiple_of3A_223 = tpu.assume_multiple %mul3A_222, 16 : i32
      %get3A = arith.index_cast %multiple_of3A_223 : i32 to index
      %get3A_224 = tpu.vector_load %arg5[%get3A] {strides = array<i32>} : memref<1024xi32, #tpu.memory_space<vmem>>, vector<16xi32>,
      %ge3A = vector.broadcast %mul3A_2 : i32 to vector<16xi32>
      %ge3A_225 = arith.cmpi sge, %get3A_224, %ge3A : vector<16xi32>
      %lt3A = vector.broadcast %select_n3A : i32 to vector<16xi32>
      %lt3A_226 = arith.cmpi slt, %get3A_224, %lt3A : vector<16xi32>
      %and3A_227 = arith.andi %ge3A_225, %lt3A_226 : vector<16xi1>
      %convert_element_type3A_228 = arith.extui %and3A_227 : vector<16xi1> to vector<16xi32>
      %broadcast_in_dim3A_229 = arith.constant true
      %broadcast_in_dim3A_230 = vector.broadcast %broadcast_in_dim3A_229 : i1 to vector<16xi1>
      %masked_cumsum3A = tpu.scan <sum>, %convert_element_type3A_228 masked %broadcast_in_dim3A_230 : vector<16xi32>, vector<16xi1> -> vector<16xi32>
      %add3A_231 = arith.addi %scan3A_220, %masked_cumsum3A : vector<16xi32>
      %sub3A_232 = arith.constant 1 : i32
      %sub3A_233 = vector.broadcast %sub3A_232 : i32 to vector<16xi32>
      %sub3A_234 = arith.subi %add3A_231, %sub3A_233 : vector<16xi32>
      tpu.vector_store_idx %arg6[%sub3A_234], %get3A_224 masked %and3A_227 : memref<1024xi32, #tpu.memory_space<vmem>>[vector<16xi32>], vector<16xi32>, vector<16xi1>
      %add3A_235 = arith.constant 6144 : i32
      %add3A_236 = arith.addi %add3A_235, %multiple_of3A_223 : i32
      %add3A_237 = vector.broadcast %add3A_236 : i32 to vector<16xi32>
      %add3A_238 = arith.addi %add3A_237, %iota3A : vector<16xi32>
      tpu.vector_store_idx %arg7[%sub3A_234], %add3A_238 masked %and3A_227 : memref<1024xi32, #tpu.memory_space<vmem>>[vector<16xi32>], vector<16xi32>, vector<16xi1>
      %all_reduce_population_count3A = tpu.all_reduce %and3A_227 {dim = 0 : i64, kind = #tpu.reduction_kind<sum>} : vector<16xi1> -> vector<16xi32>
      %add3A_239 = arith.addi %scan3A_220, %all_reduce_population_count3A : vector<16xi32>
      scf.yield %add3A_239 : vector<16xi32>
    }
    %scan3A_53 = arith.constant 64 : i32
    "tpu.region"() ({
      %run_scoped3A = tpu.sem_alloc : memref<!tpu.dma_semaphore, #tpu.memory_space<semaphore_mem>>
      %dma_start3A_219 = arith.constant 7168 : i32
      %dma_start3A_220 = tpu.memref_slice %arg2[%dma_start3A_219] : memref<16384xi32, #tpu.memory_space<hbm>> -> memref<1024xi32, #tpu.memory_space<hbm>>
      %dma_start3A_221 = arith.constant 7168 : i32
      %dma_start3A_222 = tpu.memref_slice %arg2[%dma_start3A_221] : memref<16384xi32, #tpu.memory_space<hbm>> -> memref<1024xi32, #tpu.memory_space<hbm>>
      tpu.enqueue_dma source(%dma_start3A_222 : memref<1024xi32, #tpu.memory_space<hbm>>) target(%arg5 : memref<1024xi32, #tpu.memory_space<vmem>>) target_semaphore(%run_scoped3A : memref<!tpu.dma_semaphore, #tpu.memory_space<semaphore_mem>>)
      %dma_wait3A = arith.constant 7168 : i32
      %dma_wait3A_223 = tpu.memref_slice %arg2[%dma_wait3A] : memref<16384xi32, #tpu.memory_space<hbm>> -> memref<1024xi32, #tpu.memory_space<hbm>>
      %dma_wait3A_224 = arith.constant 7168 : i32
      %dma_wait3A_225 = tpu.memref_slice %arg2[%dma_wait3A_224] : memref<16384xi32, #tpu.memory_space<hbm>> -> memref<1024xi32, #tpu.memory_space<hbm>>
      tpu.wait_dma2 semaphore(%run_scoped3A : memref<!tpu.dma_semaphore, #tpu.memory_space<semaphore_mem>>) src(%dma_wait3A_225 : memref<1024xi32, #tpu.memory_space<hbm>>) dst(%arg5 : memref<1024xi32, #tpu.memory_space<vmem>>)
      tpu.yield
    }) : () -> ()
    %scan3A_54 = arith.constant 0 : i32
    %scan3A_55 = arith.constant 64 : i32
    %scan3A_56 = arith.addi %scan3A_54, %scan3A_55 : i32
    %scan3A_57 = arith.constant 1 : i32
    %scan3A_58 = scf.for %scan3A_219 = %scan3A_54 to %scan3A_56 step %scan3A_57 iter_args(%scan3A_220 = %scan3A_52) -> (vector<16xi32>)  : i32 {
      %mul3A_221 = arith.constant 16 : i32
      %mul3A_222 = arith.muli %scan3A_219, %mul3A_221 : i32
      %multiple_of3A_223 = tpu.assume_multiple %mul3A_222, 16 : i32
      %get3A = arith.index_cast %multiple_of3A_223 : i32 to index
      %get3A_224 = tpu.vector_load %arg5[%get3A] {strides = array<i32>} : memref<1024xi32, #tpu.memory_space<vmem>>, vector<16xi32>,
      %ge3A = vector.broadcast %mul3A_2 : i32 to vector<16xi32>
      %ge3A_225 = arith.cmpi sge, %get3A_224, %ge3A : vector<16xi32>
      %lt3A = vector.broadcast %select_n3A : i32 to vector<16xi32>
      %lt3A_226 = arith.cmpi slt, %get3A_224, %lt3A : vector<16xi32>
      %and3A_227 = arith.andi %ge3A_225, %lt3A_226 : vector<16xi1>
      %convert_element_type3A_228 = arith.extui %and3A_227 : vector<16xi1> to vector<16xi32>
      %broadcast_in_dim3A_229 = arith.constant true
      %broadcast_in_dim3A_230 = vector.broadcast %broadcast_in_dim3A_229 : i1 to vector<16xi1>
      %masked_cumsum3A = tpu.scan <sum>, %convert_element_type3A_228 masked %broadcast_in_dim3A_230 : vector<16xi32>, vector<16xi1> -> vector<16xi32>
      %add3A_231 = arith.addi %scan3A_220, %masked_cumsum3A : vector<16xi32>
      %sub3A_232 = arith.constant 1 : i32
      %sub3A_233 = vector.broadcast %sub3A_232 : i32 to vector<16xi32>
      %sub3A_234 = arith.subi %add3A_231, %sub3A_233 : vector<16xi32>
      tpu.vector_store_idx %arg6[%sub3A_234], %get3A_224 masked %and3A_227 : memref<1024xi32, #tpu.memory_space<vmem>>[vector<16xi32>], vector<16xi32>, vector<16xi1>
      %add3A_235 = arith.constant 7168 : i32
      %add3A_236 = arith.addi %add3A_235, %multiple_of3A_223 : i32
      %add3A_237 = vector.broadcast %add3A_236 : i32 to vector<16xi32>
      %add3A_238 = arith.addi %add3A_237, %iota3A : vector<16xi32>
      tpu.vector_store_idx %arg7[%sub3A_234], %add3A_238 masked %and3A_227 : memref<1024xi32, #tpu.memory_space<vmem>>[vector<16xi32>], vector<16xi32>, vector<16xi1>
      %all_reduce_population_count3A = tpu.all_reduce %and3A_227 {dim = 0 : i64, kind = #tpu.reduction_kind<sum>} : vector<16xi1> -> vector<16xi32>
      %add3A_239 = arith.addi %scan3A_220, %all_reduce_population_count3A : vector<16xi32>
      scf.yield %add3A_239 : vector<16xi32>
    }
    %scan3A_59 = arith.constant 64 : i32
    "tpu.region"() ({
      %run_scoped3A = tpu.sem_alloc : memref<!tpu.dma_semaphore, #tpu.memory_space<semaphore_mem>>
      %dma_start3A_219 = arith.constant 8192 : i32
      %dma_start3A_220 = tpu.memref_slice %arg2[%dma_start3A_219] : memref<16384xi32, #tpu.memory_space<hbm>> -> memref<1024xi32, #tpu.memory_space<hbm>>
      %dma_start3A_221 = arith.constant 8192 : i32
      %dma_start3A_222 = tpu.memref_slice %arg2[%dma_start3A_221] : memref<16384xi32, #tpu.memory_space<hbm>> -> memref<1024xi32, #tpu.memory_space<hbm>>
      tpu.enqueue_dma source(%dma_start3A_222 : memref<1024xi32, #tpu.memory_space<hbm>>) target(%arg5 : memref<1024xi32, #tpu.memory_space<vmem>>) target_semaphore(%run_scoped3A : memref<!tpu.dma_semaphore, #tpu.memory_space<semaphore_mem>>)
      %dma_wait3A = arith.constant 8192 : i32
      %dma_wait3A_223 = tpu.memref_slice %arg2[%dma_wait3A] : memref<16384xi32, #tpu.memory_space<hbm>> -> memref<1024xi32, #tpu.memory_space<hbm>>
      %dma_wait3A_224 = arith.constant 8192 : i32
      %dma_wait3A_225 = tpu.memref_slice %arg2[%dma_wait3A_224] : memref<16384xi32, #tpu.memory_space<hbm>> -> memref<1024xi32, #tpu.memory_space<hbm>>
      tpu.wait_dma2 semaphore(%run_scoped3A : memref<!tpu.dma_semaphore, #tpu.memory_space<semaphore_mem>>) src(%dma_wait3A_225 : memref<1024xi32, #tpu.memory_space<hbm>>) dst(%arg5 : memref<1024xi32, #tpu.memory_space<vmem>>)
      tpu.yield
    }) : () -> ()
    %scan3A_60 = arith.constant 0 : i32
    %scan3A_61 = arith.constant 64 : i32
    %scan3A_62 = arith.addi %scan3A_60, %scan3A_61 : i32
    %scan3A_63 = arith.constant 1 : i32
    %scan3A_64 = scf.for %scan3A_219 = %scan3A_60 to %scan3A_62 step %scan3A_63 iter_args(%scan3A_220 = %scan3A_58) -> (vector<16xi32>)  : i32 {
      %mul3A_221 = arith.constant 16 : i32
      %mul3A_222 = arith.muli %scan3A_219, %mul3A_221 : i32
      %multiple_of3A_223 = tpu.assume_multiple %mul3A_222, 16 : i32
      %get3A = arith.index_cast %multiple_of3A_223 : i32 to index
      %get3A_224 = tpu.vector_load %arg5[%get3A] {strides = array<i32>} : memref<1024xi32, #tpu.memory_space<vmem>>, vector<16xi32>,
      %ge3A = vector.broadcast %mul3A_2 : i32 to vector<16xi32>
      %ge3A_225 = arith.cmpi sge, %get3A_224, %ge3A : vector<16xi32>
      %lt3A = vector.broadcast %select_n3A : i32 to vector<16xi32>
      %lt3A_226 = arith.cmpi slt, %get3A_224, %lt3A : vector<16xi32>
      %and3A_227 = arith.andi %ge3A_225, %lt3A_226 : vector<16xi1>
      %convert_element_type3A_228 = arith.extui %and3A_227 : vector<16xi1> to vector<16xi32>
      %broadcast_in_dim3A_229 = arith.constant true
      %broadcast_in_dim3A_230 = vector.broadcast %broadcast_in_dim3A_229 : i1 to vector<16xi1>
      %masked_cumsum3A = tpu.scan <sum>, %convert_element_type3A_228 masked %broadcast_in_dim3A_230 : vector<16xi32>, vector<16xi1> -> vector<16xi32>
      %add3A_231 = arith.addi %scan3A_220, %masked_cumsum3A : vector<16xi32>
      %sub3A_232 = arith.constant 1 : i32
      %sub3A_233 = vector.broadcast %sub3A_232 : i32 to vector<16xi32>
      %sub3A_234 = arith.subi %add3A_231, %sub3A_233 : vector<16xi32>
      tpu.vector_store_idx %arg6[%sub3A_234], %get3A_224 masked %and3A_227 : memref<1024xi32, #tpu.memory_space<vmem>>[vector<16xi32>], vector<16xi32>, vector<16xi1>
      %add3A_235 = arith.constant 8192 : i32
      %add3A_236 = arith.addi %add3A_235, %multiple_of3A_223 : i32
      %add3A_237 = vector.broadcast %add3A_236 : i32 to vector<16xi32>
      %add3A_238 = arith.addi %add3A_237, %iota3A : vector<16xi32>
      tpu.vector_store_idx %arg7[%sub3A_234], %add3A_238 masked %and3A_227 : memref<1024xi32, #tpu.memory_space<vmem>>[vector<16xi32>], vector<16xi32>, vector<16xi1>
      %all_reduce_population_count3A = tpu.all_reduce %and3A_227 {dim = 0 : i64, kind = #tpu.reduction_kind<sum>} : vector<16xi1> -> vector<16xi32>
      %add3A_239 = arith.addi %scan3A_220, %all_reduce_population_count3A : vector<16xi32>
      scf.yield %add3A_239 : vector<16xi32>
    }
    %scan3A_65 = arith.constant 64 : i32
    "tpu.region"() ({
      %run_scoped3A = tpu.sem_alloc : memref<!tpu.dma_semaphore, #tpu.memory_space<semaphore_mem>>
      %dma_start3A_219 = arith.constant 9216 : i32
      %dma_start3A_220 = tpu.memref_slice %arg2[%dma_start3A_219] : memref<16384xi32, #tpu.memory_space<hbm>> -> memref<1024xi32, #tpu.memory_space<hbm>>
      %dma_start3A_221 = arith.constant 9216 : i32
      %dma_start3A_222 = tpu.memref_slice %arg2[%dma_start3A_221] : memref<16384xi32, #tpu.memory_space<hbm>> -> memref<1024xi32, #tpu.memory_space<hbm>>
      tpu.enqueue_dma source(%dma_start3A_222 : memref<1024xi32, #tpu.memory_space<hbm>>) target(%arg5 : memref<1024xi32, #tpu.memory_space<vmem>>) target_semaphore(%run_scoped3A : memref<!tpu.dma_semaphore, #tpu.memory_space<semaphore_mem>>)
      %dma_wait3A = arith.constant 9216 : i32
      %dma_wait3A_223 = tpu.memref_slice %arg2[%dma_wait3A] : memref<16384xi32, #tpu.memory_space<hbm>> -> memref<1024xi32, #tpu.memory_space<hbm>>
      %dma_wait3A_224 = arith.constant 9216 : i32
      %dma_wait3A_225 = tpu.memref_slice %arg2[%dma_wait3A_224] : memref<16384xi32, #tpu.memory_space<hbm>> -> memref<1024xi32, #tpu.memory_space<hbm>>
      tpu.wait_dma2 semaphore(%run_scoped3A : memref<!tpu.dma_semaphore, #tpu.memory_space<semaphore_mem>>) src(%dma_wait3A_225 : memref<1024xi32, #tpu.memory_space<hbm>>) dst(%arg5 : memref<1024xi32, #tpu.memory_space<vmem>>)
      tpu.yield
    }) : () -> ()
    %scan3A_66 = arith.constant 0 : i32
    %scan3A_67 = arith.constant 64 : i32
    %scan3A_68 = arith.addi %scan3A_66, %scan3A_67 : i32
    %scan3A_69 = arith.constant 1 : i32
    %scan3A_70 = scf.for %scan3A_219 = %scan3A_66 to %scan3A_68 step %scan3A_69 iter_args(%scan3A_220 = %scan3A_64) -> (vector<16xi32>)  : i32 {
      %mul3A_221 = arith.constant 16 : i32
      %mul3A_222 = arith.muli %scan3A_219, %mul3A_221 : i32
      %multiple_of3A_223 = tpu.assume_multiple %mul3A_222, 16 : i32
      %get3A = arith.index_cast %multiple_of3A_223 : i32 to index
      %get3A_224 = tpu.vector_load %arg5[%get3A] {strides = array<i32>} : memref<1024xi32, #tpu.memory_space<vmem>>, vector<16xi32>,
      %ge3A = vector.broadcast %mul3A_2 : i32 to vector<16xi32>
      %ge3A_225 = arith.cmpi sge, %get3A_224, %ge3A : vector<16xi32>
      %lt3A = vector.broadcast %select_n3A : i32 to vector<16xi32>
      %lt3A_226 = arith.cmpi slt, %get3A_224, %lt3A : vector<16xi32>
      %and3A_227 = arith.andi %ge3A_225, %lt3A_226 : vector<16xi1>
      %convert_element_type3A_228 = arith.extui %and3A_227 : vector<16xi1> to vector<16xi32>
      %broadcast_in_dim3A_229 = arith.constant true
      %broadcast_in_dim3A_230 = vector.broadcast %broadcast_in_dim3A_229 : i1 to vector<16xi1>
      %masked_cumsum3A = tpu.scan <sum>, %convert_element_type3A_228 masked %broadcast_in_dim3A_230 : vector<16xi32>, vector<16xi1> -> vector<16xi32>
      %add3A_231 = arith.addi %scan3A_220, %masked_cumsum3A : vector<16xi32>
      %sub3A_232 = arith.constant 1 : i32
      %sub3A_233 = vector.broadcast %sub3A_232 : i32 to vector<16xi32>
      %sub3A_234 = arith.subi %add3A_231, %sub3A_233 : vector<16xi32>
      tpu.vector_store_idx %arg6[%sub3A_234], %get3A_224 masked %and3A_227 : memref<1024xi32, #tpu.memory_space<vmem>>[vector<16xi32>], vector<16xi32>, vector<16xi1>
      %add3A_235 = arith.constant 9216 : i32
      %add3A_236 = arith.addi %add3A_235, %multiple_of3A_223 : i32
      %add3A_237 = vector.broadcast %add3A_236 : i32 to vector<16xi32>
      %add3A_238 = arith.addi %add3A_237, %iota3A : vector<16xi32>
      tpu.vector_store_idx %arg7[%sub3A_234], %add3A_238 masked %and3A_227 : memref<1024xi32, #tpu.memory_space<vmem>>[vector<16xi32>], vector<16xi32>, vector<16xi1>
      %all_reduce_population_count3A = tpu.all_reduce %and3A_227 {dim = 0 : i64, kind = #tpu.reduction_kind<sum>} : vector<16xi1> -> vector<16xi32>
      %add3A_239 = arith.addi %scan3A_220, %all_reduce_population_count3A : vector<16xi32>
      scf.yield %add3A_239 : vector<16xi32>
    }
    %scan3A_71 = arith.constant 64 : i32
    "tpu.region"() ({
      %run_scoped3A = tpu.sem_alloc : memref<!tpu.dma_semaphore, #tpu.memory_space<semaphore_mem>>
      %dma_start3A_219 = arith.constant 10240 : i32
      %dma_start3A_220 = tpu.memref_slice %arg2[%dma_start3A_219] : memref<16384xi32, #tpu.memory_space<hbm>> -> memref<1024xi32, #tpu.memory_space<hbm>>
      %dma_start3A_221 = arith.constant 10240 : i32
      %dma_start3A_222 = tpu.memref_slice %arg2[%dma_start3A_221] : memref<16384xi32, #tpu.memory_space<hbm>> -> memref<1024xi32, #tpu.memory_space<hbm>>
      tpu.enqueue_dma source(%dma_start3A_222 : memref<1024xi32, #tpu.memory_space<hbm>>) target(%arg5 : memref<1024xi32, #tpu.memory_space<vmem>>) target_semaphore(%run_scoped3A : memref<!tpu.dma_semaphore, #tpu.memory_space<semaphore_mem>>)
      %dma_wait3A = arith.constant 10240 : i32
      %dma_wait3A_223 = tpu.memref_slice %arg2[%dma_wait3A] : memref<16384xi32, #tpu.memory_space<hbm>> -> memref<1024xi32, #tpu.memory_space<hbm>>
      %dma_wait3A_224 = arith.constant 10240 : i32
      %dma_wait3A_225 = tpu.memref_slice %arg2[%dma_wait3A_224] : memref<16384xi32, #tpu.memory_space<hbm>> -> memref<1024xi32, #tpu.memory_space<hbm>>
      tpu.wait_dma2 semaphore(%run_scoped3A : memref<!tpu.dma_semaphore, #tpu.memory_space<semaphore_mem>>) src(%dma_wait3A_225 : memref<1024xi32, #tpu.memory_space<hbm>>) dst(%arg5 : memref<1024xi32, #tpu.memory_space<vmem>>)
      tpu.yield
    }) : () -> ()
    %scan3A_72 = arith.constant 0 : i32
    %scan3A_73 = arith.constant 64 : i32
    %scan3A_74 = arith.addi %scan3A_72, %scan3A_73 : i32
    %scan3A_75 = arith.constant 1 : i32
    %scan3A_76 = scf.for %scan3A_219 = %scan3A_72 to %scan3A_74 step %scan3A_75 iter_args(%scan3A_220 = %scan3A_70) -> (vector<16xi32>)  : i32 {
      %mul3A_221 = arith.constant 16 : i32
      %mul3A_222 = arith.muli %scan3A_219, %mul3A_221 : i32
      %multiple_of3A_223 = tpu.assume_multiple %mul3A_222, 16 : i32
      %get3A = arith.index_cast %multiple_of3A_223 : i32 to index
      %get3A_224 = tpu.vector_load %arg5[%get3A] {strides = array<i32>} : memref<1024xi32, #tpu.memory_space<vmem>>, vector<16xi32>,
      %ge3A = vector.broadcast %mul3A_2 : i32 to vector<16xi32>
      %ge3A_225 = arith.cmpi sge, %get3A_224, %ge3A : vector<16xi32>
      %lt3A = vector.broadcast %select_n3A : i32 to vector<16xi32>
      %lt3A_226 = arith.cmpi slt, %get3A_224, %lt3A : vector<16xi32>
      %and3A_227 = arith.andi %ge3A_225, %lt3A_226 : vector<16xi1>
      %convert_element_type3A_228 = arith.extui %and3A_227 : vector<16xi1> to vector<16xi32>
      %broadcast_in_dim3A_229 = arith.constant true
      %broadcast_in_dim3A_230 = vector.broadcast %broadcast_in_dim3A_229 : i1 to vector<16xi1>
      %masked_cumsum3A = tpu.scan <sum>, %convert_element_type3A_228 masked %broadcast_in_dim3A_230 : vector<16xi32>, vector<16xi1> -> vector<16xi32>
      %add3A_231 = arith.addi %scan3A_220, %masked_cumsum3A : vector<16xi32>
      %sub3A_232 = arith.constant 1 : i32
      %sub3A_233 = vector.broadcast %sub3A_232 : i32 to vector<16xi32>
      %sub3A_234 = arith.subi %add3A_231, %sub3A_233 : vector<16xi32>
      tpu.vector_store_idx %arg6[%sub3A_234], %get3A_224 masked %and3A_227 : memref<1024xi32, #tpu.memory_space<vmem>>[vector<16xi32>], vector<16xi32>, vector<16xi1>
      %add3A_235 = arith.constant 10240 : i32
      %add3A_236 = arith.addi %add3A_235, %multiple_of3A_223 : i32
      %add3A_237 = vector.broadcast %add3A_236 : i32 to vector<16xi32>
      %add3A_238 = arith.addi %add3A_237, %iota3A : vector<16xi32>
      tpu.vector_store_idx %arg7[%sub3A_234], %add3A_238 masked %and3A_227 : memref<1024xi32, #tpu.memory_space<vmem>>[vector<16xi32>], vector<16xi32>, vector<16xi1>
      %all_reduce_population_count3A = tpu.all_reduce %and3A_227 {dim = 0 : i64, kind = #tpu.reduction_kind<sum>} : vector<16xi1> -> vector<16xi32>
      %add3A_239 = arith.addi %scan3A_220, %all_reduce_population_count3A : vector<16xi32>
      scf.yield %add3A_239 : vector<16xi32>
    }
    %scan3A_77 = arith.constant 64 : i32
    "tpu.region"() ({
      %run_scoped3A = tpu.sem_alloc : memref<!tpu.dma_semaphore, #tpu.memory_space<semaphore_mem>>
      %dma_start3A_219 = arith.constant 11264 : i32
      %dma_start3A_220 = tpu.memref_slice %arg2[%dma_start3A_219] : memref<16384xi32, #tpu.memory_space<hbm>> -> memref<1024xi32, #tpu.memory_space<hbm>>
      %dma_start3A_221 = arith.constant 11264 : i32
      %dma_start3A_222 = tpu.memref_slice %arg2[%dma_start3A_221] : memref<16384xi32, #tpu.memory_space<hbm>> -> memref<1024xi32, #tpu.memory_space<hbm>>
      tpu.enqueue_dma source(%dma_start3A_222 : memref<1024xi32, #tpu.memory_space<hbm>>) target(%arg5 : memref<1024xi32, #tpu.memory_space<vmem>>) target_semaphore(%run_scoped3A : memref<!tpu.dma_semaphore, #tpu.memory_space<semaphore_mem>>)
      %dma_wait3A = arith.constant 11264 : i32
      %dma_wait3A_223 = tpu.memref_slice %arg2[%dma_wait3A] : memref<16384xi32, #tpu.memory_space<hbm>> -> memref<1024xi32, #tpu.memory_space<hbm>>
      %dma_wait3A_224 = arith.constant 11264 : i32
      %dma_wait3A_225 = tpu.memref_slice %arg2[%dma_wait3A_224] : memref<16384xi32, #tpu.memory_space<hbm>> -> memref<1024xi32, #tpu.memory_space<hbm>>
      tpu.wait_dma2 semaphore(%run_scoped3A : memref<!tpu.dma_semaphore, #tpu.memory_space<semaphore_mem>>) src(%dma_wait3A_225 : memref<1024xi32, #tpu.memory_space<hbm>>) dst(%arg5 : memref<1024xi32, #tpu.memory_space<vmem>>)
      tpu.yield
    }) : () -> ()
    %scan3A_78 = arith.constant 0 : i32
    %scan3A_79 = arith.constant 64 : i32
    %scan3A_80 = arith.addi %scan3A_78, %scan3A_79 : i32
    %scan3A_81 = arith.constant 1 : i32
    %scan3A_82 = scf.for %scan3A_219 = %scan3A_78 to %scan3A_80 step %scan3A_81 iter_args(%scan3A_220 = %scan3A_76) -> (vector<16xi32>)  : i32 {
      %mul3A_221 = arith.constant 16 : i32
      %mul3A_222 = arith.muli %scan3A_219, %mul3A_221 : i32
      %multiple_of3A_223 = tpu.assume_multiple %mul3A_222, 16 : i32
      %get3A = arith.index_cast %multiple_of3A_223 : i32 to index
      %get3A_224 = tpu.vector_load %arg5[%get3A] {strides = array<i32>} : memref<1024xi32, #tpu.memory_space<vmem>>, vector<16xi32>,
      %ge3A = vector.broadcast %mul3A_2 : i32 to vector<16xi32>
      %ge3A_225 = arith.cmpi sge, %get3A_224, %ge3A : vector<16xi32>
      %lt3A = vector.broadcast %select_n3A : i32 to vector<16xi32>
      %lt3A_226 = arith.cmpi slt, %get3A_224, %lt3A : vector<16xi32>
      %and3A_227 = arith.andi %ge3A_225, %lt3A_226 : vector<16xi1>
      %convert_element_type3A_228 = arith.extui %and3A_227 : vector<16xi1> to vector<16xi32>
      %broadcast_in_dim3A_229 = arith.constant true
      %broadcast_in_dim3A_230 = vector.broadcast %broadcast_in_dim3A_229 : i1 to vector<16xi1>
      %masked_cumsum3A = tpu.scan <sum>, %convert_element_type3A_228 masked %broadcast_in_dim3A_230 : vector<16xi32>, vector<16xi1> -> vector<16xi32>
      %add3A_231 = arith.addi %scan3A_220, %masked_cumsum3A : vector<16xi32>
      %sub3A_232 = arith.constant 1 : i32
      %sub3A_233 = vector.broadcast %sub3A_232 : i32 to vector<16xi32>
      %sub3A_234 = arith.subi %add3A_231, %sub3A_233 : vector<16xi32>
      tpu.vector_store_idx %arg6[%sub3A_234], %get3A_224 masked %and3A_227 : memref<1024xi32, #tpu.memory_space<vmem>>[vector<16xi32>], vector<16xi32>, vector<16xi1>
      %add3A_235 = arith.constant 11264 : i32
      %add3A_236 = arith.addi %add3A_235, %multiple_of3A_223 : i32
      %add3A_237 = vector.broadcast %add3A_236 : i32 to vector<16xi32>
      %add3A_238 = arith.addi %add3A_237, %iota3A : vector<16xi32>
      tpu.vector_store_idx %arg7[%sub3A_234], %add3A_238 masked %and3A_227 : memref<1024xi32, #tpu.memory_space<vmem>>[vector<16xi32>], vector<16xi32>, vector<16xi1>
      %all_reduce_population_count3A = tpu.all_reduce %and3A_227 {dim = 0 : i64, kind = #tpu.reduction_kind<sum>} : vector<16xi1> -> vector<16xi32>
      %add3A_239 = arith.addi %scan3A_220, %all_reduce_population_count3A : vector<16xi32>
      scf.yield %add3A_239 : vector<16xi32>
    }
    %scan3A_83 = arith.constant 64 : i32
    "tpu.region"() ({
      %run_scoped3A = tpu.sem_alloc : memref<!tpu.dma_semaphore, #tpu.memory_space<semaphore_mem>>
      %dma_start3A_219 = arith.constant 12288 : i32
      %dma_start3A_220 = tpu.memref_slice %arg2[%dma_start3A_219] : memref<16384xi32, #tpu.memory_space<hbm>> -> memref<1024xi32, #tpu.memory_space<hbm>>
      %dma_start3A_221 = arith.constant 12288 : i32
      %dma_start3A_222 = tpu.memref_slice %arg2[%dma_start3A_221] : memref<16384xi32, #tpu.memory_space<hbm>> -> memref<1024xi32, #tpu.memory_space<hbm>>
      tpu.enqueue_dma source(%dma_start3A_222 : memref<1024xi32, #tpu.memory_space<hbm>>) target(%arg5 : memref<1024xi32, #tpu.memory_space<vmem>>) target_semaphore(%run_scoped3A : memref<!tpu.dma_semaphore, #tpu.memory_space<semaphore_mem>>)
      %dma_wait3A = arith.constant 12288 : i32
      %dma_wait3A_223 = tpu.memref_slice %arg2[%dma_wait3A] : memref<16384xi32, #tpu.memory_space<hbm>> -> memref<1024xi32, #tpu.memory_space<hbm>>
      %dma_wait3A_224 = arith.constant 12288 : i32
      %dma_wait3A_225 = tpu.memref_slice %arg2[%dma_wait3A_224] : memref<16384xi32, #tpu.memory_space<hbm>> -> memref<1024xi32, #tpu.memory_space<hbm>>
      tpu.wait_dma2 semaphore(%run_scoped3A : memref<!tpu.dma_semaphore, #tpu.memory_space<semaphore_mem>>) src(%dma_wait3A_225 : memref<1024xi32, #tpu.memory_space<hbm>>) dst(%arg5 : memref<1024xi32, #tpu.memory_space<vmem>>)
      tpu.yield
    }) : () -> ()
    %scan3A_84 = arith.constant 0 : i32
    %scan3A_85 = arith.constant 64 : i32
    %scan3A_86 = arith.addi %scan3A_84, %scan3A_85 : i32
    %scan3A_87 = arith.constant 1 : i32
    %scan3A_88 = scf.for %scan3A_219 = %scan3A_84 to %scan3A_86 step %scan3A_87 iter_args(%scan3A_220 = %scan3A_82) -> (vector<16xi32>)  : i32 {
      %mul3A_221 = arith.constant 16 : i32
      %mul3A_222 = arith.muli %scan3A_219, %mul3A_221 : i32
      %multiple_of3A_223 = tpu.assume_multiple %mul3A_222, 16 : i32
      %get3A = arith.index_cast %multiple_of3A_223 : i32 to index
      %get3A_224 = tpu.vector_load %arg5[%get3A] {strides = array<i32>} : memref<1024xi32, #tpu.memory_space<vmem>>, vector<16xi32>,
      %ge3A = vector.broadcast %mul3A_2 : i32 to vector<16xi32>
      %ge3A_225 = arith.cmpi sge, %get3A_224, %ge3A : vector<16xi32>
      %lt3A = vector.broadcast %select_n3A : i32 to vector<16xi32>
      %lt3A_226 = arith.cmpi slt, %get3A_224, %lt3A : vector<16xi32>
      %and3A_227 = arith.andi %ge3A_225, %lt3A_226 : vector<16xi1>
      %convert_element_type3A_228 = arith.extui %and3A_227 : vector<16xi1> to vector<16xi32>
      %broadcast_in_dim3A_229 = arith.constant true
      %broadcast_in_dim3A_230 = vector.broadcast %broadcast_in_dim3A_229 : i1 to vector<16xi1>
      %masked_cumsum3A = tpu.scan <sum>, %convert_element_type3A_228 masked %broadcast_in_dim3A_230 : vector<16xi32>, vector<16xi1> -> vector<16xi32>
      %add3A_231 = arith.addi %scan3A_220, %masked_cumsum3A : vector<16xi32>
      %sub3A_232 = arith.constant 1 : i32
      %sub3A_233 = vector.broadcast %sub3A_232 : i32 to vector<16xi32>
      %sub3A_234 = arith.subi %add3A_231, %sub3A_233 : vector<16xi32>
      tpu.vector_store_idx %arg6[%sub3A_234], %get3A_224 masked %and3A_227 : memref<1024xi32, #tpu.memory_space<vmem>>[vector<16xi32>], vector<16xi32>, vector<16xi1>
      %add3A_235 = arith.constant 12288 : i32
      %add3A_236 = arith.addi %add3A_235, %multiple_of3A_223 : i32
      %add3A_237 = vector.broadcast %add3A_236 : i32 to vector<16xi32>
      %add3A_238 = arith.addi %add3A_237, %iota3A : vector<16xi32>
      tpu.vector_store_idx %arg7[%sub3A_234], %add3A_238 masked %and3A_227 : memref<1024xi32, #tpu.memory_space<vmem>>[vector<16xi32>], vector<16xi32>, vector<16xi1>
      %all_reduce_population_count3A = tpu.all_reduce %and3A_227 {dim = 0 : i64, kind = #tpu.reduction_kind<sum>} : vector<16xi1> -> vector<16xi32>
      %add3A_239 = arith.addi %scan3A_220, %all_reduce_population_count3A : vector<16xi32>
      scf.yield %add3A_239 : vector<16xi32>
    }
    %scan3A_89 = arith.constant 64 : i32
    "tpu.region"() ({
      %run_scoped3A = tpu.sem_alloc : memref<!tpu.dma_semaphore, #tpu.memory_space<semaphore_mem>>
      %dma_start3A_219 = arith.constant 13312 : i32
      %dma_start3A_220 = tpu.memref_slice %arg2[%dma_start3A_219] : memref<16384xi32, #tpu.memory_space<hbm>> -> memref<1024xi32, #tpu.memory_space<hbm>>
      %dma_start3A_221 = arith.constant 13312 : i32
      %dma_start3A_222 = tpu.memref_slice %arg2[%dma_start3A_221] : memref<16384xi32, #tpu.memory_space<hbm>> -> memref<1024xi32, #tpu.memory_space<hbm>>
      tpu.enqueue_dma source(%dma_start3A_222 : memref<1024xi32, #tpu.memory_space<hbm>>) target(%arg5 : memref<1024xi32, #tpu.memory_space<vmem>>) target_semaphore(%run_scoped3A : memref<!tpu.dma_semaphore, #tpu.memory_space<semaphore_mem>>)
      %dma_wait3A = arith.constant 13312 : i32
      %dma_wait3A_223 = tpu.memref_slice %arg2[%dma_wait3A] : memref<16384xi32, #tpu.memory_space<hbm>> -> memref<1024xi32, #tpu.memory_space<hbm>>
      %dma_wait3A_224 = arith.constant 13312 : i32
      %dma_wait3A_225 = tpu.memref_slice %arg2[%dma_wait3A_224] : memref<16384xi32, #tpu.memory_space<hbm>> -> memref<1024xi32, #tpu.memory_space<hbm>>
      tpu.wait_dma2 semaphore(%run_scoped3A : memref<!tpu.dma_semaphore, #tpu.memory_space<semaphore_mem>>) src(%dma_wait3A_225 : memref<1024xi32, #tpu.memory_space<hbm>>) dst(%arg5 : memref<1024xi32, #tpu.memory_space<vmem>>)
      tpu.yield
    }) : () -> ()
    %scan3A_90 = arith.constant 0 : i32
    %scan3A_91 = arith.constant 64 : i32
    %scan3A_92 = arith.addi %scan3A_90, %scan3A_91 : i32
    %scan3A_93 = arith.constant 1 : i32
    %scan3A_94 = scf.for %scan3A_219 = %scan3A_90 to %scan3A_92 step %scan3A_93 iter_args(%scan3A_220 = %scan3A_88) -> (vector<16xi32>)  : i32 {
      %mul3A_221 = arith.constant 16 : i32
      %mul3A_222 = arith.muli %scan3A_219, %mul3A_221 : i32
      %multiple_of3A_223 = tpu.assume_multiple %mul3A_222, 16 : i32
      %get3A = arith.index_cast %multiple_of3A_223 : i32 to index
      %get3A_224 = tpu.vector_load %arg5[%get3A] {strides = array<i32>} : memref<1024xi32, #tpu.memory_space<vmem>>, vector<16xi32>,
      %ge3A = vector.broadcast %mul3A_2 : i32 to vector<16xi32>
      %ge3A_225 = arith.cmpi sge, %get3A_224, %ge3A : vector<16xi32>
      %lt3A = vector.broadcast %select_n3A : i32 to vector<16xi32>
      %lt3A_226 = arith.cmpi slt, %get3A_224, %lt3A : vector<16xi32>
      %and3A_227 = arith.andi %ge3A_225, %lt3A_226 : vector<16xi1>
      %convert_element_type3A_228 = arith.extui %and3A_227 : vector<16xi1> to vector<16xi32>
      %broadcast_in_dim3A_229 = arith.constant true
      %broadcast_in_dim3A_230 = vector.broadcast %broadcast_in_dim3A_229 : i1 to vector<16xi1>
      %masked_cumsum3A = tpu.scan <sum>, %convert_element_type3A_228 masked %broadcast_in_dim3A_230 : vector<16xi32>, vector<16xi1> -> vector<16xi32>
      %add3A_231 = arith.addi %scan3A_220, %masked_cumsum3A : vector<16xi32>
      %sub3A_232 = arith.constant 1 : i32
      %sub3A_233 = vector.broadcast %sub3A_232 : i32 to vector<16xi32>
      %sub3A_234 = arith.subi %add3A_231, %sub3A_233 : vector<16xi32>
      tpu.vector_store_idx %arg6[%sub3A_234], %get3A_224 masked %and3A_227 : memref<1024xi32, #tpu.memory_space<vmem>>[vector<16xi32>], vector<16xi32>, vector<16xi1>
      %add3A_235 = arith.constant 13312 : i32
      %add3A_236 = arith.addi %add3A_235, %multiple_of3A_223 : i32
      %add3A_237 = vector.broadcast %add3A_236 : i32 to vector<16xi32>
      %add3A_238 = arith.addi %add3A_237, %iota3A : vector<16xi32>
      tpu.vector_store_idx %arg7[%sub3A_234], %add3A_238 masked %and3A_227 : memref<1024xi32, #tpu.memory_space<vmem>>[vector<16xi32>], vector<16xi32>, vector<16xi1>
      %all_reduce_population_count3A = tpu.all_reduce %and3A_227 {dim = 0 : i64, kind = #tpu.reduction_kind<sum>} : vector<16xi1> -> vector<16xi32>
      %add3A_239 = arith.addi %scan3A_220, %all_reduce_population_count3A : vector<16xi32>
      scf.yield %add3A_239 : vector<16xi32>
    }
    %scan3A_95 = arith.constant 64 : i32
    "tpu.region"() ({
      %run_scoped3A = tpu.sem_alloc : memref<!tpu.dma_semaphore, #tpu.memory_space<semaphore_mem>>
      %dma_start3A_219 = arith.constant 14336 : i32
      %dma_start3A_220 = tpu.memref_slice %arg2[%dma_start3A_219] : memref<16384xi32, #tpu.memory_space<hbm>> -> memref<1024xi32, #tpu.memory_space<hbm>>
      %dma_start3A_221 = arith.constant 14336 : i32
      %dma_start3A_222 = tpu.memref_slice %arg2[%dma_start3A_221] : memref<16384xi32, #tpu.memory_space<hbm>> -> memref<1024xi32, #tpu.memory_space<hbm>>
      tpu.enqueue_dma source(%dma_start3A_222 : memref<1024xi32, #tpu.memory_space<hbm>>) target(%arg5 : memref<1024xi32, #tpu.memory_space<vmem>>) target_semaphore(%run_scoped3A : memref<!tpu.dma_semaphore, #tpu.memory_space<semaphore_mem>>)
      %dma_wait3A = arith.constant 14336 : i32
      %dma_wait3A_223 = tpu.memref_slice %arg2[%dma_wait3A] : memref<16384xi32, #tpu.memory_space<hbm>> -> memref<1024xi32, #tpu.memory_space<hbm>>
      %dma_wait3A_224 = arith.constant 14336 : i32
      %dma_wait3A_225 = tpu.memref_slice %arg2[%dma_wait3A_224] : memref<16384xi32, #tpu.memory_space<hbm>> -> memref<1024xi32, #tpu.memory_space<hbm>>
      tpu.wait_dma2 semaphore(%run_scoped3A : memref<!tpu.dma_semaphore, #tpu.memory_space<semaphore_mem>>) src(%dma_wait3A_225 : memref<1024xi32, #tpu.memory_space<hbm>>) dst(%arg5 : memref<1024xi32, #tpu.memory_space<vmem>>)
      tpu.yield
    }) : () -> ()
    %scan3A_96 = arith.constant 0 : i32
    %scan3A_97 = arith.constant 64 : i32
    %scan3A_98 = arith.addi %scan3A_96, %scan3A_97 : i32
    %scan3A_99 = arith.constant 1 : i32
    %scan3A_100 = scf.for %scan3A_219 = %scan3A_96 to %scan3A_98 step %scan3A_99 iter_args(%scan3A_220 = %scan3A_94) -> (vector<16xi32>)  : i32 {
      %mul3A_221 = arith.constant 16 : i32
      %mul3A_222 = arith.muli %scan3A_219, %mul3A_221 : i32
      %multiple_of3A_223 = tpu.assume_multiple %mul3A_222, 16 : i32
      %get3A = arith.index_cast %multiple_of3A_223 : i32 to index
      %get3A_224 = tpu.vector_load %arg5[%get3A] {strides = array<i32>} : memref<1024xi32, #tpu.memory_space<vmem>>, vector<16xi32>,
      %ge3A = vector.broadcast %mul3A_2 : i32 to vector<16xi32>
      %ge3A_225 = arith.cmpi sge, %get3A_224, %ge3A : vector<16xi32>
      %lt3A = vector.broadcast %select_n3A : i32 to vector<16xi32>
      %lt3A_226 = arith.cmpi slt, %get3A_224, %lt3A : vector<16xi32>
      %and3A_227 = arith.andi %ge3A_225, %lt3A_226 : vector<16xi1>
      %convert_element_type3A_228 = arith.extui %and3A_227 : vector<16xi1> to vector<16xi32>
      %broadcast_in_dim3A_229 = arith.constant true
      %broadcast_in_dim3A_230 = vector.broadcast %broadcast_in_dim3A_229 : i1 to vector<16xi1>
      %masked_cumsum3A = tpu.scan <sum>, %convert_element_type3A_228 masked %broadcast_in_dim3A_230 : vector<16xi32>, vector<16xi1> -> vector<16xi32>
      %add3A_231 = arith.addi %scan3A_220, %masked_cumsum3A : vector<16xi32>
      %sub3A_232 = arith.constant 1 : i32
      %sub3A_233 = vector.broadcast %sub3A_232 : i32 to vector<16xi32>
      %sub3A_234 = arith.subi %add3A_231, %sub3A_233 : vector<16xi32>
      tpu.vector_store_idx %arg6[%sub3A_234], %get3A_224 masked %and3A_227 : memref<1024xi32, #tpu.memory_space<vmem>>[vector<16xi32>], vector<16xi32>, vector<16xi1>
      %add3A_235 = arith.constant 14336 : i32
      %add3A_236 = arith.addi %add3A_235, %multiple_of3A_223 : i32
      %add3A_237 = vector.broadcast %add3A_236 : i32 to vector<16xi32>
      %add3A_238 = arith.addi %add3A_237, %iota3A : vector<16xi32>
      tpu.vector_store_idx %arg7[%sub3A_234], %add3A_238 masked %and3A_227 : memref<1024xi32, #tpu.memory_space<vmem>>[vector<16xi32>], vector<16xi32>, vector<16xi1>
      %all_reduce_population_count3A = tpu.all_reduce %and3A_227 {dim = 0 : i64, kind = #tpu.reduction_kind<sum>} : vector<16xi1> -> vector<16xi32>
      %add3A_239 = arith.addi %scan3A_220, %all_reduce_population_count3A : vector<16xi32>
      scf.yield %add3A_239 : vector<16xi32>
    }
    %scan3A_101 = arith.constant 64 : i32
    "tpu.region"() ({
      %run_scoped3A = tpu.sem_alloc : memref<!tpu.dma_semaphore, #tpu.memory_space<semaphore_mem>>
      %dma_start3A_219 = arith.constant 15360 : i32
      %dma_start3A_220 = tpu.memref_slice %arg2[%dma_start3A_219] : memref<16384xi32, #tpu.memory_space<hbm>> -> memref<1024xi32, #tpu.memory_space<hbm>>
      %dma_start3A_221 = arith.constant 15360 : i32
      %dma_start3A_222 = tpu.memref_slice %arg2[%dma_start3A_221] : memref<16384xi32, #tpu.memory_space<hbm>> -> memref<1024xi32, #tpu.memory_space<hbm>>
      tpu.enqueue_dma source(%dma_start3A_222 : memref<1024xi32, #tpu.memory_space<hbm>>) target(%arg5 : memref<1024xi32, #tpu.memory_space<vmem>>) target_semaphore(%run_scoped3A : memref<!tpu.dma_semaphore, #tpu.memory_space<semaphore_mem>>)
      %dma_wait3A = arith.constant 15360 : i32
      %dma_wait3A_223 = tpu.memref_slice %arg2[%dma_wait3A] : memref<16384xi32, #tpu.memory_space<hbm>> -> memref<1024xi32, #tpu.memory_space<hbm>>
      %dma_wait3A_224 = arith.constant 15360 : i32
      %dma_wait3A_225 = tpu.memref_slice %arg2[%dma_wait3A_224] : memref<16384xi32, #tpu.memory_space<hbm>> -> memref<1024xi32, #tpu.memory_space<hbm>>
      tpu.wait_dma2 semaphore(%run_scoped3A : memref<!tpu.dma_semaphore, #tpu.memory_space<semaphore_mem>>) src(%dma_wait3A_225 : memref<1024xi32, #tpu.memory_space<hbm>>) dst(%arg5 : memref<1024xi32, #tpu.memory_space<vmem>>)
      tpu.yield
    }) : () -> ()
    %scan3A_102 = arith.constant 0 : i32
    %scan3A_103 = arith.constant 64 : i32
    %scan3A_104 = arith.addi %scan3A_102, %scan3A_103 : i32
    %scan3A_105 = arith.constant 1 : i32
    %scan3A_106 = scf.for %scan3A_219 = %scan3A_102 to %scan3A_104 step %scan3A_105 iter_args(%scan3A_220 = %scan3A_100) -> (vector<16xi32>)  : i32 {
      %mul3A_221 = arith.constant 16 : i32
      %mul3A_222 = arith.muli %scan3A_219, %mul3A_221 : i32
      %multiple_of3A_223 = tpu.assume_multiple %mul3A_222, 16 : i32
      %get3A = arith.index_cast %multiple_of3A_223 : i32 to index
      %get3A_224 = tpu.vector_load %arg5[%get3A] {strides = array<i32>} : memref<1024xi32, #tpu.memory_space<vmem>>, vector<16xi32>,
      %ge3A = vector.broadcast %mul3A_2 : i32 to vector<16xi32>
      %ge3A_225 = arith.cmpi sge, %get3A_224, %ge3A : vector<16xi32>
      %lt3A = vector.broadcast %select_n3A : i32 to vector<16xi32>
      %lt3A_226 = arith.cmpi slt, %get3A_224, %lt3A : vector<16xi32>
      %and3A_227 = arith.andi %ge3A_225, %lt3A_226 : vector<16xi1>
      %convert_element_type3A_228 = arith.extui %and3A_227 : vector<16xi1> to vector<16xi32>
      %broadcast_in_dim3A_229 = arith.constant true
      %broadcast_in_dim3A_230 = vector.broadcast %broadcast_in_dim3A_229 : i1 to vector<16xi1>
      %masked_cumsum3A = tpu.scan <sum>, %convert_element_type3A_228 masked %broadcast_in_dim3A_230 : vector<16xi32>, vector<16xi1> -> vector<16xi32>
      %add3A_231 = arith.addi %scan3A_220, %masked_cumsum3A : vector<16xi32>
      %sub3A_232 = arith.constant 1 : i32
      %sub3A_233 = vector.broadcast %sub3A_232 : i32 to vector<16xi32>
      %sub3A_234 = arith.subi %add3A_231, %sub3A_233 : vector<16xi32>
      tpu.vector_store_idx %arg6[%sub3A_234], %get3A_224 masked %and3A_227 : memref<1024xi32, #tpu.memory_space<vmem>>[vector<16xi32>], vector<16xi32>, vector<16xi1>
      %add3A_235 = arith.constant 15360 : i32
      %add3A_236 = arith.addi %add3A_235, %multiple_of3A_223 : i32
      %add3A_237 = vector.broadcast %add3A_236 : i32 to vector<16xi32>
      %add3A_238 = arith.addi %add3A_237, %iota3A : vector<16xi32>
      tpu.vector_store_idx %arg7[%sub3A_234], %add3A_238 masked %and3A_227 : memref<1024xi32, #tpu.memory_space<vmem>>[vector<16xi32>], vector<16xi32>, vector<16xi1>
      %all_reduce_population_count3A = tpu.all_reduce %and3A_227 {dim = 0 : i64, kind = #tpu.reduction_kind<sum>} : vector<16xi1> -> vector<16xi32>
      %add3A_239 = arith.addi %scan3A_220, %all_reduce_population_count3A : vector<16xi32>
      scf.yield %add3A_239 : vector<16xi32>
    }
    %scan3A_107 = arith.constant 64 : i32
    %reduce_max3A = arith.constant true
    %reduce_max3A_108 = vector.broadcast %reduce_max3A : i1 to vector<16xi1>
    %reduce_max3A_109 = arith.constant -2147483648 : i32
    %reduce_max3A_110 = vector.broadcast %reduce_max3A_109 : i32 to vector<16xi32>
    %reduce_max3A_111 = arith.xori %scan3A_106, %reduce_max3A_110 : vector<16xi32>
    %reduce_max3A_112 = tpu.scan <max>, %reduce_max3A_111 masked %reduce_max3A_108 : vector<16xi32>, vector<16xi1> -> vector<16xi32>
    %reduce_max3A_113 = arith.xori %reduce_max3A_112, %reduce_max3A_110 : vector<16xi32>
    %reduce_max3A_114 = vector.extract %reduce_max3A_113[15] : i32 from vector<16xi32>
    %add3A_115 = arith.constant 16 : i32
    %add3A_116 = arith.addi %reduce_max3A_114, %add3A_115 : i32
    %sub3A = arith.constant 1 : i32
    %sub3A_117 = arith.subi %add3A_116, %sub3A : i32
    %jit3A_118 = arith.constant 16 : i32
    %div3A = arith.divsi %sub3A_117, %jit3A_118 : i32
    %sign3A = arith.constant 0 : i32
    %sign3A_119 = arith.cmpi sgt, %sub3A_117, %sign3A : i32
    %sign3A_120 = arith.extui %sign3A_119 : i1 to i32
    %sign3A_121 = arith.constant 0 : i32
    %sign3A_122 = arith.cmpi slt, %sub3A_117, %sign3A_121 : i32
    %sign3A_123 = arith.extui %sign3A_122 : i1 to i32
    %sign3A_124 = arith.subi %sign3A_120, %sign3A_123 : i32
    %sign3A_125 = arith.constant 0 : i32
    %sign3A_126 = arith.cmpi sgt, %jit3A_118, %sign3A_125 : i32
    %sign3A_127 = arith.extui %sign3A_126 : i1 to i32
    %sign3A_128 = arith.constant 0 : i32
    %sign3A_129 = arith.cmpi slt, %jit3A_118, %sign3A_128 : i32
    %sign3A_130 = arith.extui %sign3A_129 : i1 to i32
    %sign3A_131 = arith.subi %sign3A_127, %sign3A_130 : i32
    %ne3A = arith.cmpi ne, %sign3A_124, %sign3A_131 : i32
    %rem3A = arith.remsi %sub3A_117, %jit3A_118 : i32
    %ne3A_132 = arith.constant 0 : i32
    %ne3A_133 = arith.cmpi ne, %rem3A, %ne3A_132 : i32
    %and3A = arith.andi %ne3A, %ne3A_133 : i1
    %sub3A_134 = arith.constant 1 : i32
    %sub3A_135 = arith.subi %div3A, %sub3A_134 : i32
    %select_n3A_136 = arith.select %and3A, %sub3A_135, %div3A : i32
    %broadcast_in_dim3A_137 = arith.constant 0 : i32
    %broadcast_in_dim3A_138 = vector.broadcast %broadcast_in_dim3A_137 : i32 to vector<16xi32>
    %while3A = arith.constant 0 : i32
    %while3A_139 = arith.subi %select_n3A_136, %while3A : i32
    %while3A_140 = arith.addi %while3A, %while3A_139 : i32
    %while3A_141 = arith.constant 1 : i32
    %while3A_142 = arith.divsi %while3A_139, %while3A_141 : i32
    %while3A_143 = arith.muli %while3A_142, %while3A_141 : i32
    %while3A_144 = arith.addi %while3A, %while3A_143 : i32
    %while3A_145 = arith.constant 1 : i32
    %while3A_146:4 = scf.for %while3A_219 = %while3A to %while3A_144 step %while3A_145 iter_args(%while3A_220 = %broadcast_in_dim3A_138, %while3A_221 = %broadcast_in_dim3A_138, %while3A_222 = %broadcast_in_dim3A_138, %while3A_223 = %broadcast_in_dim3A_138) -> (vector<16xi32>, vector<16xi32>, vector<16xi32>, vector<16xi32>)  : i32 {
      %mul3A_224 = arith.constant 16 : i32
      %mul3A_225 = arith.muli %while3A_219, %mul3A_224 : i32
      %multiple_of3A_226 = tpu.assume_multiple %mul3A_225, 16 : i32
      %get3A = arith.index_cast %multiple_of3A_226 : i32 to index
      %get3A_227 = tpu.vector_load %arg6[%get3A] {strides = array<i32>} : memref<1024xi32, #tpu.memory_space<vmem>>, vector<16xi32>,
      %get3A_228 = arith.index_cast %multiple_of3A_226 : i32 to index
      %get3A_229 = tpu.vector_load %arg7[%get3A_228] {strides = array<i32>} : memref<1024xi32, #tpu.memory_space<vmem>>, vector<16xi32>,
      %add3A_230 = vector.broadcast %multiple_of3A_226 : i32 to vector<16xi32>
      %add3A_231 = arith.addi %add3A_230, %iota3A : vector<16xi32>
      %lt3A = vector.broadcast %reduce_max3A_114 : i32 to vector<16xi32>
      %lt3A_232 = arith.cmpi slt, %add3A_231, %lt3A : vector<16xi32>
      %sub3A_233 = vector.broadcast %mul3A_2 : i32 to vector<16xi32>
      %sub3A_234 = arith.subi %get3A_227, %sub3A_233 : vector<16xi32>
      %shift_right_logical3A = arith.constant 13 : i32
      %shift_right_logical3A_235 = vector.broadcast %shift_right_logical3A : i32 to vector<16xi32>
      %shift_right_logical3A_236 = arith.shrui %sub3A_234, %shift_right_logical3A_235 : vector<16xi32>
      %eq3A_237 = arith.constant 0 : i32
      %eq3A_238 = vector.broadcast %eq3A_237 : i32 to vector<16xi32>
      %eq3A_239 = arith.cmpi eq, %shift_right_logical3A_236, %eq3A_238 : vector<16xi32>
      %and3A_240 = arith.andi %lt3A_232, %eq3A_239 : vector<16xi1>
      %convert_element_type3A_241 = arith.extui %and3A_240 : vector<16xi1> to vector<16xi32>
      %add3A_242 = arith.constant 0 : i32
      %add3A_243 = vector.broadcast %add3A_242 : i32 to vector<16xi32>
      %add3A_244 = arith.addi %add3A_243, %while3A_220 : vector<16xi32>
      %broadcast_in_dim3A_245 = arith.constant true
      %broadcast_in_dim3A_246 = vector.broadcast %broadcast_in_dim3A_245 : i1 to vector<16xi1>
      %masked_cumsum3A = tpu.scan <sum>, %convert_element_type3A_241 masked %broadcast_in_dim3A_246 : vector<16xi32>, vector<16xi1> -> vector<16xi32>
      %add3A_247 = arith.addi %add3A_244, %masked_cumsum3A : vector<16xi32>
      %sub3A_248 = arith.constant 1 : i32
      %sub3A_249 = vector.broadcast %sub3A_248 : i32 to vector<16xi32>
      %sub3A_250 = arith.subi %add3A_247, %sub3A_249 : vector<16xi32>
      tpu.vector_store_idx %arg8[%sub3A_250], %get3A_227 masked %and3A_240 : memref<1024xi32, #tpu.memory_space<vmem>>[vector<16xi32>], vector<16xi32>, vector<16xi1>
      tpu.vector_store_idx %arg9[%sub3A_250], %get3A_229 masked %and3A_240 : memref<1024xi32, #tpu.memory_space<vmem>>[vector<16xi32>], vector<16xi32>, vector<16xi1>
      %all_reduce_population_count3A = tpu.all_reduce %and3A_240 {dim = 0 : i64, kind = #tpu.reduction_kind<sum>} : vector<16xi1> -> vector<16xi32>
      %add3A_251 = arith.addi %while3A_220, %all_reduce_population_count3A : vector<16xi32>
      %eq3A_252 = arith.constant 1 : i32
      %eq3A_253 = vector.broadcast %eq3A_252 : i32 to vector<16xi32>
      %eq3A_254 = arith.cmpi eq, %shift_right_logical3A_236, %eq3A_253 : vector<16xi32>
      %and3A_255 = arith.andi %lt3A_232, %eq3A_254 : vector<16xi1>
      %convert_element_type3A_256 = arith.extui %and3A_255 : vector<16xi1> to vector<16xi32>
      %add3A_257 = arith.constant 256 : i32
      %add3A_258 = vector.broadcast %add3A_257 : i32 to vector<16xi32>
      %add3A_259 = arith.addi %add3A_258, %while3A_221 : vector<16xi32>
      %broadcast_in_dim3A_260 = arith.constant true
      %broadcast_in_dim3A_261 = vector.broadcast %broadcast_in_dim3A_260 : i1 to vector<16xi1>
      %masked_cumsum3A_262 = tpu.scan <sum>, %convert_element_type3A_256 masked %broadcast_in_dim3A_261 : vector<16xi32>, vector<16xi1> -> vector<16xi32>
      %add3A_263 = arith.addi %add3A_259, %masked_cumsum3A_262 : vector<16xi32>
      %sub3A_264 = arith.constant 1 : i32
      %sub3A_265 = vector.broadcast %sub3A_264 : i32 to vector<16xi32>
      %sub3A_266 = arith.subi %add3A_263, %sub3A_265 : vector<16xi32>
      tpu.vector_store_idx %arg8[%sub3A_266], %get3A_227 masked %and3A_255 : memref<1024xi32, #tpu.memory_space<vmem>>[vector<16xi32>], vector<16xi32>, vector<16xi1>
      tpu.vector_store_idx %arg9[%sub3A_266], %get3A_229 masked %and3A_255 : memref<1024xi32, #tpu.memory_space<vmem>>[vector<16xi32>], vector<16xi32>, vector<16xi1>
      %all_reduce_population_count3A_267 = tpu.all_reduce %and3A_255 {dim = 0 : i64, kind = #tpu.reduction_kind<sum>} : vector<16xi1> -> vector<16xi32>
      %add3A_268 = arith.addi %while3A_221, %all_reduce_population_count3A_267 : vector<16xi32>
      %eq3A_269 = arith.constant 2 : i32
      %eq3A_270 = vector.broadcast %eq3A_269 : i32 to vector<16xi32>
      %eq3A_271 = arith.cmpi eq, %shift_right_logical3A_236, %eq3A_270 : vector<16xi32>
      %and3A_272 = arith.andi %lt3A_232, %eq3A_271 : vector<16xi1>
      %convert_element_type3A_273 = arith.extui %and3A_272 : vector<16xi1> to vector<16xi32>
      %add3A_274 = arith.constant 512 : i32
      %add3A_275 = vector.broadcast %add3A_274 : i32 to vector<16xi32>
      %add3A_276 = arith.addi %add3A_275, %while3A_222 : vector<16xi32>
      %broadcast_in_dim3A_277 = arith.constant true
      %broadcast_in_dim3A_278 = vector.broadcast %broadcast_in_dim3A_277 : i1 to vector<16xi1>
      %masked_cumsum3A_279 = tpu.scan <sum>, %convert_element_type3A_273 masked %broadcast_in_dim3A_278 : vector<16xi32>, vector<16xi1> -> vector<16xi32>
      %add3A_280 = arith.addi %add3A_276, %masked_cumsum3A_279 : vector<16xi32>
      %sub3A_281 = arith.constant 1 : i32
      %sub3A_282 = vector.broadcast %sub3A_281 : i32 to vector<16xi32>
      %sub3A_283 = arith.subi %add3A_280, %sub3A_282 : vector<16xi32>
      tpu.vector_store_idx %arg8[%sub3A_283], %get3A_227 masked %and3A_272 : memref<1024xi32, #tpu.memory_space<vmem>>[vector<16xi32>], vector<16xi32>, vector<16xi1>
      tpu.vector_store_idx %arg9[%sub3A_283], %get3A_229 masked %and3A_272 : memref<1024xi32, #tpu.memory_space<vmem>>[vector<16xi32>], vector<16xi32>, vector<16xi1>
      %all_reduce_population_count3A_284 = tpu.all_reduce %and3A_272 {dim = 0 : i64, kind = #tpu.reduction_kind<sum>} : vector<16xi1> -> vector<16xi32>
      %add3A_285 = arith.addi %while3A_222, %all_reduce_population_count3A_284 : vector<16xi32>
      %eq3A_286 = arith.constant 3 : i32
      %eq3A_287 = vector.broadcast %eq3A_286 : i32 to vector<16xi32>
      %eq3A_288 = arith.cmpi eq, %shift_right_logical3A_236, %eq3A_287 : vector<16xi32>
      %and3A_289 = arith.andi %lt3A_232, %eq3A_288 : vector<16xi1>
      %convert_element_type3A_290 = arith.extui %and3A_289 : vector<16xi1> to vector<16xi32>
      %add3A_291 = arith.constant 768 : i32
      %add3A_292 = vector.broadcast %add3A_291 : i32 to vector<16xi32>
      %add3A_293 = arith.addi %add3A_292, %while3A_223 : vector<16xi32>
      %broadcast_in_dim3A_294 = arith.constant true
      %broadcast_in_dim3A_295 = vector.broadcast %broadcast_in_dim3A_294 : i1 to vector<16xi1>
      %masked_cumsum3A_296 = tpu.scan <sum>, %convert_element_type3A_290 masked %broadcast_in_dim3A_295 : vector<16xi32>, vector<16xi1> -> vector<16xi32>
      %add3A_297 = arith.addi %add3A_293, %masked_cumsum3A_296 : vector<16xi32>
      %sub3A_298 = arith.constant 1 : i32
      %sub3A_299 = vector.broadcast %sub3A_298 : i32 to vector<16xi32>
      %sub3A_300 = arith.subi %add3A_297, %sub3A_299 : vector<16xi32>
      tpu.vector_store_idx %arg8[%sub3A_300], %get3A_227 masked %and3A_289 : memref<1024xi32, #tpu.memory_space<vmem>>[vector<16xi32>], vector<16xi32>, vector<16xi1>
      tpu.vector_store_idx %arg9[%sub3A_300], %get3A_229 masked %and3A_289 : memref<1024xi32, #tpu.memory_space<vmem>>[vector<16xi32>], vector<16xi32>, vector<16xi1>
      %all_reduce_population_count3A_301 = tpu.all_reduce %and3A_289 {dim = 0 : i64, kind = #tpu.reduction_kind<sum>} : vector<16xi1> -> vector<16xi32>
      %add3A_302 = arith.addi %while3A_223, %all_reduce_population_count3A_301 : vector<16xi32>
      scf.yield %add3A_251, %add3A_268, %add3A_285, %add3A_302 : vector<16xi32>, vector<16xi32>, vector<16xi32>, vector<16xi32>
    }
    %while3A_147 = arith.constant 1 : i32
    %while3A_148:4 = scf.for %while3A_219 = %while3A_144 to %while3A_140 step %while3A_147 iter_args(%while3A_220 = %while3A_146#0, %while3A_221 = %while3A_146#1, %while3A_222 = %while3A_146#2, %while3A_223 = %while3A_146#3) -> (vector<16xi32>, vector<16xi32>, vector<16xi32>, vector<16xi32>)  : i32 {
      %mul3A_224 = arith.constant 16 : i32
      %mul3A_225 = arith.muli %while3A_219, %mul3A_224 : i32
      %multiple_of3A_226 = tpu.assume_multiple %mul3A_225, 16 : i32
      %get3A = arith.index_cast %multiple_of3A_226 : i32 to index
      %get3A_227 = tpu.vector_load %arg6[%get3A] {strides = array<i32>} : memref<1024xi32, #tpu.memory_space<vmem>>, vector<16xi32>,
      %get3A_228 = arith.index_cast %multiple_of3A_226 : i32 to index
      %get3A_229 = tpu.vector_load %arg7[%get3A_228] {strides = array<i32>} : memref<1024xi32, #tpu.memory_space<vmem>>, vector<16xi32>,
      %add3A_230 = vector.broadcast %multiple_of3A_226 : i32 to vector<16xi32>
      %add3A_231 = arith.addi %add3A_230, %iota3A : vector<16xi32>
      %lt3A = vector.broadcast %reduce_max3A_114 : i32 to vector<16xi32>
      %lt3A_232 = arith.cmpi slt, %add3A_231, %lt3A : vector<16xi32>
      %sub3A_233 = vector.broadcast %mul3A_2 : i32 to vector<16xi32>
      %sub3A_234 = arith.subi %get3A_227, %sub3A_233 : vector<16xi32>
      %shift_right_logical3A = arith.constant 13 : i32
      %shift_right_logical3A_235 = vector.broadcast %shift_right_logical3A : i32 to vector<16xi32>
      %shift_right_logical3A_236 = arith.shrui %sub3A_234, %shift_right_logical3A_235 : vector<16xi32>
      %eq3A_237 = arith.constant 0 : i32
      %eq3A_238 = vector.broadcast %eq3A_237 : i32 to vector<16xi32>
      %eq3A_239 = arith.cmpi eq, %shift_right_logical3A_236, %eq3A_238 : vector<16xi32>
      %and3A_240 = arith.andi %lt3A_232, %eq3A_239 : vector<16xi1>
      %convert_element_type3A_241 = arith.extui %and3A_240 : vector<16xi1> to vector<16xi32>
      %add3A_242 = arith.constant 0 : i32
      %add3A_243 = vector.broadcast %add3A_242 : i32 to vector<16xi32>
      %add3A_244 = arith.addi %add3A_243, %while3A_220 : vector<16xi32>
      %broadcast_in_dim3A_245 = arith.constant true
      %broadcast_in_dim3A_246 = vector.broadcast %broadcast_in_dim3A_245 : i1 to vector<16xi1>
      %masked_cumsum3A = tpu.scan <sum>, %convert_element_type3A_241 masked %broadcast_in_dim3A_246 : vector<16xi32>, vector<16xi1> -> vector<16xi32>
      %add3A_247 = arith.addi %add3A_244, %masked_cumsum3A : vector<16xi32>
      %sub3A_248 = arith.constant 1 : i32
      %sub3A_249 = vector.broadcast %sub3A_248 : i32 to vector<16xi32>
      %sub3A_250 = arith.subi %add3A_247, %sub3A_249 : vector<16xi32>
      tpu.vector_store_idx %arg8[%sub3A_250], %get3A_227 masked %and3A_240 : memref<1024xi32, #tpu.memory_space<vmem>>[vector<16xi32>], vector<16xi32>, vector<16xi1>
      tpu.vector_store_idx %arg9[%sub3A_250], %get3A_229 masked %and3A_240 : memref<1024xi32, #tpu.memory_space<vmem>>[vector<16xi32>], vector<16xi32>, vector<16xi1>
      %all_reduce_population_count3A = tpu.all_reduce %and3A_240 {dim = 0 : i64, kind = #tpu.reduction_kind<sum>} : vector<16xi1> -> vector<16xi32>
      %add3A_251 = arith.addi %while3A_220, %all_reduce_population_count3A : vector<16xi32>
      %eq3A_252 = arith.constant 1 : i32
      %eq3A_253 = vector.broadcast %eq3A_252 : i32 to vector<16xi32>
      %eq3A_254 = arith.cmpi eq, %shift_right_logical3A_236, %eq3A_253 : vector<16xi32>
      %and3A_255 = arith.andi %lt3A_232, %eq3A_254 : vector<16xi1>
      %convert_element_type3A_256 = arith.extui %and3A_255 : vector<16xi1> to vector<16xi32>
      %add3A_257 = arith.constant 256 : i32
      %add3A_258 = vector.broadcast %add3A_257 : i32 to vector<16xi32>
      %add3A_259 = arith.addi %add3A_258, %while3A_221 : vector<16xi32>
      %broadcast_in_dim3A_260 = arith.constant true
      %broadcast_in_dim3A_261 = vector.broadcast %broadcast_in_dim3A_260 : i1 to vector<16xi1>
      %masked_cumsum3A_262 = tpu.scan <sum>, %convert_element_type3A_256 masked %broadcast_in_dim3A_261 : vector<16xi32>, vector<16xi1> -> vector<16xi32>
      %add3A_263 = arith.addi %add3A_259, %masked_cumsum3A_262 : vector<16xi32>
      %sub3A_264 = arith.constant 1 : i32
      %sub3A_265 = vector.broadcast %sub3A_264 : i32 to vector<16xi32>
      %sub3A_266 = arith.subi %add3A_263, %sub3A_265 : vector<16xi32>
      tpu.vector_store_idx %arg8[%sub3A_266], %get3A_227 masked %and3A_255 : memref<1024xi32, #tpu.memory_space<vmem>>[vector<16xi32>], vector<16xi32>, vector<16xi1>
      tpu.vector_store_idx %arg9[%sub3A_266], %get3A_229 masked %and3A_255 : memref<1024xi32, #tpu.memory_space<vmem>>[vector<16xi32>], vector<16xi32>, vector<16xi1>
      %all_reduce_population_count3A_267 = tpu.all_reduce %and3A_255 {dim = 0 : i64, kind = #tpu.reduction_kind<sum>} : vector<16xi1> -> vector<16xi32>
      %add3A_268 = arith.addi %while3A_221, %all_reduce_population_count3A_267 : vector<16xi32>
      %eq3A_269 = arith.constant 2 : i32
      %eq3A_270 = vector.broadcast %eq3A_269 : i32 to vector<16xi32>
      %eq3A_271 = arith.cmpi eq, %shift_right_logical3A_236, %eq3A_270 : vector<16xi32>
      %and3A_272 = arith.andi %lt3A_232, %eq3A_271 : vector<16xi1>
      %convert_element_type3A_273 = arith.extui %and3A_272 : vector<16xi1> to vector<16xi32>
      %add3A_274 = arith.constant 512 : i32
      %add3A_275 = vector.broadcast %add3A_274 : i32 to vector<16xi32>
      %add3A_276 = arith.addi %add3A_275, %while3A_222 : vector<16xi32>
      %broadcast_in_dim3A_277 = arith.constant true
      %broadcast_in_dim3A_278 = vector.broadcast %broadcast_in_dim3A_277 : i1 to vector<16xi1>
      %masked_cumsum3A_279 = tpu.scan <sum>, %convert_element_type3A_273 masked %broadcast_in_dim3A_278 : vector<16xi32>, vector<16xi1> -> vector<16xi32>
      %add3A_280 = arith.addi %add3A_276, %masked_cumsum3A_279 : vector<16xi32>
      %sub3A_281 = arith.constant 1 : i32
      %sub3A_282 = vector.broadcast %sub3A_281 : i32 to vector<16xi32>
      %sub3A_283 = arith.subi %add3A_280, %sub3A_282 : vector<16xi32>
      tpu.vector_store_idx %arg8[%sub3A_283], %get3A_227 masked %and3A_272 : memref<1024xi32, #tpu.memory_space<vmem>>[vector<16xi32>], vector<16xi32>, vector<16xi1>
      tpu.vector_store_idx %arg9[%sub3A_283], %get3A_229 masked %and3A_272 : memref<1024xi32, #tpu.memory_space<vmem>>[vector<16xi32>], vector<16xi32>, vector<16xi1>
      %all_reduce_population_count3A_284 = tpu.all_reduce %and3A_272 {dim = 0 : i64, kind = #tpu.reduction_kind<sum>} : vector<16xi1> -> vector<16xi32>
      %add3A_285 = arith.addi %while3A_222, %all_reduce_population_count3A_284 : vector<16xi32>
      %eq3A_286 = arith.constant 3 : i32
      %eq3A_287 = vector.broadcast %eq3A_286 : i32 to vector<16xi32>
      %eq3A_288 = arith.cmpi eq, %shift_right_logical3A_236, %eq3A_287 : vector<16xi32>
      %and3A_289 = arith.andi %lt3A_232, %eq3A_288 : vector<16xi1>
      %convert_element_type3A_290 = arith.extui %and3A_289 : vector<16xi1> to vector<16xi32>
      %add3A_291 = arith.constant 768 : i32
      %add3A_292 = vector.broadcast %add3A_291 : i32 to vector<16xi32>
      %add3A_293 = arith.addi %add3A_292, %while3A_223 : vector<16xi32>
      %broadcast_in_dim3A_294 = arith.constant true
      %broadcast_in_dim3A_295 = vector.broadcast %broadcast_in_dim3A_294 : i1 to vector<16xi1>
      %masked_cumsum3A_296 = tpu.scan <sum>, %convert_element_type3A_290 masked %broadcast_in_dim3A_295 : vector<16xi32>, vector<16xi1> -> vector<16xi32>
      %add3A_297 = arith.addi %add3A_293, %masked_cumsum3A_296 : vector<16xi32>
      %sub3A_298 = arith.constant 1 : i32
      %sub3A_299 = vector.broadcast %sub3A_298 : i32 to vector<16xi32>
      %sub3A_300 = arith.subi %add3A_297, %sub3A_299 : vector<16xi32>
      tpu.vector_store_idx %arg8[%sub3A_300], %get3A_227 masked %and3A_289 : memref<1024xi32, #tpu.memory_space<vmem>>[vector<16xi32>], vector<16xi32>, vector<16xi1>
      tpu.vector_store_idx %arg9[%sub3A_300], %get3A_229 masked %and3A_289 : memref<1024xi32, #tpu.memory_space<vmem>>[vector<16xi32>], vector<16xi32>, vector<16xi1>
      %all_reduce_population_count3A_301 = tpu.all_reduce %and3A_289 {dim = 0 : i64, kind = #tpu.reduction_kind<sum>} : vector<16xi1> -> vector<16xi32>
      %add3A_302 = arith.addi %while3A_223, %all_reduce_population_count3A_301 : vector<16xi32>
      scf.yield %add3A_251, %add3A_268, %add3A_285, %add3A_302 : vector<16xi32>, vector<16xi32>, vector<16xi32>, vector<16xi32>
    }
    %reduce_max3A_149 = arith.constant true
    %reduce_max3A_150 = vector.broadcast %reduce_max3A_149 : i1 to vector<16xi1>
    %reduce_max3A_151 = arith.constant -2147483648 : i32
    %reduce_max3A_152 = vector.broadcast %reduce_max3A_151 : i32 to vector<16xi32>
    %reduce_max3A_153 = arith.xori %while3A_148#0, %reduce_max3A_152 : vector<16xi32>
    %reduce_max3A_154 = tpu.scan <max>, %reduce_max3A_153 masked %reduce_max3A_150 : vector<16xi32>, vector<16xi1> -> vector<16xi32>
    %reduce_max3A_155 = arith.xori %reduce_max3A_154, %reduce_max3A_152 : vector<16xi32>
    %reduce_max3A_156 = vector.extract %reduce_max3A_155[15] : i32 from vector<16xi32>
    %reduce_max3A_157 = arith.constant true
    %reduce_max3A_158 = vector.broadcast %reduce_max3A_157 : i1 to vector<16xi1>
    %reduce_max3A_159 = arith.constant -2147483648 : i32
    %reduce_max3A_160 = vector.broadcast %reduce_max3A_159 : i32 to vector<16xi32>
    %reduce_max3A_161 = arith.xori %while3A_148#1, %reduce_max3A_160 : vector<16xi32>
    %reduce_max3A_162 = tpu.scan <max>, %reduce_max3A_161 masked %reduce_max3A_158 : vector<16xi32>, vector<16xi1> -> vector<16xi32>
    %reduce_max3A_163 = arith.xori %reduce_max3A_162, %reduce_max3A_160 : vector<16xi32>
    %reduce_max3A_164 = vector.extract %reduce_max3A_163[15] : i32 from vector<16xi32>
    %reduce_max3A_165 = arith.constant true
    %reduce_max3A_166 = vector.broadcast %reduce_max3A_165 : i1 to vector<16xi1>
    %reduce_max3A_167 = arith.constant -2147483648 : i32
    %reduce_max3A_168 = vector.broadcast %reduce_max3A_167 : i32 to vector<16xi32>
    %reduce_max3A_169 = arith.xori %while3A_148#2, %reduce_max3A_168 : vector<16xi32>
    %reduce_max3A_170 = tpu.scan <max>, %reduce_max3A_169 masked %reduce_max3A_166 : vector<16xi32>, vector<16xi1> -> vector<16xi32>
    %reduce_max3A_171 = arith.xori %reduce_max3A_170, %reduce_max3A_168 : vector<16xi32>
    %reduce_max3A_172 = vector.extract %reduce_max3A_171[15] : i32 from vector<16xi32>
    %reduce_max3A_173 = arith.constant true
    %reduce_max3A_174 = vector.broadcast %reduce_max3A_173 : i1 to vector<16xi1>
    %reduce_max3A_175 = arith.constant -2147483648 : i32
    %reduce_max3A_176 = vector.broadcast %reduce_max3A_175 : i32 to vector<16xi32>
    %reduce_max3A_177 = arith.xori %while3A_148#3, %reduce_max3A_176 : vector<16xi32>
    %reduce_max3A_178 = tpu.scan <max>, %reduce_max3A_177 masked %reduce_max3A_174 : vector<16xi32>, vector<16xi1> -> vector<16xi32>
    %reduce_max3A_179 = arith.xori %reduce_max3A_178, %reduce_max3A_176 : vector<16xi32>
    %reduce_max3A_180 = vector.extract %reduce_max3A_179[15] : i32 from vector<16xi32>
    %add3A_181 = arith.constant 0 : i32
    %add3A_182 = arith.addi %mul3A_2, %add3A_181 : i32
    %multiple_of3A = tpu.assume_multiple %add3A_182, 128 : i32
    %dma_start3A = arith.constant 0 : i32
    %dma_start3A_183 = tpu.memref_slice %arg3[%dma_start3A, %multiple_of3A] : memref<32x1000000xf32, #tpu.memory_space<hbm>> -> memref<32x512xf32, #tpu.memory_space<hbm>>
    %dma_start3A_184 = arith.constant 0 : i32
    %dma_start3A_185 = tpu.memref_slice %arg3[%dma_start3A_184, %multiple_of3A] : memref<32x1000000xf32, #tpu.memory_space<hbm>> -> memref<32x512xf32, #tpu.memory_space<hbm>>
    tpu.enqueue_dma source(%dma_start3A_185 : memref<32x512xf32, #tpu.memory_space<hbm>>) target(%arg11 : memref<32x512xf32, #tpu.memory_space<vmem>>) target_semaphore(%arg14 : memref<!tpu.dma_semaphore, #tpu.memory_space<semaphore_mem>>)
    %broadcast_in_dim3A_186 = arith.constant 0 : i32
    %broadcast_in_dim3A_187 = vector.broadcast %broadcast_in_dim3A_186 : i32 to vector<16xi32>
    %scan3A_188 = arith.constant 0 : i32
    %scan3A_189 = arith.constant 31 : i32
    %scan3A_190 = arith.addi %scan3A_188, %scan3A_189 : i32
    %scan3A_191 = arith.constant 1 : i32
    %scan3A_192 = scf.for %scan3A_219 = %scan3A_188 to %scan3A_190 step %scan3A_191 iter_args(%scan3A_220 = %broadcast_in_dim3A_187) -> (vector<16xi32>)  : i32 {
      %mul3A_221 = arith.constant 2 : i32
      %mul3A_222 = arith.muli %mul3A_221, %scan3A_219 : i32
      %add3A_223 = arith.constant 1 : i32
      %add3A_224 = arith.addi %mul3A_222, %add3A_223 : i32
      %mul3A_225 = arith.constant 512 : i32
      %mul3A_226 = arith.muli %add3A_224, %mul3A_225 : i32
      %add3A_227 = arith.addi %mul3A_2, %mul3A_226 : i32
      %multiple_of3A_228 = tpu.assume_multiple %add3A_227, 128 : i32
      %dma_start3A_229 = arith.constant 0 : i32
      %dma_start3A_230 = tpu.memref_slice %arg3[%dma_start3A_229, %multiple_of3A_228] : memref<32x1000000xf32, #tpu.memory_space<hbm>> -> memref<32x512xf32, #tpu.memory_space<hbm>>
      %dma_start3A_231 = arith.constant 0 : i32
      %dma_start3A_232 = tpu.memref_slice %arg3[%dma_start3A_231, %multiple_of3A_228] : memref<32x1000000xf32, #tpu.memory_space<hbm>> -> memref<32x512xf32, #tpu.memory_space<hbm>>
      tpu.enqueue_dma source(%dma_start3A_232 : memref<32x512xf32, #tpu.memory_space<hbm>>) target(%arg12 : memref<32x512xf32, #tpu.memory_space<vmem>>) target_semaphore(%arg15 : memref<!tpu.dma_semaphore, #tpu.memory_space<semaphore_mem>>)
      %add3A_233 = arith.constant 0 : i32
      %add3A_234 = arith.addi %mul3A_2, %add3A_233 : i32
      %multiple_of3A_235 = tpu.assume_multiple %add3A_234, 128 : i32
      %dma_wait3A = arith.constant 0 : i32
      %dma_wait3A_236 = tpu.memref_slice %arg3[%dma_wait3A, %multiple_of3A_235] : memref<32x1000000xf32, #tpu.memory_space<hbm>> -> memref<32x512xf32, #tpu.memory_space<hbm>>
      %dma_wait3A_237 = arith.constant 0 : i32
      %dma_wait3A_238 = tpu.memref_slice %arg3[%dma_wait3A_237, %multiple_of3A_235] : memref<32x1000000xf32, #tpu.memory_space<hbm>> -> memref<32x512xf32, #tpu.memory_space<hbm>>
      tpu.wait_dma2 semaphore(%arg14 : memref<!tpu.dma_semaphore, #tpu.memory_space<semaphore_mem>>) src(%dma_wait3A_238 : memref<32x512xf32, #tpu.memory_space<hbm>>) dst(%arg11 : memref<32x512xf32, #tpu.memory_space<vmem>>)
      %mul3A_239 = arith.constant 512 : i32
      %mul3A_240 = arith.muli %mul3A_222, %mul3A_239 : i32
      %add3A_241 = arith.addi %mul3A_2, %mul3A_240 : i32
      %multiple_of3A_242 = tpu.assume_multiple %add3A_241, 128 : i32
      %shift_right_logical3A = arith.constant 4 : i32
      %shift_right_logical3A_243 = arith.shrui %mul3A_222, %shift_right_logical3A : i32
      %eq3A_244 = arith.constant 0 : i32
      %eq3A_245 = arith.cmpi eq, %shift_right_logical3A_243, %eq3A_244 : i32
      %select_n3A_246 = arith.select %eq3A_245, %reduce_max3A_156, %reduce_max3A_180 : i32
      %eq3A_247 = arith.constant 1 : i32
      %eq3A_248 = arith.cmpi eq, %shift_right_logical3A_243, %eq3A_247 : i32
      %select_n3A_249 = arith.select %eq3A_248, %reduce_max3A_164, %select_n3A_246 : i32
      %eq3A_250 = arith.constant 2 : i32
      %eq3A_251 = arith.cmpi eq, %shift_right_logical3A_243, %eq3A_250 : i32
      %select_n3A_252 = arith.select %eq3A_251, %reduce_max3A_172, %select_n3A_249 : i32
      %add3A_253 = arith.constant 16 : i32
      %add3A_254 = arith.addi %select_n3A_252, %add3A_253 : i32
      %sub3A_255 = arith.constant 1 : i32
      %sub3A_256 = arith.subi %add3A_254, %sub3A_255 : i32
      %jit3A_257 = arith.constant 16 : i32
      %div3A_258 = arith.divsi %sub3A_256, %jit3A_257 : i32
      %sign3A_259 = arith.constant 0 : i32
      %sign3A_260 = arith.cmpi sgt, %sub3A_256, %sign3A_259 : i32
      %sign3A_261 = arith.extui %sign3A_260 : i1 to i32
      %sign3A_262 = arith.constant 0 : i32
      %sign3A_263 = arith.cmpi slt, %sub3A_256, %sign3A_262 : i32
      %sign3A_264 = arith.extui %sign3A_263 : i1 to i32
      %sign3A_265 = arith.subi %sign3A_261, %sign3A_264 : i32
      %sign3A_266 = arith.constant 0 : i32
      %sign3A_267 = arith.cmpi sgt, %jit3A_257, %sign3A_266 : i32
      %sign3A_268 = arith.extui %sign3A_267 : i1 to i32
      %sign3A_269 = arith.constant 0 : i32
      %sign3A_270 = arith.cmpi slt, %jit3A_257, %sign3A_269 : i32
      %sign3A_271 = arith.extui %sign3A_270 : i1 to i32
      %sign3A_272 = arith.subi %sign3A_268, %sign3A_271 : i32
      %ne3A_273 = arith.cmpi ne, %sign3A_265, %sign3A_272 : i32
      %rem3A_274 = arith.remsi %sub3A_256, %jit3A_257 : i32
      %ne3A_275 = arith.constant 0 : i32
      %ne3A_276 = arith.cmpi ne, %rem3A_274, %ne3A_275 : i32
      %and3A_277 = arith.andi %ne3A_273, %ne3A_276 : i1
      %sub3A_278 = arith.constant 1 : i32
      %sub3A_279 = arith.subi %div3A_258, %sub3A_278 : i32
      %select_n3A_280 = arith.select %and3A_277, %sub3A_279, %div3A_258 : i32
      %while3A_281 = arith.constant 0 : i32
      %while3A_282 = arith.subi %select_n3A_280, %while3A_281 : i32
      %while3A_283 = arith.addi %while3A_281, %while3A_282 : i32
      %while3A_284 = arith.constant 1 : i32
      %while3A_285 = arith.divsi %while3A_282, %while3A_284 : i32
      %while3A_286 = arith.muli %while3A_285, %while3A_284 : i32
      %while3A_287 = arith.addi %while3A_281, %while3A_286 : i32
      %while3A_288 = arith.constant 1 : i32
      %while3A_289 = scf.for %while3A_357 = %while3A_281 to %while3A_287 step %while3A_288 iter_args(%while3A_358 = %scan3A_220) -> (vector<16xi32>)  : i32 {
        %mul3A_359 = arith.constant 256 : i32
        %mul3A_360 = arith.muli %shift_right_logical3A_243, %mul3A_359 : i32
        %mul3A_361 = arith.constant 16 : i32
        %mul3A_362 = arith.muli %while3A_357, %mul3A_361 : i32
        %add3A_363 = arith.addi %mul3A_360, %mul3A_362 : i32
        %multiple_of3A_364 = tpu.assume_multiple %add3A_363, 16 : i32
        %get3A = arith.index_cast %multiple_of3A_364 : i32 to index
        %get3A_365 = tpu.vector_load %arg8[%get3A] {strides = array<i32>} : memref<1024xi32, #tpu.memory_space<vmem>>, vector<16xi32>,
        %get3A_366 = arith.index_cast %multiple_of3A_364 : i32 to index
        %get3A_367 = tpu.vector_load %arg9[%get3A_366] {strides = array<i32>} : memref<1024xi32, #tpu.memory_space<vmem>>, vector<16xi32>,
        %mul3A_368 = arith.constant 16 : i32
        %mul3A_369 = arith.muli %while3A_357, %mul3A_368 : i32
        %add3A_370 = vector.broadcast %mul3A_369 : i32 to vector<16xi32>
        %add3A_371 = arith.addi %add3A_370, %iota3A : vector<16xi32>
        %lt3A_372 = vector.broadcast %select_n3A_252 : i32 to vector<16xi32>
        %lt3A_373 = arith.cmpi slt, %add3A_371, %lt3A_372 : vector<16xi32>
        %ge3A = vector.broadcast %multiple_of3A_242 : i32 to vector<16xi32>
        %ge3A_374 = arith.cmpi sge, %get3A_365, %ge3A : vector<16xi32>
        %and3A_375 = arith.andi %lt3A_373, %ge3A_374 : vector<16xi1>
        %add3A_376 = arith.constant 512 : i32
        %add3A_377 = arith.addi %multiple_of3A_242, %add3A_376 : i32
        %lt3A_378 = vector.broadcast %add3A_377 : i32 to vector<16xi32>
        %lt3A_379 = arith.cmpi slt, %get3A_365, %lt3A_378 : vector<16xi32>
        %and3A_380 = arith.andi %and3A_375, %lt3A_379 : vector<16xi1>
        %convert_element_type3A_381 = arith.extui %and3A_380 : vector<16xi1> to vector<16xi32>
        %reduce_or3A = arith.constant 1.000000e+00 : f32
        %reduce_or3A_382 = arith.constant 0.000000e+00 : f32
        %reduce_or3A_383 = vector.broadcast %reduce_or3A : f32 to vector<16xf32>
        %reduce_or3A_384 = vector.broadcast %reduce_or3A_382 : f32 to vector<16xf32>
        %reduce_or3A_385 = arith.select %and3A_380, %reduce_or3A_383, %reduce_or3A_384 : vector<16xi1>, vector<16xf32>
        %reduce_or3A_386 = arith.constant true
        %reduce_or3A_387 = vector.broadcast %reduce_or3A_386 : i1 to vector<16xi1>
        %reduce_or3A_388 = tpu.scan <max>, %reduce_or3A_385 masked %reduce_or3A_387 : vector<16xf32>, vector<16xi1> -> vector<16xf32>
        %reduce_or3A_389 = vector.extract %reduce_or3A_388[15] : f32 from vector<16xf32>
        %reduce_or3A_390 = arith.constant 0.000000e+00 : f32
        %reduce_or3A_391 = arith.cmpf ogt, %reduce_or3A_389, %reduce_or3A_390 : f32
        %convert_element_type3A_392 = arith.extui %reduce_or3A_391 : i1 to i32
        %cond3A_393 = arith.constant 0 : i32
        %cond3A_394 = arith.cmpi ne, %convert_element_type3A_392, %cond3A_393 : i32
        scf.if %cond3A_394 {
          %broadcast_in_dim3A_396 = arith.constant true
          %broadcast_in_dim3A_397 = vector.broadcast %broadcast_in_dim3A_396 : i1 to vector<16xi1>
          %masked_cumsum3A = tpu.scan <sum>, %convert_element_type3A_381 masked %broadcast_in_dim3A_397 : vector<16xi32>, vector<16xi1> -> vector<16xi32>
          %add3A_398 = arith.addi %while3A_358, %masked_cumsum3A : vector<16xi32>
          %sub3A_399 = arith.constant 1 : i32
          %sub3A_400 = vector.broadcast %sub3A_399 : i32 to vector<16xi32>
          %sub3A_401 = arith.subi %add3A_398, %sub3A_400 : vector<16xi32>
          %sub3A_402 = vector.broadcast %multiple_of3A_242 : i32 to vector<16xi32>
          %sub3A_403 = arith.subi %get3A_365, %sub3A_402 : vector<16xi32>
          tpu.vector_store_idx %arg10[%sub3A_401], %get3A_367 masked %and3A_380 : memref<1024xi32, #tpu.memory_space<vmem>>[vector<16xi32>], vector<16xi32>, vector<16xi1>
          %scan3A_404 = arith.constant 0 : i32
          %scan3A_405 = arith.constant 0 : i32
          %scan3A_406 = arith.constant 8 : i32
          %scan3A_407 = arith.addi %scan3A_405, %scan3A_406 : i32
          %scan3A_408 = arith.constant 1 : i32
          scf.for %scan3A_410 = %scan3A_405 to %scan3A_407 step %scan3A_408  : i32 {
            %mul3A_411 = arith.constant 4 : i32
            %mul3A_412 = arith.muli %scan3A_410, %mul3A_411 : i32
            %add3A_413 = arith.constant 0 : i32
            %add3A_414 = arith.addi %mul3A_412, %add3A_413 : i32
            %broadcast_in_dim3A_415 = vector.broadcast %add3A_414 : i32 to vector<16xi32>
            %gather3A = tpu.vector_load_idx %arg11[%broadcast_in_dim3A_415, %sub3A_403] masked %and3A_380 : memref<32x512xf32, #tpu.memory_space<vmem>>[vector<16xi32>, vector<16xi32>], vector<16xf32>, vector<16xi1>
            tpu.vector_store_idx %arg13[%sub3A_401, %broadcast_in_dim3A_415], %gather3A masked %and3A_380 : memref<640x128xf32, #tpu.memory_space<vmem>>[vector<16xi32>, vector<16xi32>], vector<16xf32>, vector<16xi1>
            %mul3A_416 = arith.constant 4 : i32
            %mul3A_417 = arith.muli %scan3A_410, %mul3A_416 : i32
            %add3A_418 = arith.constant 1 : i32
            %add3A_419 = arith.addi %mul3A_417, %add3A_418 : i32
            %broadcast_in_dim3A_420 = vector.broadcast %add3A_419 : i32 to vector<16xi32>
            %gather3A_421 = tpu.vector_load_idx %arg11[%broadcast_in_dim3A_420, %sub3A_403] masked %and3A_380 : memref<32x512xf32, #tpu.memory_space<vmem>>[vector<16xi32>, vector<16xi32>], vector<16xf32>, vector<16xi1>
            tpu.vector_store_idx %arg13[%sub3A_401, %broadcast_in_dim3A_420], %gather3A_421 masked %and3A_380 : memref<640x128xf32, #tpu.memory_space<vmem>>[vector<16xi32>, vector<16xi32>], vector<16xf32>, vector<16xi1>
            %mul3A_422 = arith.constant 4 : i32
            %mul3A_423 = arith.muli %scan3A_410, %mul3A_422 : i32
            %add3A_424 = arith.constant 2 : i32
            %add3A_425 = arith.addi %mul3A_423, %add3A_424 : i32
            %broadcast_in_dim3A_426 = vector.broadcast %add3A_425 : i32 to vector<16xi32>
            %gather3A_427 = tpu.vector_load_idx %arg11[%broadcast_in_dim3A_426, %sub3A_403] masked %and3A_380 : memref<32x512xf32, #tpu.memory_space<vmem>>[vector<16xi32>, vector<16xi32>], vector<16xf32>, vector<16xi1>
            tpu.vector_store_idx %arg13[%sub3A_401, %broadcast_in_dim3A_426], %gather3A_427 masked %and3A_380 : memref<640x128xf32, #tpu.memory_space<vmem>>[vector<16xi32>, vector<16xi32>], vector<16xf32>, vector<16xi1>
            %mul3A_428 = arith.constant 4 : i32
            %mul3A_429 = arith.muli %scan3A_410, %mul3A_428 : i32
            %add3A_430 = arith.constant 3 : i32
            %add3A_431 = arith.addi %mul3A_429, %add3A_430 : i32
            %broadcast_in_dim3A_432 = vector.broadcast %add3A_431 : i32 to vector<16xi32>
            %gather3A_433 = tpu.vector_load_idx %arg11[%broadcast_in_dim3A_432, %sub3A_403] masked %and3A_380 : memref<32x512xf32, #tpu.memory_space<vmem>>[vector<16xi32>, vector<16xi32>], vector<16xf32>, vector<16xi1>
            tpu.vector_store_idx %arg13[%sub3A_401, %broadcast_in_dim3A_432], %gather3A_433 masked %and3A_380 : memref<640x128xf32, #tpu.memory_space<vmem>>[vector<16xi32>, vector<16xi32>], vector<16xf32>, vector<16xi1>
          }
          %scan3A_409 = arith.constant 8 : i32
        } else {
        }
        %all_reduce_population_count3A = tpu.all_reduce %and3A_380 {dim = 0 : i64, kind = #tpu.reduction_kind<sum>} : vector<16xi1> -> vector<16xi32>
        %add3A_395 = arith.addi %while3A_358, %all_reduce_population_count3A : vector<16xi32>
        scf.yield %add3A_395 : vector<16xi32>
      }
      %while3A_290 = arith.constant 1 : i32
      %while3A_291 = scf.for %while3A_357 = %while3A_287 to %while3A_283 step %while3A_290 iter_args(%while3A_358 = %while3A_289) -> (vector<16xi32>)  : i32 {
        %mul3A_359 = arith.constant 256 : i32
        %mul3A_360 = arith.muli %shift_right_logical3A_243, %mul3A_359 : i32
        %mul3A_361 = arith.constant 16 : i32
        %mul3A_362 = arith.muli %while3A_357, %mul3A_361 : i32
        %add3A_363 = arith.addi %mul3A_360, %mul3A_362 : i32
        %multiple_of3A_364 = tpu.assume_multiple %add3A_363, 16 : i32
        %get3A = arith.index_cast %multiple_of3A_364 : i32 to index
        %get3A_365 = tpu.vector_load %arg8[%get3A] {strides = array<i32>} : memref<1024xi32, #tpu.memory_space<vmem>>, vector<16xi32>,
        %get3A_366 = arith.index_cast %multiple_of3A_364 : i32 to index
        %get3A_367 = tpu.vector_load %arg9[%get3A_366] {strides = array<i32>} : memref<1024xi32, #tpu.memory_space<vmem>>, vector<16xi32>,
        %mul3A_368 = arith.constant 16 : i32
        %mul3A_369 = arith.muli %while3A_357, %mul3A_368 : i32
        %add3A_370 = vector.broadcast %mul3A_369 : i32 to vector<16xi32>
        %add3A_371 = arith.addi %add3A_370, %iota3A : vector<16xi32>
        %lt3A_372 = vector.broadcast %select_n3A_252 : i32 to vector<16xi32>
        %lt3A_373 = arith.cmpi slt, %add3A_371, %lt3A_372 : vector<16xi32>
        %ge3A = vector.broadcast %multiple_of3A_242 : i32 to vector<16xi32>
        %ge3A_374 = arith.cmpi sge, %get3A_365, %ge3A : vector<16xi32>
        %and3A_375 = arith.andi %lt3A_373, %ge3A_374 : vector<16xi1>
        %add3A_376 = arith.constant 512 : i32
        %add3A_377 = arith.addi %multiple_of3A_242, %add3A_376 : i32
        %lt3A_378 = vector.broadcast %add3A_377 : i32 to vector<16xi32>
        %lt3A_379 = arith.cmpi slt, %get3A_365, %lt3A_378 : vector<16xi32>
        %and3A_380 = arith.andi %and3A_375, %lt3A_379 : vector<16xi1>
        %convert_element_type3A_381 = arith.extui %and3A_380 : vector<16xi1> to vector<16xi32>
        %reduce_or3A = arith.constant 1.000000e+00 : f32
        %reduce_or3A_382 = arith.constant 0.000000e+00 : f32
        %reduce_or3A_383 = vector.broadcast %reduce_or3A : f32 to vector<16xf32>
        %reduce_or3A_384 = vector.broadcast %reduce_or3A_382 : f32 to vector<16xf32>
        %reduce_or3A_385 = arith.select %and3A_380, %reduce_or3A_383, %reduce_or3A_384 : vector<16xi1>, vector<16xf32>
        %reduce_or3A_386 = arith.constant true
        %reduce_or3A_387 = vector.broadcast %reduce_or3A_386 : i1 to vector<16xi1>
        %reduce_or3A_388 = tpu.scan <max>, %reduce_or3A_385 masked %reduce_or3A_387 : vector<16xf32>, vector<16xi1> -> vector<16xf32>
        %reduce_or3A_389 = vector.extract %reduce_or3A_388[15] : f32 from vector<16xf32>
        %reduce_or3A_390 = arith.constant 0.000000e+00 : f32
        %reduce_or3A_391 = arith.cmpf ogt, %reduce_or3A_389, %reduce_or3A_390 : f32
        %convert_element_type3A_392 = arith.extui %reduce_or3A_391 : i1 to i32
        %cond3A_393 = arith.constant 0 : i32
        %cond3A_394 = arith.cmpi ne, %convert_element_type3A_392, %cond3A_393 : i32
        scf.if %cond3A_394 {
          %broadcast_in_dim3A_396 = arith.constant true
          %broadcast_in_dim3A_397 = vector.broadcast %broadcast_in_dim3A_396 : i1 to vector<16xi1>
          %masked_cumsum3A = tpu.scan <sum>, %convert_element_type3A_381 masked %broadcast_in_dim3A_397 : vector<16xi32>, vector<16xi1> -> vector<16xi32>
          %add3A_398 = arith.addi %while3A_358, %masked_cumsum3A : vector<16xi32>
          %sub3A_399 = arith.constant 1 : i32
          %sub3A_400 = vector.broadcast %sub3A_399 : i32 to vector<16xi32>
          %sub3A_401 = arith.subi %add3A_398, %sub3A_400 : vector<16xi32>
          %sub3A_402 = vector.broadcast %multiple_of3A_242 : i32 to vector<16xi32>
          %sub3A_403 = arith.subi %get3A_365, %sub3A_402 : vector<16xi32>
          tpu.vector_store_idx %arg10[%sub3A_401], %get3A_367 masked %and3A_380 : memref<1024xi32, #tpu.memory_space<vmem>>[vector<16xi32>], vector<16xi32>, vector<16xi1>
          %scan3A_404 = arith.constant 0 : i32
          %scan3A_405 = arith.constant 0 : i32
          %scan3A_406 = arith.constant 8 : i32
          %scan3A_407 = arith.addi %scan3A_405, %scan3A_406 : i32
          %scan3A_408 = arith.constant 1 : i32
          scf.for %scan3A_410 = %scan3A_405 to %scan3A_407 step %scan3A_408  : i32 {
            %mul3A_411 = arith.constant 4 : i32
            %mul3A_412 = arith.muli %scan3A_410, %mul3A_411 : i32
            %add3A_413 = arith.constant 0 : i32
            %add3A_414 = arith.addi %mul3A_412, %add3A_413 : i32
            %broadcast_in_dim3A_415 = vector.broadcast %add3A_414 : i32 to vector<16xi32>
            %gather3A = tpu.vector_load_idx %arg11[%broadcast_in_dim3A_415, %sub3A_403] masked %and3A_380 : memref<32x512xf32, #tpu.memory_space<vmem>>[vector<16xi32>, vector<16xi32>], vector<16xf32>, vector<16xi1>
            tpu.vector_store_idx %arg13[%sub3A_401, %broadcast_in_dim3A_415], %gather3A masked %and3A_380 : memref<640x128xf32, #tpu.memory_space<vmem>>[vector<16xi32>, vector<16xi32>], vector<16xf32>, vector<16xi1>
            %mul3A_416 = arith.constant 4 : i32
            %mul3A_417 = arith.muli %scan3A_410, %mul3A_416 : i32
            %add3A_418 = arith.constant 1 : i32
            %add3A_419 = arith.addi %mul3A_417, %add3A_418 : i32
            %broadcast_in_dim3A_420 = vector.broadcast %add3A_419 : i32 to vector<16xi32>
            %gather3A_421 = tpu.vector_load_idx %arg11[%broadcast_in_dim3A_420, %sub3A_403] masked %and3A_380 : memref<32x512xf32, #tpu.memory_space<vmem>>[vector<16xi32>, vector<16xi32>], vector<16xf32>, vector<16xi1>
            tpu.vector_store_idx %arg13[%sub3A_401, %broadcast_in_dim3A_420], %gather3A_421 masked %and3A_380 : memref<640x128xf32, #tpu.memory_space<vmem>>[vector<16xi32>, vector<16xi32>], vector<16xf32>, vector<16xi1>
            %mul3A_422 = arith.constant 4 : i32
            %mul3A_423 = arith.muli %scan3A_410, %mul3A_422 : i32
            %add3A_424 = arith.constant 2 : i32
            %add3A_425 = arith.addi %mul3A_423, %add3A_424 : i32
            %broadcast_in_dim3A_426 = vector.broadcast %add3A_425 : i32 to vector<16xi32>
            %gather3A_427 = tpu.vector_load_idx %arg11[%broadcast_in_dim3A_426, %sub3A_403] masked %and3A_380 : memref<32x512xf32, #tpu.memory_space<vmem>>[vector<16xi32>, vector<16xi32>], vector<16xf32>, vector<16xi1>
            tpu.vector_store_idx %arg13[%sub3A_401, %broadcast_in_dim3A_426], %gather3A_427 masked %and3A_380 : memref<640x128xf32, #tpu.memory_space<vmem>>[vector<16xi32>, vector<16xi32>], vector<16xf32>, vector<16xi1>
            %mul3A_428 = arith.constant 4 : i32
            %mul3A_429 = arith.muli %scan3A_410, %mul3A_428 : i32
            %add3A_430 = arith.constant 3 : i32
            %add3A_431 = arith.addi %mul3A_429, %add3A_430 : i32
            %broadcast_in_dim3A_432 = vector.broadcast %add3A_431 : i32 to vector<16xi32>
            %gather3A_433 = tpu.vector_load_idx %arg11[%broadcast_in_dim3A_432, %sub3A_403] masked %and3A_380 : memref<32x512xf32, #tpu.memory_space<vmem>>[vector<16xi32>, vector<16xi32>], vector<16xf32>, vector<16xi1>
            tpu.vector_store_idx %arg13[%sub3A_401, %broadcast_in_dim3A_432], %gather3A_433 masked %and3A_380 : memref<640x128xf32, #tpu.memory_space<vmem>>[vector<16xi32>, vector<16xi32>], vector<16xf32>, vector<16xi1>
          }
          %scan3A_409 = arith.constant 8 : i32
        } else {
        }
        %all_reduce_population_count3A = tpu.all_reduce %and3A_380 {dim = 0 : i64, kind = #tpu.reduction_kind<sum>} : vector<16xi1> -> vector<16xi32>
        %add3A_395 = arith.addi %while3A_358, %all_reduce_population_count3A : vector<16xi32>
        scf.yield %add3A_395 : vector<16xi32>
      }
      %lt3A = arith.constant 61 : i32
      %lt3A_292 = arith.cmpi slt, %add3A_224, %lt3A : i32
      %convert_element_type3A_293 = arith.extui %lt3A_292 : i1 to i32
      %cond3A_294 = arith.constant 0 : i32
      %cond3A_295 = arith.cmpi ne, %convert_element_type3A_293, %cond3A_294 : i32
      scf.if %cond3A_295 {
        %add3A_357 = arith.constant 1 : i32
        %add3A_358 = arith.addi %add3A_224, %add3A_357 : i32
        %mul3A_359 = arith.constant 512 : i32
        %mul3A_360 = arith.muli %add3A_358, %mul3A_359 : i32
        %add3A_361 = arith.addi %mul3A_2, %mul3A_360 : i32
        %multiple_of3A_362 = tpu.assume_multiple %add3A_361, 128 : i32
        %dma_start3A_363 = arith.constant 0 : i32
        %dma_start3A_364 = tpu.memref_slice %arg3[%dma_start3A_363, %multiple_of3A_362] : memref<32x1000000xf32, #tpu.memory_space<hbm>> -> memref<32x512xf32, #tpu.memory_space<hbm>>
        %dma_start3A_365 = arith.constant 0 : i32
        %dma_start3A_366 = tpu.memref_slice %arg3[%dma_start3A_365, %multiple_of3A_362] : memref<32x1000000xf32, #tpu.memory_space<hbm>> -> memref<32x512xf32, #tpu.memory_space<hbm>>
        tpu.enqueue_dma source(%dma_start3A_366 : memref<32x512xf32, #tpu.memory_space<hbm>>) target(%arg11 : memref<32x512xf32, #tpu.memory_space<vmem>>) target_semaphore(%arg14 : memref<!tpu.dma_semaphore, #tpu.memory_space<semaphore_mem>>)
      } else {
      }
      %add3A_296 = arith.constant 0 : i32
      %add3A_297 = arith.addi %mul3A_2, %add3A_296 : i32
      %multiple_of3A_298 = tpu.assume_multiple %add3A_297, 128 : i32
      %dma_wait3A_299 = arith.constant 0 : i32
      %dma_wait3A_300 = tpu.memref_slice %arg3[%dma_wait3A_299, %multiple_of3A_298] : memref<32x1000000xf32, #tpu.memory_space<hbm>> -> memref<32x512xf32, #tpu.memory_space<hbm>>
      %dma_wait3A_301 = arith.constant 0 : i32
      %dma_wait3A_302 = tpu.memref_slice %arg3[%dma_wait3A_301, %multiple_of3A_298] : memref<32x1000000xf32, #tpu.memory_space<hbm>> -> memref<32x512xf32, #tpu.memory_space<hbm>>
      tpu.wait_dma2 semaphore(%arg15 : memref<!tpu.dma_semaphore, #tpu.memory_space<semaphore_mem>>) src(%dma_wait3A_302 : memref<32x512xf32, #tpu.memory_space<hbm>>) dst(%arg12 : memref<32x512xf32, #tpu.memory_space<vmem>>)
      %mul3A_303 = arith.constant 512 : i32
      %mul3A_304 = arith.muli %add3A_224, %mul3A_303 : i32
      %add3A_305 = arith.addi %mul3A_2, %mul3A_304 : i32
      %multiple_of3A_306 = tpu.assume_multiple %add3A_305, 128 : i32
      %shift_right_logical3A_307 = arith.constant 4 : i32
      %shift_right_logical3A_308 = arith.shrui %add3A_224, %shift_right_logical3A_307 : i32
      %eq3A_309 = arith.constant 0 : i32
      %eq3A_310 = arith.cmpi eq, %shift_right_logical3A_308, %eq3A_309 : i32
      %select_n3A_311 = arith.select %eq3A_310, %reduce_max3A_156, %reduce_max3A_180 : i32
      %eq3A_312 = arith.constant 1 : i32
      %eq3A_313 = arith.cmpi eq, %shift_right_logical3A_308, %eq3A_312 : i32
      %select_n3A_314 = arith.select %eq3A_313, %reduce_max3A_164, %select_n3A_311 : i32
      %eq3A_315 = arith.constant 2 : i32
      %eq3A_316 = arith.cmpi eq, %shift_right_logical3A_308, %eq3A_315 : i32
      %select_n3A_317 = arith.select %eq3A_316, %reduce_max3A_172, %select_n3A_314 : i32
      %add3A_318 = arith.constant 16 : i32
      %add3A_319 = arith.addi %select_n3A_317, %add3A_318 : i32
      %sub3A_320 = arith.constant 1 : i32
      %sub3A_321 = arith.subi %add3A_319, %sub3A_320 : i32
      %jit3A_322 = arith.constant 16 : i32
      %div3A_323 = arith.divsi %sub3A_321, %jit3A_322 : i32
      %sign3A_324 = arith.constant 0 : i32
      %sign3A_325 = arith.cmpi sgt, %sub3A_321, %sign3A_324 : i32
      %sign3A_326 = arith.extui %sign3A_325 : i1 to i32
      %sign3A_327 = arith.constant 0 : i32
      %sign3A_328 = arith.cmpi slt, %sub3A_321, %sign3A_327 : i32
      %sign3A_329 = arith.extui %sign3A_328 : i1 to i32
      %sign3A_330 = arith.subi %sign3A_326, %sign3A_329 : i32
      %sign3A_331 = arith.constant 0 : i32
      %sign3A_332 = arith.cmpi sgt, %jit3A_322, %sign3A_331 : i32
      %sign3A_333 = arith.extui %sign3A_332 : i1 to i32
      %sign3A_334 = arith.constant 0 : i32
      %sign3A_335 = arith.cmpi slt, %jit3A_322, %sign3A_334 : i32
      %sign3A_336 = arith.extui %sign3A_335 : i1 to i32
      %sign3A_337 = arith.subi %sign3A_333, %sign3A_336 : i32
      %ne3A_338 = arith.cmpi ne, %sign3A_330, %sign3A_337 : i32
      %rem3A_339 = arith.remsi %sub3A_321, %jit3A_322 : i32
      %ne3A_340 = arith.constant 0 : i32
      %ne3A_341 = arith.cmpi ne, %rem3A_339, %ne3A_340 : i32
      %and3A_342 = arith.andi %ne3A_338, %ne3A_341 : i1
      %sub3A_343 = arith.constant 1 : i32
      %sub3A_344 = arith.subi %div3A_323, %sub3A_343 : i32
      %select_n3A_345 = arith.select %and3A_342, %sub3A_344, %div3A_323 : i32
      %while3A_346 = arith.constant 0 : i32
      %while3A_347 = arith.subi %select_n3A_345, %while3A_346 : i32
      %while3A_348 = arith.addi %while3A_346, %while3A_347 : i32
      %while3A_349 = arith.constant 1 : i32
      %while3A_350 = arith.divsi %while3A_347, %while3A_349 : i32
      %while3A_351 = arith.muli %while3A_350, %while3A_349 : i32
      %while3A_352 = arith.addi %while3A_346, %while3A_351 : i32
      %while3A_353 = arith.constant 1 : i32
      %while3A_354 = scf.for %while3A_357 = %while3A_346 to %while3A_352 step %while3A_353 iter_args(%while3A_358 = %while3A_291) -> (vector<16xi32>)  : i32 {
        %mul3A_359 = arith.constant 256 : i32
        %mul3A_360 = arith.muli %shift_right_logical3A_308, %mul3A_359 : i32
        %mul3A_361 = arith.constant 16 : i32
        %mul3A_362 = arith.muli %while3A_357, %mul3A_361 : i32
        %add3A_363 = arith.addi %mul3A_360, %mul3A_362 : i32
        %multiple_of3A_364 = tpu.assume_multiple %add3A_363, 16 : i32
        %get3A = arith.index_cast %multiple_of3A_364 : i32 to index
        %get3A_365 = tpu.vector_load %arg8[%get3A] {strides = array<i32>} : memref<1024xi32, #tpu.memory_space<vmem>>, vector<16xi32>,
        %get3A_366 = arith.index_cast %multiple_of3A_364 : i32 to index
        %get3A_367 = tpu.vector_load %arg9[%get3A_366] {strides = array<i32>} : memref<1024xi32, #tpu.memory_space<vmem>>, vector<16xi32>,
        %mul3A_368 = arith.constant 16 : i32
        %mul3A_369 = arith.muli %while3A_357, %mul3A_368 : i32
        %add3A_370 = vector.broadcast %mul3A_369 : i32 to vector<16xi32>
        %add3A_371 = arith.addi %add3A_370, %iota3A : vector<16xi32>
        %lt3A_372 = vector.broadcast %select_n3A_317 : i32 to vector<16xi32>
        %lt3A_373 = arith.cmpi slt, %add3A_371, %lt3A_372 : vector<16xi32>
        %ge3A = vector.broadcast %multiple_of3A_306 : i32 to vector<16xi32>
        %ge3A_374 = arith.cmpi sge, %get3A_365, %ge3A : vector<16xi32>
        %and3A_375 = arith.andi %lt3A_373, %ge3A_374 : vector<16xi1>
        %add3A_376 = arith.constant 512 : i32
        %add3A_377 = arith.addi %multiple_of3A_306, %add3A_376 : i32
        %lt3A_378 = vector.broadcast %add3A_377 : i32 to vector<16xi32>
        %lt3A_379 = arith.cmpi slt, %get3A_365, %lt3A_378 : vector<16xi32>
        %and3A_380 = arith.andi %and3A_375, %lt3A_379 : vector<16xi1>
        %convert_element_type3A_381 = arith.extui %and3A_380 : vector<16xi1> to vector<16xi32>
        %reduce_or3A = arith.constant 1.000000e+00 : f32
        %reduce_or3A_382 = arith.constant 0.000000e+00 : f32
        %reduce_or3A_383 = vector.broadcast %reduce_or3A : f32 to vector<16xf32>
        %reduce_or3A_384 = vector.broadcast %reduce_or3A_382 : f32 to vector<16xf32>
        %reduce_or3A_385 = arith.select %and3A_380, %reduce_or3A_383, %reduce_or3A_384 : vector<16xi1>, vector<16xf32>
        %reduce_or3A_386 = arith.constant true
        %reduce_or3A_387 = vector.broadcast %reduce_or3A_386 : i1 to vector<16xi1>
        %reduce_or3A_388 = tpu.scan <max>, %reduce_or3A_385 masked %reduce_or3A_387 : vector<16xf32>, vector<16xi1> -> vector<16xf32>
        %reduce_or3A_389 = vector.extract %reduce_or3A_388[15] : f32 from vector<16xf32>
        %reduce_or3A_390 = arith.constant 0.000000e+00 : f32
        %reduce_or3A_391 = arith.cmpf ogt, %reduce_or3A_389, %reduce_or3A_390 : f32
        %convert_element_type3A_392 = arith.extui %reduce_or3A_391 : i1 to i32
        %cond3A_393 = arith.constant 0 : i32
        %cond3A_394 = arith.cmpi ne, %convert_element_type3A_392, %cond3A_393 : i32
        scf.if %cond3A_394 {
          %broadcast_in_dim3A_396 = arith.constant true
          %broadcast_in_dim3A_397 = vector.broadcast %broadcast_in_dim3A_396 : i1 to vector<16xi1>
          %masked_cumsum3A = tpu.scan <sum>, %convert_element_type3A_381 masked %broadcast_in_dim3A_397 : vector<16xi32>, vector<16xi1> -> vector<16xi32>
          %add3A_398 = arith.addi %while3A_358, %masked_cumsum3A : vector<16xi32>
          %sub3A_399 = arith.constant 1 : i32
          %sub3A_400 = vector.broadcast %sub3A_399 : i32 to vector<16xi32>
          %sub3A_401 = arith.subi %add3A_398, %sub3A_400 : vector<16xi32>
          %sub3A_402 = vector.broadcast %multiple_of3A_306 : i32 to vector<16xi32>
          %sub3A_403 = arith.subi %get3A_365, %sub3A_402 : vector<16xi32>
          tpu.vector_store_idx %arg10[%sub3A_401], %get3A_367 masked %and3A_380 : memref<1024xi32, #tpu.memory_space<vmem>>[vector<16xi32>], vector<16xi32>, vector<16xi1>
          %scan3A_404 = arith.constant 0 : i32
          %scan3A_405 = arith.constant 0 : i32
          %scan3A_406 = arith.constant 8 : i32
          %scan3A_407 = arith.addi %scan3A_405, %scan3A_406 : i32
          %scan3A_408 = arith.constant 1 : i32
          scf.for %scan3A_410 = %scan3A_405 to %scan3A_407 step %scan3A_408  : i32 {
            %mul3A_411 = arith.constant 4 : i32
            %mul3A_412 = arith.muli %scan3A_410, %mul3A_411 : i32
            %add3A_413 = arith.constant 0 : i32
            %add3A_414 = arith.addi %mul3A_412, %add3A_413 : i32
            %broadcast_in_dim3A_415 = vector.broadcast %add3A_414 : i32 to vector<16xi32>
            %gather3A = tpu.vector_load_idx %arg12[%broadcast_in_dim3A_415, %sub3A_403] masked %and3A_380 : memref<32x512xf32, #tpu.memory_space<vmem>>[vector<16xi32>, vector<16xi32>], vector<16xf32>, vector<16xi1>
            tpu.vector_store_idx %arg13[%sub3A_401, %broadcast_in_dim3A_415], %gather3A masked %and3A_380 : memref<640x128xf32, #tpu.memory_space<vmem>>[vector<16xi32>, vector<16xi32>], vector<16xf32>, vector<16xi1>
            %mul3A_416 = arith.constant 4 : i32
            %mul3A_417 = arith.muli %scan3A_410, %mul3A_416 : i32
            %add3A_418 = arith.constant 1 : i32
            %add3A_419 = arith.addi %mul3A_417, %add3A_418 : i32
            %broadcast_in_dim3A_420 = vector.broadcast %add3A_419 : i32 to vector<16xi32>
            %gather3A_421 = tpu.vector_load_idx %arg12[%broadcast_in_dim3A_420, %sub3A_403] masked %and3A_380 : memref<32x512xf32, #tpu.memory_space<vmem>>[vector<16xi32>, vector<16xi32>], vector<16xf32>, vector<16xi1>
            tpu.vector_store_idx %arg13[%sub3A_401, %broadcast_in_dim3A_420], %gather3A_421 masked %and3A_380 : memref<640x128xf32, #tpu.memory_space<vmem>>[vector<16xi32>, vector<16xi32>], vector<16xf32>, vector<16xi1>
            %mul3A_422 = arith.constant 4 : i32
            %mul3A_423 = arith.muli %scan3A_410, %mul3A_422 : i32
            %add3A_424 = arith.constant 2 : i32
            %add3A_425 = arith.addi %mul3A_423, %add3A_424 : i32
            %broadcast_in_dim3A_426 = vector.broadcast %add3A_425 : i32 to vector<16xi32>
            %gather3A_427 = tpu.vector_load_idx %arg12[%broadcast_in_dim3A_426, %sub3A_403] masked %and3A_380 : memref<32x512xf32, #tpu.memory_space<vmem>>[vector<16xi32>, vector<16xi32>], vector<16xf32>, vector<16xi1>
            tpu.vector_store_idx %arg13[%sub3A_401, %broadcast_in_dim3A_426], %gather3A_427 masked %and3A_380 : memref<640x128xf32, #tpu.memory_space<vmem>>[vector<16xi32>, vector<16xi32>], vector<16xf32>, vector<16xi1>
            %mul3A_428 = arith.constant 4 : i32
            %mul3A_429 = arith.muli %scan3A_410, %mul3A_428 : i32
            %add3A_430 = arith.constant 3 : i32
            %add3A_431 = arith.addi %mul3A_429, %add3A_430 : i32
            %broadcast_in_dim3A_432 = vector.broadcast %add3A_431 : i32 to vector<16xi32>
            %gather3A_433 = tpu.vector_load_idx %arg12[%broadcast_in_dim3A_432, %sub3A_403] masked %and3A_380 : memref<32x512xf32, #tpu.memory_space<vmem>>[vector<16xi32>, vector<16xi32>], vector<16xf32>, vector<16xi1>
            tpu.vector_store_idx %arg13[%sub3A_401, %broadcast_in_dim3A_432], %gather3A_433 masked %and3A_380 : memref<640x128xf32, #tpu.memory_space<vmem>>[vector<16xi32>, vector<16xi32>], vector<16xf32>, vector<16xi1>
          }
          %scan3A_409 = arith.constant 8 : i32
        } else {
        }
        %all_reduce_population_count3A = tpu.all_reduce %and3A_380 {dim = 0 : i64, kind = #tpu.reduction_kind<sum>} : vector<16xi1> -> vector<16xi32>
        %add3A_395 = arith.addi %while3A_358, %all_reduce_population_count3A : vector<16xi32>
        scf.yield %add3A_395 : vector<16xi32>
      }
      %while3A_355 = arith.constant 1 : i32
      %while3A_356 = scf.for %while3A_357 = %while3A_352 to %while3A_348 step %while3A_355 iter_args(%while3A_358 = %while3A_354) -> (vector<16xi32>)  : i32 {
        %mul3A_359 = arith.constant 256 : i32
        %mul3A_360 = arith.muli %shift_right_logical3A_308, %mul3A_359 : i32
        %mul3A_361 = arith.constant 16 : i32
        %mul3A_362 = arith.muli %while3A_357, %mul3A_361 : i32
        %add3A_363 = arith.addi %mul3A_360, %mul3A_362 : i32
        %multiple_of3A_364 = tpu.assume_multiple %add3A_363, 16 : i32
        %get3A = arith.index_cast %multiple_of3A_364 : i32 to index
        %get3A_365 = tpu.vector_load %arg8[%get3A] {strides = array<i32>} : memref<1024xi32, #tpu.memory_space<vmem>>, vector<16xi32>,
        %get3A_366 = arith.index_cast %multiple_of3A_364 : i32 to index
        %get3A_367 = tpu.vector_load %arg9[%get3A_366] {strides = array<i32>} : memref<1024xi32, #tpu.memory_space<vmem>>, vector<16xi32>,
        %mul3A_368 = arith.constant 16 : i32
        %mul3A_369 = arith.muli %while3A_357, %mul3A_368 : i32
        %add3A_370 = vector.broadcast %mul3A_369 : i32 to vector<16xi32>
        %add3A_371 = arith.addi %add3A_370, %iota3A : vector<16xi32>
        %lt3A_372 = vector.broadcast %select_n3A_317 : i32 to vector<16xi32>
        %lt3A_373 = arith.cmpi slt, %add3A_371, %lt3A_372 : vector<16xi32>
        %ge3A = vector.broadcast %multiple_of3A_306 : i32 to vector<16xi32>
        %ge3A_374 = arith.cmpi sge, %get3A_365, %ge3A : vector<16xi32>
        %and3A_375 = arith.andi %lt3A_373, %ge3A_374 : vector<16xi1>
        %add3A_376 = arith.constant 512 : i32
        %add3A_377 = arith.addi %multiple_of3A_306, %add3A_376 : i32
        %lt3A_378 = vector.broadcast %add3A_377 : i32 to vector<16xi32>
        %lt3A_379 = arith.cmpi slt, %get3A_365, %lt3A_378 : vector<16xi32>
        %and3A_380 = arith.andi %and3A_375, %lt3A_379 : vector<16xi1>
        %convert_element_type3A_381 = arith.extui %and3A_380 : vector<16xi1> to vector<16xi32>
        %reduce_or3A = arith.constant 1.000000e+00 : f32
        %reduce_or3A_382 = arith.constant 0.000000e+00 : f32
        %reduce_or3A_383 = vector.broadcast %reduce_or3A : f32 to vector<16xf32>
        %reduce_or3A_384 = vector.broadcast %reduce_or3A_382 : f32 to vector<16xf32>
        %reduce_or3A_385 = arith.select %and3A_380, %reduce_or3A_383, %reduce_or3A_384 : vector<16xi1>, vector<16xf32>
        %reduce_or3A_386 = arith.constant true
        %reduce_or3A_387 = vector.broadcast %reduce_or3A_386 : i1 to vector<16xi1>
        %reduce_or3A_388 = tpu.scan <max>, %reduce_or3A_385 masked %reduce_or3A_387 : vector<16xf32>, vector<16xi1> -> vector<16xf32>
        %reduce_or3A_389 = vector.extract %reduce_or3A_388[15] : f32 from vector<16xf32>
        %reduce_or3A_390 = arith.constant 0.000000e+00 : f32
        %reduce_or3A_391 = arith.cmpf ogt, %reduce_or3A_389, %reduce_or3A_390 : f32
        %convert_element_type3A_392 = arith.extui %reduce_or3A_391 : i1 to i32
        %cond3A_393 = arith.constant 0 : i32
        %cond3A_394 = arith.cmpi ne, %convert_element_type3A_392, %cond3A_393 : i32
        scf.if %cond3A_394 {
          %broadcast_in_dim3A_396 = arith.constant true
          %broadcast_in_dim3A_397 = vector.broadcast %broadcast_in_dim3A_396 : i1 to vector<16xi1>
          %masked_cumsum3A = tpu.scan <sum>, %convert_element_type3A_381 masked %broadcast_in_dim3A_397 : vector<16xi32>, vector<16xi1> -> vector<16xi32>
          %add3A_398 = arith.addi %while3A_358, %masked_cumsum3A : vector<16xi32>
          %sub3A_399 = arith.constant 1 : i32
          %sub3A_400 = vector.broadcast %sub3A_399 : i32 to vector<16xi32>
          %sub3A_401 = arith.subi %add3A_398, %sub3A_400 : vector<16xi32>
          %sub3A_402 = vector.broadcast %multiple_of3A_306 : i32 to vector<16xi32>
          %sub3A_403 = arith.subi %get3A_365, %sub3A_402 : vector<16xi32>
          tpu.vector_store_idx %arg10[%sub3A_401], %get3A_367 masked %and3A_380 : memref<1024xi32, #tpu.memory_space<vmem>>[vector<16xi32>], vector<16xi32>, vector<16xi1>
          %scan3A_404 = arith.constant 0 : i32
          %scan3A_405 = arith.constant 0 : i32
          %scan3A_406 = arith.constant 8 : i32
          %scan3A_407 = arith.addi %scan3A_405, %scan3A_406 : i32
          %scan3A_408 = arith.constant 1 : i32
          scf.for %scan3A_410 = %scan3A_405 to %scan3A_407 step %scan3A_408  : i32 {
            %mul3A_411 = arith.constant 4 : i32
            %mul3A_412 = arith.muli %scan3A_410, %mul3A_411 : i32
            %add3A_413 = arith.constant 0 : i32
            %add3A_414 = arith.addi %mul3A_412, %add3A_413 : i32
            %broadcast_in_dim3A_415 = vector.broadcast %add3A_414 : i32 to vector<16xi32>
            %gather3A = tpu.vector_load_idx %arg12[%broadcast_in_dim3A_415, %sub3A_403] masked %and3A_380 : memref<32x512xf32, #tpu.memory_space<vmem>>[vector<16xi32>, vector<16xi32>], vector<16xf32>, vector<16xi1>
            tpu.vector_store_idx %arg13[%sub3A_401, %broadcast_in_dim3A_415], %gather3A masked %and3A_380 : memref<640x128xf32, #tpu.memory_space<vmem>>[vector<16xi32>, vector<16xi32>], vector<16xf32>, vector<16xi1>
            %mul3A_416 = arith.constant 4 : i32
            %mul3A_417 = arith.muli %scan3A_410, %mul3A_416 : i32
            %add3A_418 = arith.constant 1 : i32
            %add3A_419 = arith.addi %mul3A_417, %add3A_418 : i32
            %broadcast_in_dim3A_420 = vector.broadcast %add3A_419 : i32 to vector<16xi32>
            %gather3A_421 = tpu.vector_load_idx %arg12[%broadcast_in_dim3A_420, %sub3A_403] masked %and3A_380 : memref<32x512xf32, #tpu.memory_space<vmem>>[vector<16xi32>, vector<16xi32>], vector<16xf32>, vector<16xi1>
            tpu.vector_store_idx %arg13[%sub3A_401, %broadcast_in_dim3A_420], %gather3A_421 masked %and3A_380 : memref<640x128xf32, #tpu.memory_space<vmem>>[vector<16xi32>, vector<16xi32>], vector<16xf32>, vector<16xi1>
            %mul3A_422 = arith.constant 4 : i32
            %mul3A_423 = arith.muli %scan3A_410, %mul3A_422 : i32
            %add3A_424 = arith.constant 2 : i32
            %add3A_425 = arith.addi %mul3A_423, %add3A_424 : i32
            %broadcast_in_dim3A_426 = vector.broadcast %add3A_425 : i32 to vector<16xi32>
            %gather3A_427 = tpu.vector_load_idx %arg12[%broadcast_in_dim3A_426, %sub3A_403] masked %and3A_380 : memref<32x512xf32, #tpu.memory_space<vmem>>[vector<16xi32>, vector<16xi32>], vector<16xf32>, vector<16xi1>
            tpu.vector_store_idx %arg13[%sub3A_401, %broadcast_in_dim3A_426], %gather3A_427 masked %and3A_380 : memref<640x128xf32, #tpu.memory_space<vmem>>[vector<16xi32>, vector<16xi32>], vector<16xf32>, vector<16xi1>
            %mul3A_428 = arith.constant 4 : i32
            %mul3A_429 = arith.muli %scan3A_410, %mul3A_428 : i32
            %add3A_430 = arith.constant 3 : i32
            %add3A_431 = arith.addi %mul3A_429, %add3A_430 : i32
            %broadcast_in_dim3A_432 = vector.broadcast %add3A_431 : i32 to vector<16xi32>
            %gather3A_433 = tpu.vector_load_idx %arg12[%broadcast_in_dim3A_432, %sub3A_403] masked %and3A_380 : memref<32x512xf32, #tpu.memory_space<vmem>>[vector<16xi32>, vector<16xi32>], vector<16xf32>, vector<16xi1>
            tpu.vector_store_idx %arg13[%sub3A_401, %broadcast_in_dim3A_432], %gather3A_433 masked %and3A_380 : memref<640x128xf32, #tpu.memory_space<vmem>>[vector<16xi32>, vector<16xi32>], vector<16xf32>, vector<16xi1>
          }
          %scan3A_409 = arith.constant 8 : i32
        } else {
        }
        %all_reduce_population_count3A = tpu.all_reduce %and3A_380 {dim = 0 : i64, kind = #tpu.reduction_kind<sum>} : vector<16xi1> -> vector<16xi32>
        %add3A_395 = arith.addi %while3A_358, %all_reduce_population_count3A : vector<16xi32>
        scf.yield %add3A_395 : vector<16xi32>
      }
      scf.yield %while3A_356 : vector<16xi32>
    }
    %scan3A_193 = arith.constant 31 : i32
    %add3A_194 = arith.addi %reduce_max3A_156, %reduce_max3A_164 : i32
    %add3A_195 = arith.addi %add3A_194, %reduce_max3A_172 : i32
    %add3A_196 = arith.addi %add3A_195, %reduce_max3A_180 : i32
    %gt3A = arith.constant 0 : i32
    %gt3A_197 = arith.cmpi sgt, %add3A_196, %gt3A : i32
    %convert_element_type3A = arith.extui %gt3A_197 : i1 to i32
    %cond3A = arith.constant 0 : i32
    %cond3A_198 = arith.cmpi ne, %convert_element_type3A, %cond3A : i32
    scf.if %cond3A_198 {
      %dma_start3A_219 = arith.constant 0 : i32
      %dma_start3A_220 = arith.constant 0 : i32
      %dma_start3A_221 = tpu.memref_slice %arg13[%dma_start3A_219, %dma_start3A_220] : memref<640x128xf32, #tpu.memory_space<vmem>> -> memref<128x128xf32, #tpu.memory_space<vmem>>
      %dma_start3A_222 = arith.constant 0 : i32
      %dma_start3A_223 = tpu.memref_slice %arg10[%dma_start3A_222] : memref<1024xi32, #tpu.memory_space<vmem>> -> memref<128xi32, #tpu.memory_space<vmem>>
      %dma_start3A_224 = arith.constant 0 : i32
      %dma_start3A_225 = arith.constant 0 : i32
      %dma_start3A_226 = tpu.memref_slice %arg4[%dma_start3A_224, %dma_start3A_225] : memref<16400x128xf32, #tpu.memory_space<hbm>> -> memref<16400x128xf32, #tpu.memory_space<hbm>>
      tpu.enqueue_indirect_dma source(%dma_start3A_221 : memref<128x128xf32, #tpu.memory_space<vmem>>) target(%dma_start3A_226 : memref<16400x128xf32, #tpu.memory_space<hbm>>) offsets(%dma_start3A_223 : memref<128xi32, #tpu.memory_space<vmem>>) semaphore(%arg16 : memref<!tpu.dma_semaphore, #tpu.memory_space<semaphore_mem>>)
      %dma_wait3A = arith.constant 0 : i32
      %dma_wait3A_227 = arith.constant 0 : i32
      %dma_wait3A_228 = tpu.memref_slice %arg13[%dma_wait3A, %dma_wait3A_227] : memref<640x128xf32, #tpu.memory_space<vmem>> -> memref<128x128xf32, #tpu.memory_space<vmem>>
      %dma_wait3A_229 = arith.constant 0 : i32
      %dma_wait3A_230 = tpu.memref_slice %arg10[%dma_wait3A_229] : memref<1024xi32, #tpu.memory_space<vmem>> -> memref<128xi32, #tpu.memory_space<vmem>>
      %dma_wait3A_231 = arith.constant 0 : i32
      %dma_wait3A_232 = arith.constant 0 : i32
      %dma_wait3A_233 = tpu.memref_slice %arg4[%dma_wait3A_231, %dma_wait3A_232] : memref<16400x128xf32, #tpu.memory_space<hbm>> -> memref<16400x128xf32, #tpu.memory_space<hbm>>
      tpu.wait_indirect_dma semaphore(%arg16 : memref<!tpu.dma_semaphore, #tpu.memory_space<semaphore_mem>>) src(%dma_wait3A_228 : memref<128x128xf32, #tpu.memory_space<vmem>>) dst(%dma_wait3A_233 : memref<16400x128xf32, #tpu.memory_space<hbm>>)
    } else {
    }
    %gt3A_199 = arith.constant 128 : i32
    %gt3A_200 = arith.cmpi sgt, %add3A_196, %gt3A_199 : i32
    %convert_element_type3A_201 = arith.extui %gt3A_200 : i1 to i32
    %cond3A_202 = arith.constant 0 : i32
    %cond3A_203 = arith.cmpi ne, %convert_element_type3A_201, %cond3A_202 : i32
    scf.if %cond3A_203 {
      %dma_start3A_219 = arith.constant 128 : i32
      %dma_start3A_220 = arith.constant 0 : i32
      %dma_start3A_221 = tpu.memref_slice %arg13[%dma_start3A_219, %dma_start3A_220] : memref<640x128xf32, #tpu.memory_space<vmem>> -> memref<128x128xf32, #tpu.memory_space<vmem>>
      %dma_start3A_222 = arith.constant 128 : i32
      %dma_start3A_223 = tpu.memref_slice %arg10[%dma_start3A_222] : memref<1024xi32, #tpu.memory_space<vmem>> -> memref<128xi32, #tpu.memory_space<vmem>>
      %dma_start3A_224 = arith.constant 0 : i32
      %dma_start3A_225 = arith.constant 0 : i32
      %dma_start3A_226 = tpu.memref_slice %arg4[%dma_start3A_224, %dma_start3A_225] : memref<16400x128xf32, #tpu.memory_space<hbm>> -> memref<16400x128xf32, #tpu.memory_space<hbm>>
      tpu.enqueue_indirect_dma source(%dma_start3A_221 : memref<128x128xf32, #tpu.memory_space<vmem>>) target(%dma_start3A_226 : memref<16400x128xf32, #tpu.memory_space<hbm>>) offsets(%dma_start3A_223 : memref<128xi32, #tpu.memory_space<vmem>>) semaphore(%arg16 : memref<!tpu.dma_semaphore, #tpu.memory_space<semaphore_mem>>)
      %dma_wait3A = arith.constant 128 : i32
      %dma_wait3A_227 = arith.constant 0 : i32
      %dma_wait3A_228 = tpu.memref_slice %arg13[%dma_wait3A, %dma_wait3A_227] : memref<640x128xf32, #tpu.memory_space<vmem>> -> memref<128x128xf32, #tpu.memory_space<vmem>>
      %dma_wait3A_229 = arith.constant 128 : i32
      %dma_wait3A_230 = tpu.memref_slice %arg10[%dma_wait3A_229] : memref<1024xi32, #tpu.memory_space<vmem>> -> memref<128xi32, #tpu.memory_space<vmem>>
      %dma_wait3A_231 = arith.constant 0 : i32
      %dma_wait3A_232 = arith.constant 0 : i32
      %dma_wait3A_233 = tpu.memref_slice %arg4[%dma_wait3A_231, %dma_wait3A_232] : memref<16400x128xf32, #tpu.memory_space<hbm>> -> memref<16400x128xf32, #tpu.memory_space<hbm>>
      tpu.wait_indirect_dma semaphore(%arg16 : memref<!tpu.dma_semaphore, #tpu.memory_space<semaphore_mem>>) src(%dma_wait3A_228 : memref<128x128xf32, #tpu.memory_space<vmem>>) dst(%dma_wait3A_233 : memref<16400x128xf32, #tpu.memory_space<hbm>>)
    } else {
    }
    %gt3A_204 = arith.constant 256 : i32
    %gt3A_205 = arith.cmpi sgt, %add3A_196, %gt3A_204 : i32
    %convert_element_type3A_206 = arith.extui %gt3A_205 : i1 to i32
    %cond3A_207 = arith.constant 0 : i32
    %cond3A_208 = arith.cmpi ne, %convert_element_type3A_206, %cond3A_207 : i32
    scf.if %cond3A_208 {
      %dma_start3A_219 = arith.constant 256 : i32
      %dma_start3A_220 = arith.constant 0 : i32
      %dma_start3A_221 = tpu.memref_slice %arg13[%dma_start3A_219, %dma_start3A_220] : memref<640x128xf32, #tpu.memory_space<vmem>> -> memref<128x128xf32, #tpu.memory_space<vmem>>
      %dma_start3A_222 = arith.constant 256 : i32
      %dma_start3A_223 = tpu.memref_slice %arg10[%dma_start3A_222] : memref<1024xi32, #tpu.memory_space<vmem>> -> memref<128xi32, #tpu.memory_space<vmem>>
      %dma_start3A_224 = arith.constant 0 : i32
      %dma_start3A_225 = arith.constant 0 : i32
      %dma_start3A_226 = tpu.memref_slice %arg4[%dma_start3A_224, %dma_start3A_225] : memref<16400x128xf32, #tpu.memory_space<hbm>> -> memref<16400x128xf32, #tpu.memory_space<hbm>>
      tpu.enqueue_indirect_dma source(%dma_start3A_221 : memref<128x128xf32, #tpu.memory_space<vmem>>) target(%dma_start3A_226 : memref<16400x128xf32, #tpu.memory_space<hbm>>) offsets(%dma_start3A_223 : memref<128xi32, #tpu.memory_space<vmem>>) semaphore(%arg16 : memref<!tpu.dma_semaphore, #tpu.memory_space<semaphore_mem>>)
      %dma_wait3A = arith.constant 256 : i32
      %dma_wait3A_227 = arith.constant 0 : i32
      %dma_wait3A_228 = tpu.memref_slice %arg13[%dma_wait3A, %dma_wait3A_227] : memref<640x128xf32, #tpu.memory_space<vmem>> -> memref<128x128xf32, #tpu.memory_space<vmem>>
      %dma_wait3A_229 = arith.constant 256 : i32
      %dma_wait3A_230 = tpu.memref_slice %arg10[%dma_wait3A_229] : memref<1024xi32, #tpu.memory_space<vmem>> -> memref<128xi32, #tpu.memory_space<vmem>>
      %dma_wait3A_231 = arith.constant 0 : i32
      %dma_wait3A_232 = arith.constant 0 : i32
      %dma_wait3A_233 = tpu.memref_slice %arg4[%dma_wait3A_231, %dma_wait3A_232] : memref<16400x128xf32, #tpu.memory_space<hbm>> -> memref<16400x128xf32, #tpu.memory_space<hbm>>
      tpu.wait_indirect_dma semaphore(%arg16 : memref<!tpu.dma_semaphore, #tpu.memory_space<semaphore_mem>>) src(%dma_wait3A_228 : memref<128x128xf32, #tpu.memory_space<vmem>>) dst(%dma_wait3A_233 : memref<16400x128xf32, #tpu.memory_space<hbm>>)
    } else {
    }
    %gt3A_209 = arith.constant 384 : i32
    %gt3A_210 = arith.cmpi sgt, %add3A_196, %gt3A_209 : i32
    %convert_element_type3A_211 = arith.extui %gt3A_210 : i1 to i32
    %cond3A_212 = arith.constant 0 : i32
    %cond3A_213 = arith.cmpi ne, %convert_element_type3A_211, %cond3A_212 : i32
    scf.if %cond3A_213 {
      %dma_start3A_219 = arith.constant 384 : i32
      %dma_start3A_220 = arith.constant 0 : i32
      %dma_start3A_221 = tpu.memref_slice %arg13[%dma_start3A_219, %dma_start3A_220] : memref<640x128xf32, #tpu.memory_space<vmem>> -> memref<128x128xf32, #tpu.memory_space<vmem>>
      %dma_start3A_222 = arith.constant 384 : i32
      %dma_start3A_223 = tpu.memref_slice %arg10[%dma_start3A_222] : memref<1024xi32, #tpu.memory_space<vmem>> -> memref<128xi32, #tpu.memory_space<vmem>>
      %dma_start3A_224 = arith.constant 0 : i32
      %dma_start3A_225 = arith.constant 0 : i32
      %dma_start3A_226 = tpu.memref_slice %arg4[%dma_start3A_224, %dma_start3A_225] : memref<16400x128xf32, #tpu.memory_space<hbm>> -> memref<16400x128xf32, #tpu.memory_space<hbm>>
      tpu.enqueue_indirect_dma source(%dma_start3A_221 : memref<128x128xf32, #tpu.memory_space<vmem>>) target(%dma_start3A_226 : memref<16400x128xf32, #tpu.memory_space<hbm>>) offsets(%dma_start3A_223 : memref<128xi32, #tpu.memory_space<vmem>>) semaphore(%arg16 : memref<!tpu.dma_semaphore, #tpu.memory_space<semaphore_mem>>)
      %dma_wait3A = arith.constant 384 : i32
      %dma_wait3A_227 = arith.constant 0 : i32
      %dma_wait3A_228 = tpu.memref_slice %arg13[%dma_wait3A, %dma_wait3A_227] : memref<640x128xf32, #tpu.memory_space<vmem>> -> memref<128x128xf32, #tpu.memory_space<vmem>>
      %dma_wait3A_229 = arith.constant 384 : i32
      %dma_wait3A_230 = tpu.memref_slice %arg10[%dma_wait3A_229] : memref<1024xi32, #tpu.memory_space<vmem>> -> memref<128xi32, #tpu.memory_space<vmem>>
      %dma_wait3A_231 = arith.constant 0 : i32
      %dma_wait3A_232 = arith.constant 0 : i32
      %dma_wait3A_233 = tpu.memref_slice %arg4[%dma_wait3A_231, %dma_wait3A_232] : memref<16400x128xf32, #tpu.memory_space<hbm>> -> memref<16400x128xf32, #tpu.memory_space<hbm>>
      tpu.wait_indirect_dma semaphore(%arg16 : memref<!tpu.dma_semaphore, #tpu.memory_space<semaphore_mem>>) src(%dma_wait3A_228 : memref<128x128xf32, #tpu.memory_space<vmem>>) dst(%dma_wait3A_233 : memref<16400x128xf32, #tpu.memory_space<hbm>>)
    } else {
    }
    %gt3A_214 = arith.constant 512 : i32
    %gt3A_215 = arith.cmpi sgt, %add3A_196, %gt3A_214 : i32
    %convert_element_type3A_216 = arith.extui %gt3A_215 : i1 to i32
    %cond3A_217 = arith.constant 0 : i32
    %cond3A_218 = arith.cmpi ne, %convert_element_type3A_216, %cond3A_217 : i32
    scf.if %cond3A_218 {
      %dma_start3A_219 = arith.constant 512 : i32
      %dma_start3A_220 = arith.constant 0 : i32
      %dma_start3A_221 = tpu.memref_slice %arg13[%dma_start3A_219, %dma_start3A_220] : memref<640x128xf32, #tpu.memory_space<vmem>> -> memref<128x128xf32, #tpu.memory_space<vmem>>
      %dma_start3A_222 = arith.constant 512 : i32
      %dma_start3A_223 = tpu.memref_slice %arg10[%dma_start3A_222] : memref<1024xi32, #tpu.memory_space<vmem>> -> memref<128xi32, #tpu.memory_space<vmem>>
      %dma_start3A_224 = arith.constant 0 : i32
      %dma_start3A_225 = arith.constant 0 : i32
      %dma_start3A_226 = tpu.memref_slice %arg4[%dma_start3A_224, %dma_start3A_225] : memref<16400x128xf32, #tpu.memory_space<hbm>> -> memref<16400x128xf32, #tpu.memory_space<hbm>>
      tpu.enqueue_indirect_dma source(%dma_start3A_221 : memref<128x128xf32, #tpu.memory_space<vmem>>) target(%dma_start3A_226 : memref<16400x128xf32, #tpu.memory_space<hbm>>) offsets(%dma_start3A_223 : memref<128xi32, #tpu.memory_space<vmem>>) semaphore(%arg16 : memref<!tpu.dma_semaphore, #tpu.memory_space<semaphore_mem>>)
      %dma_wait3A = arith.constant 512 : i32
      %dma_wait3A_227 = arith.constant 0 : i32
      %dma_wait3A_228 = tpu.memref_slice %arg13[%dma_wait3A, %dma_wait3A_227] : memref<640x128xf32, #tpu.memory_space<vmem>> -> memref<128x128xf32, #tpu.memory_space<vmem>>
      %dma_wait3A_229 = arith.constant 512 : i32
      %dma_wait3A_230 = tpu.memref_slice %arg10[%dma_wait3A_229] : memref<1024xi32, #tpu.memory_space<vmem>> -> memref<128xi32, #tpu.memory_space<vmem>>
      %dma_wait3A_231 = arith.constant 0 : i32
      %dma_wait3A_232 = arith.constant 0 : i32
      %dma_wait3A_233 = tpu.memref_slice %arg4[%dma_wait3A_231, %dma_wait3A_232] : memref<16400x128xf32, #tpu.memory_space<hbm>> -> memref<16400x128xf32, #tpu.memory_space<hbm>>
      tpu.wait_indirect_dma semaphore(%arg16 : memref<!tpu.dma_semaphore, #tpu.memory_space<semaphore_mem>>) src(%dma_wait3A_228 : memref<128x128xf32, #tpu.memory_space<vmem>>) dst(%dma_wait3A_233 : memref<16400x128xf32, #tpu.memory_space<hbm>>)
    } else {
    }
    return
  }
}

</mosaic_0001>

<sc_bundles>
// kernel: kernel.3.cloned.1.call-start
scs
__scs_entry_jumppad:
0x0: {  	(pc) =	sbr.rel $0x88, $3  }
0x1: {  	(tag) =	ssettag $0x0;
	lr =	simm.s32 $0x1  }
0x2: {  	[smem:$0x3F9F] =	sst lr;
	_ =	strace $0xD0000000  }
0x3: {  	_ = 	snop  }
0x4: {  	_ = 	snop  }
0x5: {  	_ = 	snop  }
0x6: {  	_ = 	snop  }
0x7: {  	_ = 	snop  }
__scs_overlays_trampoline_lowered:
0x8: {  	[smem:$0x3FAE] =	sst s0  }
0x9: {  	[smem:$0x3FAF] =	sst s1  }
0xa: {  	[smem:$0x3FB0] =	sst s2  }
0xb: {  	[smem:$0x3FB1] =	sst s3  }
0xc: {  	[smem:$0x3FB2] =	sst s4  }
0xd: {  	[smem:$0x3FB3] =	sst s5  }
0xe: {  	[smem:$0x3FB4] =	sst s6  }
0xf: {  	[smem:$0x3FB5] =	sst s7  }
0x10: {  	[smem:$0x3FB6] =	sst s8  }
0x11: {  	[smem:$0x3FB7] =	sst s9;
	s0 =	simm.s32 @!p0 $0x0  }
0x12: {  	s1 =	sld [smem:$0x3F9D];
	s0 =	simm.s32 @p0 $0x1  }
0x13: {  	[smem:$0x3FB8] =	sst s0;
	s0 =	simm.s32 @!p1 $0x0  }
0x14: {  	s2 =	sld [smem:$0x3F9C];
	s0 =	simm.s32 @p1 $0x1  }
0x15: {  	[smem:$0x3FB9] =	sst s0;
	s0 =	simm.s32 @!p2 $0x0  }
0x16: {  	s3 =	sld [smem:$0x3FDB];
	s0 =	simm.s32 @p2 $0x1  }
0x17: {  	s4 =	simm.s32 $0x1BF5;
	[smem:$0x3FBB] =	sst s0  }
0x18: {  	s0 =	sld [smem:$0x3F9E];
	_ =	swait.ge [sflag:s4], $0x0  }
0x19: {  	s7 =	sld [smem:$0x3F9F]  }
0x1a: {  	s8 =	sadd.s32 $0xFFFFE003, lr  }
0x1b: {  	s9 =	sadd.s32 $0xFFFFFEF7, lr;
	s5 =	simm.s32 $0xFFFFFFFF;
	p2 =	slt.u32 s8, $0xFFFFF086  }
0x1c: {  	p1 =	slt.u32 s9, $0xF7A;
	s5 =	simm.s32 @!p2 $0x0  }
0x1d: {  	s5 =	simm.s32 @p1 $0x1;
	p0 =	seq.s32 s7, s2  }
0x1e: {  	s7 =	smul.u32 @!p0 $0xF7A, s2;
	p2 =	seq.s32 @!p0 s5, $0x0  }
0x1f: {  	s9 =	smul.u32 $0xF7A, s1;
	s8 =	simm.s32 @!p0 $0x1BF5;
	p2 =	por !p2, p0  }
0x20: {  	[sflag:s8] =	ssyncset.s32 @!p0 $0xFFFFF086;
	s6 =	sadd.s32 @!p0 s3, s7;
	s7 =	simm.s32 @!p0 $0x108  }
0x21: {  	s3 =	sadd.s32 s3, s9;
	s6 =	sadd.s32 @!p0 $0x88, s6;
	s7 =	simm.s32 @p2 $0x1082  }
0x22: {  	[simem:s7], [sflag:s8] =	dma.local @!p0 [hbm:s6], $0xF7A  }
0x23: {  	s9 =	sor.u32 $0xD0000000, s2;
	s6 =	simm.s32 $0x108;
	_ =	swait.ge @!p0 [sflag:s8], $0x0  }
0x24: {  	s3 =	sadd.s32 $0x88, s3;
	s6 =	simm.s32 @!p1 $0x1082;
	[sflag:s4] =	ssyncset.s32 $0xFFFFF086  }
0x25: {  	[simem:s6], [sflag:s4] =	dma.local [hbm:s3], $0xF7A  }
0x26: {  	[smem:$0x3F9F] =	sst s1;
	(tag) =	ssettag s2;
	_ =	strace s9  }
0x27: {  	s1 =	sld [smem:$0x3FAF]  }
0x28: {  	s2 =	sld [smem:$0x3FB0]  }
0x29: {  	s4 =	sld [smem:$0x3FB2]  }
0x2a: {  	p0 =	seq.s32 s5, $0x0;
	s5 =	sld [smem:$0x3FB3]  }
0x2b: {  	s6 =	sld [smem:$0x3FB4]  }
0x2c: {  	s7 =	sld [smem:$0x3FB5]  }
0x2d: {  	s3 =	simm.s32 $0x108;
	s8 =	sld [smem:$0x3FB6]  }
0x2e: {  	s3 =	simm.s32 @!p0 $0x1082;
	s9 =	sld [smem:$0x3FB7]  }
0x2f: {  	lr =	sadd.s32 s0, s3;
	s0 =	sld [smem:$0x3FAE]  }
0x30: {  	s3 =	sld [smem:$0x3FB1]  }
0x31: {  	[smem:$0x3FBA] =	sst s10  }
0x32: {  	s10 =	sld [smem:$0x3FB8];
	_ =	sdelay $0x3  }
0x33: {  	p0 =	seq.s32 s10, $0x1;
	s10 =	sld [smem:$0x3FBA];
	_ =	sdelay $0x3  }
0x34: {  	[smem:$0x3FBA] =	sst s10  }
0x35: {  	s10 =	sld [smem:$0x3FB9];
	_ =	sdelay $0x3  }
0x36: {  	p1 =	seq.s32 s10, $0x1;
	s10 =	sld [smem:$0x3FBA];
	_ =	sdelay $0x3  }
0x37: {  	[smem:$0x3FBA] =	sst s10  }
0x38: {  	s10 =	sld [smem:$0x3FBB]  }
0x39: {  	_ = 	snop;
	(pc) =	sbr.ind lr, $3  }
0x3a: {  	_ = 	snop  }
0x3b: {  	_ = 	snop  }
0x3c: {  	p2 =	seq.s32 s10, $0x1;
	s10 =	sld [smem:$0x3FBA]  }
0x3d: {  	_ =	shalt  }
0x3e: {  	_ =	shalt  }
0x3f: {  	_ =	shalt  }
0x40: {  	_ =	shalt  }
0x41: {  	_ =	shalt  }
0x42: {  	_ =	shalt  }
0x43: {  	_ =	shalt  }
0x44: {  	_ =	shalt  }
0x45: {  	_ =	shalt  }
0x46: {  	_ =	shalt  }
0x47: {  	_ =	shalt  }
0x48: {  	_ =	shalt  }
0x49: {  	_ =	shalt  }
0x4a: {  	_ =	shalt  }
0x4b: {  	_ =	shalt  }
0x4c: {  	_ =	shalt  }
0x4d: {  	_ =	shalt  }
0x4e: {  	_ =	shalt  }
0x4f: {  	_ =	shalt  }
0x50: {  	_ =	shalt  }
0x51: {  	_ =	shalt  }
0x52: {  	_ =	shalt  }
0x53: {  	_ =	shalt  }
0x54: {  	_ =	shalt  }
0x55: {  	_ =	shalt  }
0x56: {  	_ =	shalt  }
0x57: {  	_ =	shalt  }
0x58: {  	_ =	shalt  }
0x59: {  	_ =	shalt  }
0x5a: {  	_ =	shalt  }
0x5b: {  	_ =	shalt  }
0x5c: {  	_ =	shalt  }
0x5d: {  	_ =	shalt  }
0x5e: {  	_ =	shalt  }
0x5f: {  	_ =	shalt  }
0x60: {  	_ =	shalt  }
0x61: {  	_ =	shalt  }
0x62: {  	_ =	shalt  }
0x63: {  	_ =	shalt  }
0x64: {  	_ =	shalt  }
0x65: {  	_ =	shalt  }
0x66: {  	_ =	shalt  }
0x67: {  	_ =	shalt  }
0x68: {  	_ =	shalt  }
0x69: {  	_ =	shalt  }
0x6a: {  	_ =	shalt  }
0x6b: {  	_ =	shalt  }
0x6c: {  	_ =	shalt  }
0x6d: {  	_ =	shalt  }
0x6e: {  	_ =	shalt  }
0x6f: {  	_ =	shalt  }
0x70: {  	_ =	shalt  }
0x71: {  	_ =	shalt  }
0x72: {  	_ =	shalt  }
0x73: {  	_ =	shalt  }
0x74: {  	_ =	shalt  }
0x75: {  	_ =	shalt  }
0x76: {  	_ =	shalt  }
0x77: {  	_ =	shalt  }
0x78: {  	_ =	shalt  }
0x79: {  	_ =	shalt  }
0x7a: {  	_ =	shalt  }
0x7b: {  	_ =	shalt  }
0x7c: {  	_ =	shalt  }
0x7d: {  	_ =	shalt  }
0x7e: {  	_ =	shalt  }
0x7f: {  	_ =	shalt  }
0x80: {  	_ =	shalt  }
0x81: {  	_ =	shalt  }
0x82: {  	_ =	shalt  }
0x83: {  	_ =	shalt  }
0x84: {  	_ =	shalt  }
0x85: {  	_ =	shalt  }
0x86: {  	_ =	shalt  }
0x87: {  	_ =	shalt  }
.Lfunc_end0:
.L_simem_size_0:
called_computation_lowered:
.L_overlay_start_0:
0x88: {  	s2 =	sld [smem:$0x3FD9]  }
0x89: {  	s3 =	sld [smem:$0x3FFE];
	_ =	sdelay $0x1  }
0x8a: {  	s1 =	srdreg.scid  }
0x8b: {  	s0 =	sand.u32 $0x1, s1  }
0x8c: {  	s17 =	sshll.u32 s0, $0xA;
	s2 =	sadd.s32 s3, s2  }
0x8d: {  	s2 =	sadd.s32 s2, s17  }
0x8e: {  	[smem:$0x3FC6] =	sst s2  }
0x8f: {  	_ = 	snop  }
0x90: {  	s2 =	sld [smem:$0x3FC9]  }
0x91: {  	s18 =	sld [smem:$0x3FC8];
	(tm) =	ssettm $0x1  }
0x92: {  	s4 =	sld [smem:$0x3FFB];
	_ =	sdelay $0x3  }
0x93: {  	_ =	strace s4  }
0x94: {  	s4 =	sld [smem:$0x3FFC];
	_ =	sdelay $0x3  }
0x95: {  	_ =	strace s4  }
0x96: {  	s4 =	sld [smem:$0x3FFD];
	_ =	sdelay $0x3  }
0x97: {  	_ =	strace s4  }
0x98: {  	_ =	strace $0x8FFFFFFF  }
0x99: {  	s19 =	sld [smem:$0x3FDB];
	_ =	sdelay $0x1  }
0x9a: {  	s5 =	simm.s32 $_scs_section_size  }
0x9b: {  	s6 =	simm.s32 $_size__tile_overlayer_lowered;
	s7 =	simm.s32 $_tile_overlayer_lowered  }
0x9c: {  	s22 =	simm.s32 $0x1BFF;
	s21 =	sshll.u32 s7, $0x1;
	s4 =	sadd.s32 s5, s19  }
0x9d: {  	s8 =	simm.s32 $0x0;
	s20 =	sshll.u32 s6, $0x1;
	s6 =	sadd.s32 s21, s4  }
0x9e: {  	[timem:s8], [sflag:s22] =	dma.local [hbm:s6], s20  }
0x9f: {  	_ =	swait.ge [sflag:s22], s20  }
0xa0: {  	s5 =	ssub.s32 $0x0, s20;
	[sflag:s22] =	ssyncset.done $0x0  }
0xa1: {  	[sflag:s22] =	ssyncadd.s32 s5;
	_ =	sdelay $0x1  }
0xa2: {  	s23 =	simm.s32 $0x1B8B  }
0xa3: {  	_ =	swait.ge [sflag:s23], $0x1  }
0xa4: {  	[sflag:s23] =	ssyncset.done $0x0  }
0xa5: {  	s25 =	simm.s32 $0x1B8E;
	s24 =	sld [smem:$0x3FFE];
	[sflag:s23] =	ssyncadd.s32 $0xFFFFFFFF  }
0xa6: {  	s26 =	simm.s32 $execute0_lowered;
	[smem:$0x3FD2] =	sst s25  }
0xa7: {  	s6 =	sshll.u32 s26, $0x1;
	_ =	strace $0x80000046;
	[dreg:$0x1] =	wrdreg $0xFFFFFFFF  }
0xa8: {  	s28 =	simm.s32 $_size_execute0_lowered;
	s4 =	sadd.s32 s4, s6;
	[dreg:$0x0] =	wrdreg $0x0  }
0xa9: {  	s6 =	sshll.u32 s28, $0x1;
	[dreg:$0x2] =	wrdreg s4  }
0xaa: {  	[dreg:$0x3] =	wrdreg s6  }
0xab: {  	[dreg:$0x4] =	wrdreg $0xC0  }
0xac: {  	_ =	task [dreg:s8], $0x5FFFF  }
0xad: {  	[dreg:$0x1] =	wrdreg $0xFFFFFFFF  }
0xae: {  	[dreg:$0x0] =	wrdreg $0x60  }
0xaf: {  	[dreg:$0x2] =	wrdreg s2  }
0xb0: {  	[dreg:$0x3] =	wrdreg s18  }
0xb1: {  	[dreg:$0x4] =	wrdreg s24  }
0xb2: {  	[dreg:$0x5] =	wrdreg $0x9  }
0xb3: {  	_ =	task.clear_ibuf [dreg:s8], $0x6FFFF;
	_ =	strace $0x90000046  }
0xb4: {  	s29 =	simm.s32 $0x9;
	_ =	strace $0x80000048  }
0xb5: {  	_ =	swait.ge [sflag:s29], $0x1  }
0xb6: {  	[sflag:s29] =	ssyncadd.s32 $0xFFFFFFFF  }
0xb7: {  	_ =	strace $0x90000048  }
0xb8: {  	_ =	sfence  }
0xb9: {  	s30 =	sld [smem:$0x0];
	_ =	sdelay $0x2  }
0xba: {  	s31 =	sshll.u32 s1, $0xD;
	s1 =	sshrl.u32 s1, $0x2  }
0xbb: {  	s3 =	sand.u32 $0x4000, s31;
	s1 =	sadd.s32 s1, s30  }
0xbc: {  	s0 =	sor.u32 s3, s0;
	s1 =	sshll.u32 s1, $0x11  }
0xbd: {  	s0 =	sor.u32 s1, s0  }
0xbe: {  	s0 =	sadd.s32 $0x8F2B, s0  }
0xbf: {  	[sflag:s0] =	ssyncadd.remote.s32 $0x1  }
0xc0: {  	_ =	sfence.sel $0xFFFF  }
0xc1: {  	[dreg:$0x0] =	wrdreg $0xFFFFFFFF;
	(pc) =	sbr.abs _section_cstart, $3  }
0xc2: {  	[dreg:$0x1] =	wrdreg $0xFFFFFFFF  }
0xc3: {  	_ =	task.clear_ibuf [dreg:s8], $0x2FFFF;
	_ =	strace $0x9FFFFFFF  }
0xc4: {  	(tm) =	ssettm $0x7FFFFFFF  }
0xc5: {  	_ =	shalt  }
tec
execute0_lowered:
.L_overlay_start_1:
0x0: {  	(tag) =	ssettag $0x1  }
0x1: {  	s6 =	rddreg [dreg:$0x0]  }
0x2: {  	s3 =	rddreg [dreg:$0x1]  }
0x3: {  	s1 =	rddreg [dreg:$0x2];
	s4 =	simm.s32 $0x0  }
0x4: {  	[smem:$0x7FF] =	sst s4;
	s1 =	sadd.s32 $0x800, s1  }
0x5: {  	s13 =	sadd.s32 $0x80, s6;
	_ =	strace $0x80000047;
	[dreg:$0x4] =	wrdreg s1  }
0x6: {  	s14 =	sadd.s32 $0x100, s6;
	[dreg:$0x5] =	wrdreg s13  }
0x7: {  	s15 =	sadd.s32 $0x180, s6;
	[dreg:$0x6] =	wrdreg s14  }
0x8: {  	s16 =	sadd.s32 $0x200, s6;
	[dreg:$0x7] =	wrdreg s15  }
0x9: {  	s17 =	sadd.s32 $0x280, s6;
	[dreg:$0x8] =	wrdreg s16  }
0xa: {  	s0 =	srdreg.scid;
	s18 =	sadd.s32 $0x300, s6;
	[dreg:$0x9] =	wrdreg s17  }
0xb: {  	s2 =	stileid.u32;
	s19 =	sadd.s32 $0x380, s6;
	[dreg:$0xa] =	wrdreg s18  }
0xc: {  	s28 =	simm.s32 $0x800;
	s20 =	sadd.s32 $0x400, s6;
	[dreg:$0xb] =	wrdreg s19  }
0xd: {  	s29 =	simm.s32 $0x1;
	s21 =	sadd.s32 $0x480, s6;
	[dreg:$0xc] =	wrdreg s20  }
0xe: {  	s30 =	simm.s32 $0xC00;
	s22 =	sadd.s32 $0x500, s6;
	[dreg:$0xd] =	wrdreg s21  }
0xf: {  	s31 =	simm.s32 $0x1000;
	s23 =	sadd.s32 $0x580, s6;
	[dreg:$0xe] =	wrdreg s22  }
0x10: {  	s8 =	simm.s32 $0x9800;
	s24 =	sadd.s32 $0x600, s6;
	[dreg:$0xf] =	wrdreg s23  }
0x11: {  	s9 =	simm.s32 $0x2;
	s25 =	sadd.s32 $0x680, s6;
	[dreg:$0x10] =	wrdreg s24  }
0x12: {  	s0 =	sand.u32 $0x1, s0;
	s7 =	sadd.s32 $0x700, s6;
	[dreg:$0x11] =	wrdreg s25  }
0x13: {  	s2 =	sshll.u32 s2, $0x1;
	s6 =	sadd.s32 $0x780, s6;
	[dreg:$0x13] =	wrdreg s7  }
0x14: {  	s2 =	sor.u32 s0, s2;
	s0 =	ssub.s32 $0x2, s0;
	[dreg:$0x14] =	wrdreg s6  }
0x15: {  	s25 =	simm.s32 $0x4;
	s7 =	simm.s32 $0x1400;
	s5 =	smul.u32 $0x7A00, s2  }
.Ltmp0:
0x16: {  	s12 =	sshrl.u32 s0, $0x1;
	p0 =	seq.s32 s2, $0x1F;
	(pc) =	sbr.rel .LBB2_1-.Ltmp0, $4  }
0x17: {  	s2 =	simm.s32 $0x7A1400;
	s0 =	ssub.s32 s0, s12;
	s26 =	sadd.s32 s3, s5  }
0x18: {  	s1 =	sadd.s32 $0x7A00, s5;
	s0 =	smax.u32 s0, $0x1;
	[dreg:$0x12] =	wrdreg s26  }
0x19: {  	v2 =	vlaneseq.u32;
	v4 =	vimm.s32 $0x0;
	v5 =	vimm.f32 $0.0e+00;
	s1 =	simm.s32 @p0 $0xF4200;
	s23 =	sadd.s32 $0x400, s26;
	[dreg:$0x15] =	wrdreg s0  }
0x1a: {  	v3 =	vor.u32 $0x4000, v2;
	v1 =	vmov s5;
	s26 =	simm.s32 $0x400;
	s0 =	simm.s32 $0x1800;
	v0 =	vmov s1;
	s1 =	simm.s32 $0x5800  }
.LBB2_58:
0x1b: {  	s4 =	sadd.s32 $0x1, s4;
	s6 =	rddreg [dreg:$0x15]  }
0x1c: {  	p0 =	sne.s32 s4, s6  }
.Ltmp1:
0x1d: {  	_ = 	snop;
	(pc) =	sbr.rel @!p0 .LBB2_59-.Ltmp1, $1  }
0x1e: {  	_ =	sdelay $0x3  }
.LBB2_1:
0x1f: {  	s10 =	simm.s32 $0x40;
	s11 =	simm.s32 $0x0  }
.LBB2_2:
0x20: {  	p0 =	sne.s32 s10, $0xFC0;
	[tilespmem:s11+$0x1400] =	vst v3;
	s11 =	smov.u32 s10;
	s10 =	sadd.s32 $0x40, s10  }
.Ltmp2:
0x21: {  	(pc) =	sbr.rel @p0 .LBB2_2-.Ltmp2, $2  }
0x22: {  	_ =	sdelay $0x2  }
0x23: {  	s11 =	sshra.s32 s11, $0x2  }
0x24: {  	[tilespmem:s11+$0x1400] =	vst v3;
	s10 =	simm.s32 $0x0;
	s6 =	rddreg [dreg:$0x0]  }
0x25: {  	[tilespmem:s10], [sflag:$0x4] =	stream.linear.gather [hbm4b:s6+s10], $0x400, $0x38;
	[tilespmem:$0x1D800] =	vst v63  }
0x26: {  	_ =	swait.ge [sflag:s25], $0x400  }
0x27: {  	[sflag:s25] =	ssyncset.done $0x0  }
0x28: {  	[sflag:s25] =	ssyncadd.s32 $0xFFFFFC00  }
0x29: {  	v8 =	vld [tilespmem:s10+$0x0]  }
0x2a: {  	v6 =	vimm.s32 $0x0;
	s11 =	simm.s32 $0x10;
	v7 =	vimm.s32 $0x0;
	s12 =	simm.s32 $0x0  }
.LBB2_4:
0x2b: {  	p0 =	sne.s32 s11, $0x3F0;
	_ =	sdelay $0x2  }
0x2c: {  	vm0 =	vge.s32 v8, v1;
	vm1 =	vlt.s32 v8, v0  }
0x2d: {  	vm0 =	vmand vm0, vm1  }
0x2e: {  	v9 =	vsel vm0, $0x1, v4;
	v10 =	vmpcnt.ones.xlane vm0  }
0x2f: {  	(xrf0) =	vadd.scan.msk.s32 $0xffff, v9  }
0x30: {  	v6 =	vadd.s32 v6, v10;
	_ =	sdelay $0x4  }
0x31: {  	v9, _, _ =	vpop (xrf0)  }
0x32: {  	v9 =	vadd.s32 v9, v7;
	v7 =	vmov v6  }
0x33: {  	v9 =	vadd.s32 $0xFFFFFFFF, v9;
	_ =	sdelay $0x3  }
.Ltmp3:
0x34: {  	(pc) =	sbr.rel @p0 .LBB2_4-.Ltmp3, $4  }
0x35: {  	[tilespmem:v9+s26+$0x0] =	vst.idx.msk vm0, v8;
	v8 =	vor.u32 s10, v2;
	s10 =	smov.u32 s11  }
0x36: {  	s12 =	sadd.s32 $0x10, s12;
	[tilespmem:v9+s28+$0x0] =	vst.idx.msk vm0, v8  }
0x37: {  	v8 =	vld [tilespmem:s12+$0x0]  }
0x38: {  	s11 =	sadd.s32 $0x10, s11  }
0x39: {  	_ =	sdelay $0x2  }
0x3a: {  	vm0 =	vge.s32 v8, v1;
	vm1 =	vlt.s32 v8, v0  }
0x3b: {  	vm0 =	vmand vm0, vm1  }
0x3c: {  	v9 =	vsel vm0, $0x1, v4  }
0x3d: {  	(xrf0) =	vadd.scan.msk.s32 $0xffff, v9;
	_ =	sdelay $0x5  }
0x3e: {  	v9, _, _ =	vpop (xrf0)  }
0x3f: {  	v7 =	vadd.s32 v9, v7  }
0x40: {  	v7 =	vadd.s32 $0xFFFFFFFF, v7;
	_ =	sdelay $0x4  }
0x41: {  	[tilespmem:v7+s26+$0x0] =	vst.idx.msk vm0, v8;
	v8 =	vor.u32 s10, v2  }
0x42: {  	s11 =	simm.s32 $0x0;
	s6 =	rddreg [dreg:$0x5];
	[tilespmem:v7+s28+$0x0] =	vst.idx.msk vm0, v8  }
0x43: {  	[tilespmem:s11], [sflag:$0x4] =	stream.linear.gather [hbm4b:s6+s11], $0x400, $0x38;
	[tilespmem:$0x1D800] =	vst v63  }
0x44: {  	v7 =	vmpcnt.ones.xlane vm0;
	_ =	swait.ge [sflag:s25], $0x400  }
0x45: {  	[sflag:s25] =	ssyncset.done $0x0  }
0x46: {  	[sflag:s25] =	ssyncadd.s32 $0xFFFFFC00  }
0x47: {  	v6 =	vadd.s32 v6, v7;
	v8 =	vld [tilespmem:s11+$0x0]  }
0x48: {  	s12 =	simm.s32 $0x410;
	s10 =	simm.s32 $0x400;
	v7 =	vmov v6  }
.LBB2_6:
0x49: {  	p0 =	sne.s32 s12, $0x7F0;
	_ =	sdelay $0x2  }
0x4a: {  	vm0 =	vge.s32 v8, v1;
	vm1 =	vlt.s32 v8, v0  }
0x4b: {  	vm0 =	vmand vm0, vm1  }
0x4c: {  	v9 =	vsel vm0, $0x1, v4;
	v10 =	vmpcnt.ones.xlane vm0  }
0x4d: {  	(xrf0) =	vadd.scan.msk.s32 $0xffff, v9  }
0x4e: {  	v6 =	vadd.s32 v6, v10;
	_ =	sdelay $0x4  }
0x4f: {  	v9, _, _ =	vpop (xrf0)  }
0x50: {  	v9 =	vadd.s32 v9, v7;
	v7 =	vmov v6  }
0x51: {  	v9 =	vadd.s32 $0xFFFFFFFF, v9;
	_ =	sdelay $0x3  }
.Ltmp4:
0x52: {  	(pc) =	sbr.rel @p0 .LBB2_6-.Ltmp4, $4  }
0x53: {  	[tilespmem:v9+s26+$0x0] =	vst.idx.msk vm0, v8;
	v8 =	vor.u32 s10, v2;
	s10 =	smov.u32 s12  }
0x54: {  	s11 =	sadd.s32 $0x10, s11;
	[tilespmem:v9+s28+$0x0] =	vst.idx.msk vm0, v8  }
0x55: {  	v8 =	vld [tilespmem:s11+$0x0]  }
0x56: {  	s12 =	sadd.s32 $0x10, s12  }
0x57: {  	_ =	sdelay $0x2  }
0x58: {  	vm0 =	vge.s32 v8, v1;
	vm1 =	vlt.s32 v8, v0  }
0x59: {  	vm0 =	vmand vm0, vm1  }
0x5a: {  	v9 =	vsel vm0, $0x1, v4  }
0x5b: {  	(xrf0) =	vadd.scan.msk.s32 $0xffff, v9;
	_ =	sdelay $0x5  }
0x5c: {  	v9, _, _ =	vpop (xrf0)  }
0x5d: {  	v7 =	vadd.s32 v9, v7  }
0x5e: {  	v7 =	vadd.s32 $0xFFFFFFFF, v7;
	_ =	sdelay $0x4  }
0x5f: {  	[tilespmem:v7+s26+$0x0] =	vst.idx.msk vm0, v8;
	v8 =	vor.u32 s10, v2  }
0x60: {  	s11 =	simm.s32 $0x0;
	s6 =	rddreg [dreg:$0x6];
	[tilespmem:v7+s28+$0x0] =	vst.idx.msk vm0, v8  }
0x61: {  	[tilespmem:s11], [sflag:$0x4] =	stream.linear.gather [hbm4b:s6+s11], $0x400, $0x38;
	[tilespmem:$0x1D800] =	vst v63  }
0x62: {  	v7 =	vmpcnt.ones.xlane vm0;
	_ =	swait.ge [sflag:s25], $0x400  }
0x63: {  	[sflag:s25] =	ssyncset.done $0x0  }
0x64: {  	[sflag:s25] =	ssyncadd.s32 $0xFFFFFC00  }
0x65: {  	v6 =	vadd.s32 v6, v7;
	v8 =	vld [tilespmem:s11+$0x0]  }
0x66: {  	s12 =	simm.s32 $0x810;
	s10 =	simm.s32 $0x800;
	v7 =	vmov v6  }
.LBB2_8:
0x67: {  	p0 =	sne.s32 s12, $0xBF0;
	_ =	sdelay $0x2  }
0x68: {  	vm0 =	vge.s32 v8, v1;
	vm1 =	vlt.s32 v8, v0  }
0x69: {  	vm0 =	vmand vm0, vm1  }
0x6a: {  	v9 =	vsel vm0, $0x1, v4;
	v10 =	vmpcnt.ones.xlane vm0  }
0x6b: {  	(xrf0) =	vadd.scan.msk.s32 $0xffff, v9  }
0x6c: {  	v6 =	vadd.s32 v6, v10;
	_ =	sdelay $0x4  }
0x6d: {  	v9, _, _ =	vpop (xrf0)  }
0x6e: {  	v9 =	vadd.s32 v9, v7;
	v7 =	vmov v6  }
0x6f: {  	v9 =	vadd.s32 $0xFFFFFFFF, v9;
	_ =	sdelay $0x3  }
.Ltmp5:
0x70: {  	(pc) =	sbr.rel @p0 .LBB2_8-.Ltmp5, $4  }
0x71: {  	[tilespmem:v9+s26+$0x0] =	vst.idx.msk vm0, v8;
	v8 =	vor.u32 s10, v2;
	s10 =	smov.u32 s12  }
0x72: {  	s11 =	sadd.s32 $0x10, s11;
	[tilespmem:v9+s28+$0x0] =	vst.idx.msk vm0, v8  }
0x73: {  	v8 =	vld [tilespmem:s11+$0x0]  }
0x74: {  	s12 =	sadd.s32 $0x10, s12  }
0x75: {  	_ =	sdelay $0x2  }
0x76: {  	vm0 =	vge.s32 v8, v1;
	vm1 =	vlt.s32 v8, v0  }
0x77: {  	vm0 =	vmand vm0, vm1  }
0x78: {  	v9 =	vsel vm0, $0x1, v4  }
0x79: {  	(xrf0) =	vadd.scan.msk.s32 $0xffff, v9;
	_ =	sdelay $0x5  }
0x7a: {  	v9, _, _ =	vpop (xrf0)  }
0x7b: {  	v7 =	vadd.s32 v9, v7  }
0x7c: {  	v7 =	vadd.s32 $0xFFFFFFFF, v7;
	_ =	sdelay $0x4  }
0x7d: {  	[tilespmem:v7+s26+$0x0] =	vst.idx.msk vm0, v8;
	v8 =	vor.u32 s10, v2  }
0x7e: {  	s11 =	simm.s32 $0x0;
	s6 =	rddreg [dreg:$0x7];
	[tilespmem:v7+s28+$0x0] =	vst.idx.msk vm0, v8  }
0x7f: {  	[tilespmem:s11], [sflag:$0x4] =	stream.linear.gather [hbm4b:s6+s11], $0x400, $0x38;
	[tilespmem:$0x1D800] =	vst v63  }
0x80: {  	v7 =	vmpcnt.ones.xlane vm0;
	_ =	swait.ge [sflag:s25], $0x400  }
0x81: {  	[sflag:s25] =	ssyncset.done $0x0  }
0x82: {  	[sflag:s25] =	ssyncadd.s32 $0xFFFFFC00  }
0x83: {  	v6 =	vadd.s32 v6, v7;
	v8 =	vld [tilespmem:s11+$0x0]  }
0x84: {  	s12 =	simm.s32 $0xC10;
	s10 =	simm.s32 $0xC00;
	v7 =	vmov v6  }
.LBB2_10:
0x85: {  	p0 =	sne.s32 s12, $0xFF0;
	_ =	sdelay $0x2  }
0x86: {  	vm0 =	vge.s32 v8, v1;
	vm1 =	vlt.s32 v8, v0  }
0x87: {  	vm0 =	vmand vm0, vm1  }
0x88: {  	v9 =	vsel vm0, $0x1, v4;
	v10 =	vmpcnt.ones.xlane vm0  }
0x89: {  	(xrf0) =	vadd.scan.msk.s32 $0xffff, v9  }
0x8a: {  	v6 =	vadd.s32 v6, v10;
	_ =	sdelay $0x4  }
0x8b: {  	v9, _, _ =	vpop (xrf0)  }
0x8c: {  	v9 =	vadd.s32 v9, v7;
	v7 =	vmov v6  }
0x8d: {  	v9 =	vadd.s32 $0xFFFFFFFF, v9;
	_ =	sdelay $0x3  }
.Ltmp6:
0x8e: {  	(pc) =	sbr.rel @p0 .LBB2_10-.Ltmp6, $4  }
0x8f: {  	[tilespmem:v9+s26+$0x0] =	vst.idx.msk vm0, v8;
	v8 =	vor.u32 s10, v2;
	s10 =	smov.u32 s12  }
0x90: {  	s11 =	sadd.s32 $0x10, s11;
	[tilespmem:v9+s28+$0x0] =	vst.idx.msk vm0, v8  }
0x91: {  	v8 =	vld [tilespmem:s11+$0x0]  }
0x92: {  	s12 =	sadd.s32 $0x10, s12  }
0x93: {  	_ =	sdelay $0x2  }
0x94: {  	vm0 =	vge.s32 v8, v1;
	vm1 =	vlt.s32 v8, v0  }
0x95: {  	vm0 =	vmand vm0, vm1  }
0x96: {  	v9 =	vsel vm0, $0x1, v4  }
0x97: {  	(xrf0) =	vadd.scan.msk.s32 $0xffff, v9;
	_ =	sdelay $0x5  }
0x98: {  	v9, _, _ =	vpop (xrf0)  }
0x99: {  	v7 =	vadd.s32 v9, v7  }
0x9a: {  	v7 =	vadd.s32 $0xFFFFFFFF, v7;
	_ =	sdelay $0x4  }
0x9b: {  	[tilespmem:v7+s26+$0x0] =	vst.idx.msk vm0, v8;
	v8 =	vor.u32 s10, v2  }
0x9c: {  	s11 =	simm.s32 $0x0;
	s6 =	rddreg [dreg:$0x8];
	[tilespmem:v7+s28+$0x0] =	vst.idx.msk vm0, v8  }
0x9d: {  	[tilespmem:s11], [sflag:$0x4] =	stream.linear.gather [hbm4b:s6+s11], $0x400, $0x38;
	[tilespmem:$0x1D800] =	vst v63  }
0x9e: {  	v7 =	vmpcnt.ones.xlane vm0;
	_ =	swait.ge [sflag:s25], $0x400  }
0x9f: {  	[sflag:s25] =	ssyncset.done $0x0  }
0xa0: {  	[sflag:s25] =	ssyncadd.s32 $0xFFFFFC00  }
0xa1: {  	v6 =	vadd.s32 v6, v7;
	v8 =	vld [tilespmem:s11+$0x0]  }
0xa2: {  	s12 =	simm.s32 $0x1010;
	s10 =	simm.s32 $0x1000;
	v7 =	vmov v6  }
.LBB2_12:
0xa3: {  	p0 =	sne.s32 s12, $0x13F0;
	_ =	sdelay $0x2  }
0xa4: {  	vm0 =	vge.s32 v8, v1;
	vm1 =	vlt.s32 v8, v0  }
0xa5: {  	vm0 =	vmand vm0, vm1  }
0xa6: {  	v9 =	vsel vm0, $0x1, v4;
	v10 =	vmpcnt.ones.xlane vm0  }
0xa7: {  	(xrf0) =	vadd.scan.msk.s32 $0xffff, v9  }
0xa8: {  	v6 =	vadd.s32 v6, v10;
	_ =	sdelay $0x4  }
0xa9: {  	v9, _, _ =	vpop (xrf0)  }
0xaa: {  	v9 =	vadd.s32 v9, v7;
	v7 =	vmov v6  }
0xab: {  	v9 =	vadd.s32 $0xFFFFFFFF, v9;
	_ =	sdelay $0x3  }
.Ltmp7:
0xac: {  	(pc) =	sbr.rel @p0 .LBB2_12-.Ltmp7, $4  }
0xad: {  	[tilespmem:v9+s26+$0x0] =	vst.idx.msk vm0, v8;
	v8 =	vor.u32 s10, v2;
	s10 =	smov.u32 s12  }
0xae: {  	s11 =	sadd.s32 $0x10, s11;
	[tilespmem:v9+s28+$0x0] =	vst.idx.msk vm0, v8  }
0xaf: {  	v8 =	vld [tilespmem:s11+$0x0]  }
0xb0: {  	s12 =	sadd.s32 $0x10, s12  }
0xb1: {  	_ =	sdelay $0x2  }
0xb2: {  	vm0 =	vge.s32 v8, v1;
	vm1 =	vlt.s32 v8, v0  }
0xb3: {  	vm0 =	vmand vm0, vm1  }
0xb4: {  	v9 =	vsel vm0, $0x1, v4  }
0xb5: {  	(xrf0) =	vadd.scan.msk.s32 $0xffff, v9;
	_ =	sdelay $0x5  }
0xb6: {  	v9, _, _ =	vpop (xrf0)  }
0xb7: {  	v7 =	vadd.s32 v9, v7  }
0xb8: {  	v7 =	vadd.s32 $0xFFFFFFFF, v7;
	_ =	sdelay $0x4  }
0xb9: {  	[tilespmem:v7+s26+$0x0] =	vst.idx.msk vm0, v8;
	v8 =	vor.u32 s10, v2  }
0xba: {  	s11 =	simm.s32 $0x0;
	s6 =	rddreg [dreg:$0x9];
	[tilespmem:v7+s28+$0x0] =	vst.idx.msk vm0, v8  }
0xbb: {  	[tilespmem:s11], [sflag:$0x4] =	stream.linear.gather [hbm4b:s6+s11], $0x400, $0x38;
	[tilespmem:$0x1D800] =	vst v63  }
0xbc: {  	v7 =	vmpcnt.ones.xlane vm0;
	_ =	swait.ge [sflag:s25], $0x400  }
0xbd: {  	[sflag:s25] =	ssyncset.done $0x0  }
0xbe: {  	[sflag:s25] =	ssyncadd.s32 $0xFFFFFC00  }
0xbf: {  	v6 =	vadd.s32 v6, v7;
	v8 =	vld [tilespmem:s11+$0x0]  }
0xc0: {  	s12 =	simm.s32 $0x1410;
	s10 =	simm.s32 $0x1400;
	v7 =	vmov v6  }
.LBB2_14:
0xc1: {  	p0 =	sne.s32 s12, $0x17F0;
	_ =	sdelay $0x2  }
0xc2: {  	vm0 =	vge.s32 v8, v1;
	vm1 =	vlt.s32 v8, v0  }
0xc3: {  	vm0 =	vmand vm0, vm1  }
0xc4: {  	v9 =	vsel vm0, $0x1, v4;
	v10 =	vmpcnt.ones.xlane vm0  }
0xc5: {  	(xrf0) =	vadd.scan.msk.s32 $0xffff, v9  }
0xc6: {  	v6 =	vadd.s32 v6, v10;
	_ =	sdelay $0x4  }
0xc7: {  	v9, _, _ =	vpop (xrf0)  }
0xc8: {  	v9 =	vadd.s32 v9, v7;
	v7 =	vmov v6  }
0xc9: {  	v9 =	vadd.s32 $0xFFFFFFFF, v9;
	_ =	sdelay $0x3  }
.Ltmp8:
0xca: {  	(pc) =	sbr.rel @p0 .LBB2_14-.Ltmp8, $4  }
0xcb: {  	[tilespmem:v9+s26+$0x0] =	vst.idx.msk vm0, v8;
	v8 =	vor.u32 s10, v2;
	s10 =	smov.u32 s12  }
0xcc: {  	s11 =	sadd.s32 $0x10, s11;
	[tilespmem:v9+s28+$0x0] =	vst.idx.msk vm0, v8  }
0xcd: {  	v8 =	vld [tilespmem:s11+$0x0]  }
0xce: {  	s12 =	sadd.s32 $0x10, s12  }
0xcf: {  	_ =	sdelay $0x2  }
0xd0: {  	vm0 =	vge.s32 v8, v1;
	vm1 =	vlt.s32 v8, v0  }
0xd1: {  	vm0 =	vmand vm0, vm1  }
0xd2: {  	v9 =	vsel vm0, $0x1, v4  }
0xd3: {  	(xrf0) =	vadd.scan.msk.s32 $0xffff, v9;
	_ =	sdelay $0x5  }
0xd4: {  	v9, _, _ =	vpop (xrf0)  }
0xd5: {  	v7 =	vadd.s32 v9, v7  }
0xd6: {  	v7 =	vadd.s32 $0xFFFFFFFF, v7;
	_ =	sdelay $0x4  }
0xd7: {  	[tilespmem:v7+s26+$0x0] =	vst.idx.msk vm0, v8;
	v8 =	vor.u32 s10, v2  }
0xd8: {  	s11 =	simm.s32 $0x0;
	s6 =	rddreg [dreg:$0xa];
	[tilespmem:v7+s28+$0x0] =	vst.idx.msk vm0, v8  }
0xd9: {  	[tilespmem:s11], [sflag:$0x4] =	stream.linear.gather [hbm4b:s6+s11], $0x400, $0x38;
	[tilespmem:$0x1D800] =	vst v63  }
0xda: {  	v7 =	vmpcnt.ones.xlane vm0;
	_ =	swait.ge [sflag:s25], $0x400  }
0xdb: {  	[sflag:s25] =	ssyncset.done $0x0  }
0xdc: {  	[sflag:s25] =	ssyncadd.s32 $0xFFFFFC00  }
0xdd: {  	v6 =	vadd.s32 v6, v7;
	v8 =	vld [tilespmem:s11+$0x0]  }
0xde: {  	s12 =	simm.s32 $0x1810;
	s10 =	simm.s32 $0x1800;
	v7 =	vmov v6  }
.LBB2_16:
0xdf: {  	p0 =	sne.s32 s12, $0x1BF0;
	_ =	sdelay $0x2  }
0xe0: {  	vm0 =	vge.s32 v8, v1;
	vm1 =	vlt.s32 v8, v0  }
0xe1: {  	vm0 =	vmand vm0, vm1  }
0xe2: {  	v9 =	vsel vm0, $0x1, v4;
	v10 =	vmpcnt.ones.xlane vm0  }
0xe3: {  	(xrf0) =	vadd.scan.msk.s32 $0xffff, v9  }
0xe4: {  	v6 =	vadd.s32 v6, v10;
	_ =	sdelay $0x4  }
0xe5: {  	v9, _, _ =	vpop (xrf0)  }
0xe6: {  	v9 =	vadd.s32 v9, v7;
	v7 =	vmov v6  }
0xe7: {  	v9 =	vadd.s32 $0xFFFFFFFF, v9;
	_ =	sdelay $0x3  }
.Ltmp9:
0xe8: {  	(pc) =	sbr.rel @p0 .LBB2_16-.Ltmp9, $4  }
0xe9: {  	[tilespmem:v9+s26+$0x0] =	vst.idx.msk vm0, v8;
	v8 =	vor.u32 s10, v2;
	s10 =	smov.u32 s12  }
0xea: {  	s11 =	sadd.s32 $0x10, s11;
	[tilespmem:v9+s28+$0x0] =	vst.idx.msk vm0, v8  }
0xeb: {  	v8 =	vld [tilespmem:s11+$0x0]  }
0xec: {  	s12 =	sadd.s32 $0x10, s12  }
0xed: {  	_ =	sdelay $0x2  }
0xee: {  	vm0 =	vge.s32 v8, v1;
	vm1 =	vlt.s32 v8, v0  }
0xef: {  	vm0 =	vmand vm0, vm1  }
0xf0: {  	v9 =	vsel vm0, $0x1, v4  }
0xf1: {  	(xrf0) =	vadd.scan.msk.s32 $0xffff, v9;
	_ =	sdelay $0x5  }
0xf2: {  	v9, _, _ =	vpop (xrf0)  }
0xf3: {  	v7 =	vadd.s32 v9, v7  }
0xf4: {  	v7 =	vadd.s32 $0xFFFFFFFF, v7;
	_ =	sdelay $0x4  }
0xf5: {  	[tilespmem:v7+s26+$0x0] =	vst.idx.msk vm0, v8;
	v8 =	vor.u32 s10, v2  }
0xf6: {  	s11 =	simm.s32 $0x0;
	s6 =	rddreg [dreg:$0xb];
	[tilespmem:v7+s28+$0x0] =	vst.idx.msk vm0, v8  }
0xf7: {  	[tilespmem:s11], [sflag:$0x4] =	stream.linear.gather [hbm4b:s6+s11], $0x400, $0x38;
	[tilespmem:$0x1D800] =	vst v63  }
0xf8: {  	v7 =	vmpcnt.ones.xlane vm0;
	_ =	swait.ge [sflag:s25], $0x400  }
0xf9: {  	[sflag:s25] =	ssyncset.done $0x0  }
0xfa: {  	[sflag:s25] =	ssyncadd.s32 $0xFFFFFC00  }
0xfb: {  	v6 =	vadd.s32 v6, v7;
	v8 =	vld [tilespmem:s11+$0x0]  }
0xfc: {  	s12 =	simm.s32 $0x1C10;
	s10 =	simm.s32 $0x1C00;
	v7 =	vmov v6  }
.LBB2_18:
0xfd: {  	p0 =	sne.s32 s12, $0x1FF0;
	_ =	sdelay $0x2  }
0xfe: {  	vm0 =	vge.s32 v8, v1;
	vm1 =	vlt.s32 v8, v0  }
0xff: {  	vm0 =	vmand vm0, vm1  }
0x100: {  	v9 =	vsel vm0, $0x1, v4;
	v10 =	vmpcnt.ones.xlane vm0  }
0x101: {  	(xrf0) =	vadd.scan.msk.s32 $0xffff, v9  }
0x102: {  	v6 =	vadd.s32 v6, v10;
	_ =	sdelay $0x4  }
0x103: {  	v9, _, _ =	vpop (xrf0)  }
0x104: {  	v9 =	vadd.s32 v9, v7;
	v7 =	vmov v6  }
0x105: {  	v9 =	vadd.s32 $0xFFFFFFFF, v9;
	_ =	sdelay $0x3  }
.Ltmp10:
0x106: {  	(pc) =	sbr.rel @p0 .LBB2_18-.Ltmp10, $4  }
0x107: {  	[tilespmem:v9+s26+$0x0] =	vst.idx.msk vm0, v8;
	v8 =	vor.u32 s10, v2;
	s10 =	smov.u32 s12  }
0x108: {  	s11 =	sadd.s32 $0x10, s11;
	[tilespmem:v9+s28+$0x0] =	vst.idx.msk vm0, v8  }
0x109: {  	v8 =	vld [tilespmem:s11+$0x0]  }
0x10a: {  	s12 =	sadd.s32 $0x10, s12  }
0x10b: {  	_ =	sdelay $0x2  }
0x10c: {  	vm0 =	vge.s32 v8, v1;
	vm1 =	vlt.s32 v8, v0  }
0x10d: {  	vm0 =	vmand vm0, vm1  }
0x10e: {  	v9 =	vsel vm0, $0x1, v4  }
0x10f: {  	(xrf0) =	vadd.scan.msk.s32 $0xffff, v9;
	_ =	sdelay $0x5  }
0x110: {  	v9, _, _ =	vpop (xrf0)  }
0x111: {  	v7 =	vadd.s32 v9, v7  }
0x112: {  	v7 =	vadd.s32 $0xFFFFFFFF, v7;
	_ =	sdelay $0x4  }
0x113: {  	[tilespmem:v7+s26+$0x0] =	vst.idx.msk vm0, v8;
	v8 =	vor.u32 s10, v2  }
0x114: {  	s11 =	simm.s32 $0x0;
	s6 =	rddreg [dreg:$0xc];
	[tilespmem:v7+s28+$0x0] =	vst.idx.msk vm0, v8  }
0x115: {  	[tilespmem:s11], [sflag:$0x4] =	stream.linear.gather [hbm4b:s6+s11], $0x400, $0x38;
	[tilespmem:$0x1D800] =	vst v63  }
0x116: {  	v7 =	vmpcnt.ones.xlane vm0;
	_ =	swait.ge [sflag:s25], $0x400  }
0x117: {  	[sflag:s25] =	ssyncset.done $0x0  }
0x118: {  	[sflag:s25] =	ssyncadd.s32 $0xFFFFFC00  }
0x119: {  	v6 =	vadd.s32 v6, v7;
	v8 =	vld [tilespmem:s11+$0x0]  }
0x11a: {  	s12 =	simm.s32 $0x2010;
	s10 =	simm.s32 $0x2000;
	v7 =	vmov v6  }
.LBB2_20:
0x11b: {  	p0 =	sne.s32 s12, $0x23F0;
	_ =	sdelay $0x2  }
0x11c: {  	vm0 =	vge.s32 v8, v1;
	vm1 =	vlt.s32 v8, v0  }
0x11d: {  	vm0 =	vmand vm0, vm1  }
0x11e: {  	v9 =	vsel vm0, $0x1, v4;
	v10 =	vmpcnt.ones.xlane vm0  }
0x11f: {  	(xrf0) =	vadd.scan.msk.s32 $0xffff, v9  }
0x120: {  	v6 =	vadd.s32 v6, v10;
	_ =	sdelay $0x4  }
0x121: {  	v9, _, _ =	vpop (xrf0)  }
0x122: {  	v9 =	vadd.s32 v9, v7;
	v7 =	vmov v6  }
0x123: {  	v9 =	vadd.s32 $0xFFFFFFFF, v9;
	_ =	sdelay $0x3  }
.Ltmp11:
0x124: {  	(pc) =	sbr.rel @p0 .LBB2_20-.Ltmp11, $4  }
0x125: {  	[tilespmem:v9+s26+$0x0] =	vst.idx.msk vm0, v8;
	v8 =	vor.u32 s10, v2;
	s10 =	smov.u32 s12  }
0x126: {  	s11 =	sadd.s32 $0x10, s11;
	[tilespmem:v9+s28+$0x0] =	vst.idx.msk vm0, v8  }
0x127: {  	v8 =	vld [tilespmem:s11+$0x0]  }
0x128: {  	s12 =	sadd.s32 $0x10, s12  }
0x129: {  	_ =	sdelay $0x2  }
0x12a: {  	vm0 =	vge.s32 v8, v1;
	vm1 =	vlt.s32 v8, v0  }
0x12b: {  	vm0 =	vmand vm0, vm1  }
0x12c: {  	v9 =	vsel vm0, $0x1, v4  }
0x12d: {  	(xrf0) =	vadd.scan.msk.s32 $0xffff, v9;
	_ =	sdelay $0x5  }
0x12e: {  	v9, _, _ =	vpop (xrf0)  }
0x12f: {  	v7 =	vadd.s32 v9, v7  }
0x130: {  	v7 =	vadd.s32 $0xFFFFFFFF, v7;
	_ =	sdelay $0x4  }
0x131: {  	[tilespmem:v7+s26+$0x0] =	vst.idx.msk vm0, v8;
	v8 =	vor.u32 s10, v2  }
0x132: {  	s11 =	simm.s32 $0x0;
	s6 =	rddreg [dreg:$0xd];
	[tilespmem:v7+s28+$0x0] =	vst.idx.msk vm0, v8  }
0x133: {  	[tilespmem:s11], [sflag:$0x4] =	stream.linear.gather [hbm4b:s6+s11], $0x400, $0x38;
	[tilespmem:$0x1D800] =	vst v63  }
0x134: {  	v7 =	vmpcnt.ones.xlane vm0;
	_ =	swait.ge [sflag:s25], $0x400  }
0x135: {  	[sflag:s25] =	ssyncset.done $0x0  }
0x136: {  	[sflag:s25] =	ssyncadd.s32 $0xFFFFFC00  }
0x137: {  	v6 =	vadd.s32 v6, v7;
	v8 =	vld [tilespmem:s11+$0x0]  }
0x138: {  	s12 =	simm.s32 $0x2410;
	s10 =	simm.s32 $0x2400;
	v7 =	vmov v6  }
.LBB2_22:
0x139: {  	p0 =	sne.s32 s12, $0x27F0;
	_ =	sdelay $0x2  }
0x13a: {  	vm0 =	vge.s32 v8, v1;
	vm1 =	vlt.s32 v8, v0  }
0x13b: {  	vm0 =	vmand vm0, vm1  }
0x13c: {  	v9 =	vsel vm0, $0x1, v4;
	v10 =	vmpcnt.ones.xlane vm0  }
0x13d: {  	(xrf0) =	vadd.scan.msk.s32 $0xffff, v9  }
0x13e: {  	v6 =	vadd.s32 v6, v10;
	_ =	sdelay $0x4  }
0x13f: {  	v9, _, _ =	vpop (xrf0)  }
0x140: {  	v9 =	vadd.s32 v9, v7;
	v7 =	vmov v6  }
0x141: {  	v9 =	vadd.s32 $0xFFFFFFFF, v9;
	_ =	sdelay $0x3  }
.Ltmp12:
0x142: {  	(pc) =	sbr.rel @p0 .LBB2_22-.Ltmp12, $4  }
0x143: {  	[tilespmem:v9+s26+$0x0] =	vst.idx.msk vm0, v8;
	v8 =	vor.u32 s10, v2;
	s10 =	smov.u32 s12  }
0x144: {  	s11 =	sadd.s32 $0x10, s11;
	[tilespmem:v9+s28+$0x0] =	vst.idx.msk vm0, v8  }
0x145: {  	v8 =	vld [tilespmem:s11+$0x0]  }
0x146: {  	s12 =	sadd.s32 $0x10, s12  }
0x147: {  	_ =	sdelay $0x2  }
0x148: {  	vm0 =	vge.s32 v8, v1;
	vm1 =	vlt.s32 v8, v0  }
0x149: {  	vm0 =	vmand vm0, vm1  }
0x14a: {  	v9 =	vsel vm0, $0x1, v4  }
0x14b: {  	(xrf0) =	vadd.scan.msk.s32 $0xffff, v9;
	_ =	sdelay $0x5  }
0x14c: {  	v9, _, _ =	vpop (xrf0)  }
0x14d: {  	v7 =	vadd.s32 v9, v7  }
0x14e: {  	v7 =	vadd.s32 $0xFFFFFFFF, v7;
	_ =	sdelay $0x4  }
0x14f: {  	[tilespmem:v7+s26+$0x0] =	vst.idx.msk vm0, v8;
	v8 =	vor.u32 s10, v2  }
0x150: {  	s11 =	simm.s32 $0x0;
	s6 =	rddreg [dreg:$0xe];
	[tilespmem:v7+s28+$0x0] =	vst.idx.msk vm0, v8  }
0x151: {  	[tilespmem:s11], [sflag:$0x4] =	stream.linear.gather [hbm4b:s6+s11], $0x400, $0x38;
	[tilespmem:$0x1D800] =	vst v63  }
0x152: {  	v7 =	vmpcnt.ones.xlane vm0;
	_ =	swait.ge [sflag:s25], $0x400  }
0x153: {  	[sflag:s25] =	ssyncset.done $0x0  }
0x154: {  	[sflag:s25] =	ssyncadd.s32 $0xFFFFFC00  }
0x155: {  	v6 =	vadd.s32 v6, v7;
	v8 =	vld [tilespmem:s11+$0x0]  }
0x156: {  	s12 =	simm.s32 $0x2810;
	s10 =	simm.s32 $0x2800;
	v7 =	vmov v6  }
.LBB2_24:
0x157: {  	p0 =	sne.s32 s12, $0x2BF0;
	_ =	sdelay $0x2  }
0x158: {  	vm0 =	vge.s32 v8, v1;
	vm1 =	vlt.s32 v8, v0  }
0x159: {  	vm0 =	vmand vm0, vm1  }
0x15a: {  	v9 =	vsel vm0, $0x1, v4;
	v10 =	vmpcnt.ones.xlane vm0  }
0x15b: {  	(xrf0) =	vadd.scan.msk.s32 $0xffff, v9  }
0x15c: {  	v6 =	vadd.s32 v6, v10;
	_ =	sdelay $0x4  }
0x15d: {  	v9, _, _ =	vpop (xrf0)  }
0x15e: {  	v9 =	vadd.s32 v9, v7;
	v7 =	vmov v6  }
0x15f: {  	v9 =	vadd.s32 $0xFFFFFFFF, v9;
	_ =	sdelay $0x3  }
.Ltmp13:
0x160: {  	(pc) =	sbr.rel @p0 .LBB2_24-.Ltmp13, $4  }
0x161: {  	[tilespmem:v9+s26+$0x0] =	vst.idx.msk vm0, v8;
	v8 =	vor.u32 s10, v2;
	s10 =	smov.u32 s12  }
0x162: {  	s11 =	sadd.s32 $0x10, s11;
	[tilespmem:v9+s28+$0x0] =	vst.idx.msk vm0, v8  }
0x163: {  	v8 =	vld [tilespmem:s11+$0x0]  }
0x164: {  	s12 =	sadd.s32 $0x10, s12  }
0x165: {  	_ =	sdelay $0x2  }
0x166: {  	vm0 =	vge.s32 v8, v1;
	vm1 =	vlt.s32 v8, v0  }
0x167: {  	vm0 =	vmand vm0, vm1  }
0x168: {  	v9 =	vsel vm0, $0x1, v4  }
0x169: {  	(xrf0) =	vadd.scan.msk.s32 $0xffff, v9;
	_ =	sdelay $0x5  }
0x16a: {  	v9, _, _ =	vpop (xrf0)  }
0x16b: {  	v7 =	vadd.s32 v9, v7  }
0x16c: {  	v7 =	vadd.s32 $0xFFFFFFFF, v7;
	_ =	sdelay $0x4  }
0x16d: {  	[tilespmem:v7+s26+$0x0] =	vst.idx.msk vm0, v8;
	v8 =	vor.u32 s10, v2  }
0x16e: {  	s11 =	simm.s32 $0x0;
	s6 =	rddreg [dreg:$0xf];
	[tilespmem:v7+s28+$0x0] =	vst.idx.msk vm0, v8  }
0x16f: {  	[tilespmem:s11], [sflag:$0x4] =	stream.linear.gather [hbm4b:s6+s11], $0x400, $0x38;
	[tilespmem:$0x1D800] =	vst v63  }
0x170: {  	v7 =	vmpcnt.ones.xlane vm0;
	_ =	swait.ge [sflag:s25], $0x400  }
0x171: {  	[sflag:s25] =	ssyncset.done $0x0  }
0x172: {  	[sflag:s25] =	ssyncadd.s32 $0xFFFFFC00  }
0x173: {  	v6 =	vadd.s32 v6, v7;
	v8 =	vld [tilespmem:s11+$0x0]  }
0x174: {  	s12 =	simm.s32 $0x2C10;
	s10 =	simm.s32 $0x2C00;
	v7 =	vmov v6  }
.LBB2_26:
0x175: {  	p0 =	sne.s32 s12, $0x2FF0;
	_ =	sdelay $0x2  }
0x176: {  	vm0 =	vge.s32 v8, v1;
	vm1 =	vlt.s32 v8, v0  }
0x177: {  	vm0 =	vmand vm0, vm1  }
0x178: {  	v9 =	vsel vm0, $0x1, v4;
	v10 =	vmpcnt.ones.xlane vm0  }
0x179: {  	(xrf0) =	vadd.scan.msk.s32 $0xffff, v9  }
0x17a: {  	v6 =	vadd.s32 v6, v10;
	_ =	sdelay $0x4  }
0x17b: {  	v9, _, _ =	vpop (xrf0)  }
0x17c: {  	v9 =	vadd.s32 v9, v7;
	v7 =	vmov v6  }
0x17d: {  	v9 =	vadd.s32 $0xFFFFFFFF, v9;
	_ =	sdelay $0x3  }
.Ltmp14:
0x17e: {  	(pc) =	sbr.rel @p0 .LBB2_26-.Ltmp14, $4  }
0x17f: {  	[tilespmem:v9+s26+$0x0] =	vst.idx.msk vm0, v8;
	v8 =	vor.u32 s10, v2;
	s10 =	smov.u32 s12  }
0x180: {  	s11 =	sadd.s32 $0x10, s11;
	[tilespmem:v9+s28+$0x0] =	vst.idx.msk vm0, v8  }
0x181: {  	v8 =	vld [tilespmem:s11+$0x0]  }
0x182: {  	s12 =	sadd.s32 $0x10, s12  }
0x183: {  	_ =	sdelay $0x2  }
0x184: {  	vm0 =	vge.s32 v8, v1;
	vm1 =	vlt.s32 v8, v0  }
0x185: {  	vm0 =	vmand vm0, vm1  }
0x186: {  	v9 =	vsel vm0, $0x1, v4  }
0x187: {  	(xrf0) =	vadd.scan.msk.s32 $0xffff, v9;
	_ =	sdelay $0x5  }
0x188: {  	v9, _, _ =	vpop (xrf0)  }
0x189: {  	v7 =	vadd.s32 v9, v7  }
0x18a: {  	v7 =	vadd.s32 $0xFFFFFFFF, v7;
	_ =	sdelay $0x4  }
0x18b: {  	[tilespmem:v7+s26+$0x0] =	vst.idx.msk vm0, v8;
	v8 =	vor.u32 s10, v2  }
0x18c: {  	s11 =	simm.s32 $0x0;
	s6 =	rddreg [dreg:$0x10];
	[tilespmem:v7+s28+$0x0] =	vst.idx.msk vm0, v8  }
0x18d: {  	[tilespmem:s11], [sflag:$0x4] =	stream.linear.gather [hbm4b:s6+s11], $0x400, $0x38;
	[tilespmem:$0x1D800] =	vst v63  }
0x18e: {  	v7 =	vmpcnt.ones.xlane vm0;
	_ =	swait.ge [sflag:s25], $0x400  }
0x18f: {  	[sflag:s25] =	ssyncset.done $0x0  }
0x190: {  	[sflag:s25] =	ssyncadd.s32 $0xFFFFFC00  }
0x191: {  	v6 =	vadd.s32 v6, v7;
	v8 =	vld [tilespmem:s11+$0x0]  }
0x192: {  	s12 =	simm.s32 $0x3010;
	s10 =	simm.s32 $0x3000;
	v7 =	vmov v6  }
.LBB2_28:
0x193: {  	p0 =	sne.s32 s12, $0x33F0;
	_ =	sdelay $0x2  }
0x194: {  	vm0 =	vge.s32 v8, v1;
	vm1 =	vlt.s32 v8, v0  }
0x195: {  	vm0 =	vmand vm0, vm1  }
0x196: {  	v9 =	vsel vm0, $0x1, v4;
	v10 =	vmpcnt.ones.xlane vm0  }
0x197: {  	(xrf0) =	vadd.scan.msk.s32 $0xffff, v9  }
0x198: {  	v6 =	vadd.s32 v6, v10;
	_ =	sdelay $0x4  }
0x199: {  	v9, _, _ =	vpop (xrf0)  }
0x19a: {  	v9 =	vadd.s32 v9, v7;
	v7 =	vmov v6  }
0x19b: {  	v9 =	vadd.s32 $0xFFFFFFFF, v9;
	_ =	sdelay $0x3  }
.Ltmp15:
0x19c: {  	(pc) =	sbr.rel @p0 .LBB2_28-.Ltmp15, $4  }
0x19d: {  	[tilespmem:v9+s26+$0x0] =	vst.idx.msk vm0, v8;
	v8 =	vor.u32 s10, v2;
	s10 =	smov.u32 s12  }
0x19e: {  	s11 =	sadd.s32 $0x10, s11;
	[tilespmem:v9+s28+$0x0] =	vst.idx.msk vm0, v8  }
0x19f: {  	v8 =	vld [tilespmem:s11+$0x0]  }
0x1a0: {  	s12 =	sadd.s32 $0x10, s12  }
0x1a1: {  	_ =	sdelay $0x2  }
0x1a2: {  	vm0 =	vge.s32 v8, v1;
	vm1 =	vlt.s32 v8, v0  }
0x1a3: {  	vm0 =	vmand vm0, vm1  }
0x1a4: {  	v9 =	vsel vm0, $0x1, v4  }
0x1a5: {  	(xrf0) =	vadd.scan.msk.s32 $0xffff, v9;
	_ =	sdelay $0x5  }
0x1a6: {  	v9, _, _ =	vpop (xrf0)  }
0x1a7: {  	v7 =	vadd.s32 v9, v7  }
0x1a8: {  	v7 =	vadd.s32 $0xFFFFFFFF, v7;
	_ =	sdelay $0x4  }
0x1a9: {  	[tilespmem:v7+s26+$0x0] =	vst.idx.msk vm0, v8;
	v8 =	vor.u32 s10, v2  }
0x1aa: {  	s11 =	simm.s32 $0x0;
	s6 =	rddreg [dreg:$0x11];
	[tilespmem:v7+s28+$0x0] =	vst.idx.msk vm0, v8  }
0x1ab: {  	[tilespmem:s11], [sflag:$0x4] =	stream.linear.gather [hbm4b:s6+s11], $0x400, $0x38;
	[tilespmem:$0x1D800] =	vst v63  }
0x1ac: {  	v7 =	vmpcnt.ones.xlane vm0;
	_ =	swait.ge [sflag:s25], $0x400  }
0x1ad: {  	[sflag:s25] =	ssyncset.done $0x0  }
0x1ae: {  	[sflag:s25] =	ssyncadd.s32 $0xFFFFFC00  }
0x1af: {  	v6 =	vadd.s32 v6, v7;
	v8 =	vld [tilespmem:s11+$0x0]  }
0x1b0: {  	s12 =	simm.s32 $0x3410;
	s10 =	simm.s32 $0x3400;
	v7 =	vmov v6  }
.LBB2_30:
0x1b1: {  	p0 =	sne.s32 s12, $0x37F0;
	_ =	sdelay $0x2  }
0x1b2: {  	vm0 =	vge.s32 v8, v1;
	vm1 =	vlt.s32 v8, v0  }
0x1b3: {  	vm0 =	vmand vm0, vm1  }
0x1b4: {  	v9 =	vsel vm0, $0x1, v4;
	v10 =	vmpcnt.ones.xlane vm0  }
0x1b5: {  	(xrf0) =	vadd.scan.msk.s32 $0xffff, v9  }
0x1b6: {  	v6 =	vadd.s32 v6, v10;
	_ =	sdelay $0x4  }
0x1b7: {  	v9, _, _ =	vpop (xrf0)  }
0x1b8: {  	v9 =	vadd.s32 v9, v7;
	v7 =	vmov v6  }
0x1b9: {  	v9 =	vadd.s32 $0xFFFFFFFF, v9;
	_ =	sdelay $0x3  }
.Ltmp16:
0x1ba: {  	(pc) =	sbr.rel @p0 .LBB2_30-.Ltmp16, $4  }
0x1bb: {  	[tilespmem:v9+s26+$0x0] =	vst.idx.msk vm0, v8;
	v8 =	vor.u32 s10, v2;
	s10 =	smov.u32 s12  }
0x1bc: {  	s11 =	sadd.s32 $0x10, s11;
	[tilespmem:v9+s28+$0x0] =	vst.idx.msk vm0, v8  }
0x1bd: {  	v8 =	vld [tilespmem:s11+$0x0]  }
0x1be: {  	s12 =	sadd.s32 $0x10, s12  }
0x1bf: {  	_ =	sdelay $0x2  }
0x1c0: {  	vm0 =	vge.s32 v8, v1;
	vm1 =	vlt.s32 v8, v0  }
0x1c1: {  	vm0 =	vmand vm0, vm1  }
0x1c2: {  	v9 =	vsel vm0, $0x1, v4  }
0x1c3: {  	(xrf0) =	vadd.scan.msk.s32 $0xffff, v9;
	_ =	sdelay $0x5  }
0x1c4: {  	v9, _, _ =	vpop (xrf0)  }
0x1c5: {  	v7 =	vadd.s32 v9, v7  }
0x1c6: {  	v7 =	vadd.s32 $0xFFFFFFFF, v7;
	_ =	sdelay $0x4  }
0x1c7: {  	[tilespmem:v7+s26+$0x0] =	vst.idx.msk vm0, v8;
	v8 =	vor.u32 s10, v2  }
0x1c8: {  	s11 =	simm.s32 $0x0;
	s6 =	rddreg [dreg:$0x13];
	[tilespmem:v7+s28+$0x0] =	vst.idx.msk vm0, v8  }
0x1c9: {  	[tilespmem:s11], [sflag:$0x4] =	stream.linear.gather [hbm4b:s6+s11], $0x400, $0x38;
	[tilespmem:$0x1D800] =	vst v63  }
0x1ca: {  	v7 =	vmpcnt.ones.xlane vm0;
	_ =	swait.ge [sflag:s25], $0x400  }
0x1cb: {  	[sflag:s25] =	ssyncset.done $0x0  }
0x1cc: {  	[sflag:s25] =	ssyncadd.s32 $0xFFFFFC00  }
0x1cd: {  	v6 =	vadd.s32 v6, v7;
	v8 =	vld [tilespmem:s11+$0x0]  }
0x1ce: {  	s12 =	simm.s32 $0x3810;
	s10 =	simm.s32 $0x3800;
	v7 =	vmov v6  }
.LBB2_32:
0x1cf: {  	p0 =	sne.s32 s12, $0x3BF0;
	_ =	sdelay $0x2  }
0x1d0: {  	vm0 =	vge.s32 v8, v1;
	vm1 =	vlt.s32 v8, v0  }
0x1d1: {  	vm0 =	vmand vm0, vm1  }
0x1d2: {  	v9 =	vsel vm0, $0x1, v4;
	v10 =	vmpcnt.ones.xlane vm0  }
0x1d3: {  	(xrf0) =	vadd.scan.msk.s32 $0xffff, v9  }
0x1d4: {  	v6 =	vadd.s32 v6, v10;
	_ =	sdelay $0x4  }
0x1d5: {  	v9, _, _ =	vpop (xrf0)  }
0x1d6: {  	v9 =	vadd.s32 v9, v7;
	v7 =	vmov v6  }
0x1d7: {  	v9 =	vadd.s32 $0xFFFFFFFF, v9;
	_ =	sdelay $0x3  }
.Ltmp17:
0x1d8: {  	(pc) =	sbr.rel @p0 .LBB2_32-.Ltmp17, $4  }
0x1d9: {  	[tilespmem:v9+s26+$0x0] =	vst.idx.msk vm0, v8;
	v8 =	vor.u32 s10, v2;
	s10 =	smov.u32 s12  }
0x1da: {  	s11 =	sadd.s32 $0x10, s11;
	[tilespmem:v9+s28+$0x0] =	vst.idx.msk vm0, v8  }
0x1db: {  	v8 =	vld [tilespmem:s11+$0x0]  }
0x1dc: {  	s12 =	sadd.s32 $0x10, s12  }
0x1dd: {  	_ =	sdelay $0x2  }
0x1de: {  	vm0 =	vge.s32 v8, v1;
	vm1 =	vlt.s32 v8, v0  }
0x1df: {  	vm0 =	vmand vm0, vm1  }
0x1e0: {  	v9 =	vsel vm0, $0x1, v4  }
0x1e1: {  	(xrf0) =	vadd.scan.msk.s32 $0xffff, v9;
	_ =	sdelay $0x5  }
0x1e2: {  	v9, _, _ =	vpop (xrf0)  }
0x1e3: {  	v7 =	vadd.s32 v9, v7  }
0x1e4: {  	v7 =	vadd.s32 $0xFFFFFFFF, v7;
	_ =	sdelay $0x4  }
0x1e5: {  	[tilespmem:v7+s26+$0x0] =	vst.idx.msk vm0, v8;
	v8 =	vor.u32 s10, v2  }
0x1e6: {  	s11 =	simm.s32 $0x0;
	s6 =	rddreg [dreg:$0x14];
	[tilespmem:v7+s28+$0x0] =	vst.idx.msk vm0, v8  }
0x1e7: {  	[tilespmem:s11], [sflag:$0x4] =	stream.linear.gather [hbm4b:s6+s11], $0x400, $0x38;
	[tilespmem:$0x1D800] =	vst v63  }
0x1e8: {  	v7 =	vmpcnt.ones.xlane vm0;
	_ =	swait.ge [sflag:s25], $0x400  }
0x1e9: {  	[sflag:s25] =	ssyncset.done $0x0  }
0x1ea: {  	[sflag:s25] =	ssyncadd.s32 $0xFFFFFC00  }
0x1eb: {  	v8 =	vadd.s32 v6, v7;
	v6 =	vld [tilespmem:s11+$0x0]  }
0x1ec: {  	s12 =	simm.s32 $0x3C10;
	s10 =	simm.s32 $0x3C00;
	v7 =	vmov v8  }
.LBB2_34:
0x1ed: {  	p0 =	sne.s32 s12, $0x3FF0;
	_ =	sdelay $0x2  }
0x1ee: {  	vm0 =	vge.s32 v6, v1;
	vm1 =	vlt.s32 v6, v0  }
0x1ef: {  	vm0 =	vmand vm0, vm1  }
0x1f0: {  	v9 =	vsel vm0, $0x1, v4;
	v10 =	vmpcnt.ones.xlane vm0  }
0x1f1: {  	(xrf0) =	vadd.scan.msk.s32 $0xffff, v9  }
0x1f2: {  	v8 =	vadd.s32 v8, v10;
	_ =	sdelay $0x4  }
0x1f3: {  	v9, _, _ =	vpop (xrf0)  }
0x1f4: {  	v9 =	vadd.s32 v9, v7;
	v7 =	vmov v8  }
0x1f5: {  	v9 =	vadd.s32 $0xFFFFFFFF, v9;
	_ =	sdelay $0x3  }
.Ltmp18:
0x1f6: {  	(pc) =	sbr.rel @p0 .LBB2_34-.Ltmp18, $4  }
0x1f7: {  	[tilespmem:v9+s26+$0x0] =	vst.idx.msk vm0, v6;
	v6 =	vor.u32 s10, v2;
	s10 =	smov.u32 s12  }
0x1f8: {  	s11 =	sadd.s32 $0x10, s11;
	[tilespmem:v9+s28+$0x0] =	vst.idx.msk vm0, v6  }
0x1f9: {  	v6 =	vld [tilespmem:s11+$0x0]  }
0x1fa: {  	s12 =	sadd.s32 $0x10, s12  }
0x1fb: {  	_ =	sdelay $0x2  }
0x1fc: {  	vm0 =	vge.s32 v6, v1;
	vm1 =	vlt.s32 v6, v0  }
0x1fd: {  	vm0 =	vmand vm0, vm1  }
0x1fe: {  	v9 =	vmpcnt.ones.xlane vm0;
	_ =	sdelay $0x1  }
0x1ff: {  	v10 =	vsel vm0, $0x1, v4;
	v8 =	vadd.s32 v8, v9  }
0x200: {  	(xrf0) =	vadd.scan.msk.s32 $0xffff, v10;
	v8 =	vxor.u32 $0x80000000, v8  }
0x201: {  	(xrf0) =	vmax.scan.msk.u32 $0xffff, v8;
	_ =	sdelay $0x4  }
0x202: {  	v62, _, _ =	vpop (xrf0)  }
0x203: {  	v63, _, _ =	vpop (xrf0)  }
0x204: {  	(v2sf) =	vpush v63, $0xF;
	_ =	sdelay $0xe  }
0x205: {  	s11 =	spop (v2sf)  }
0x206: {  	s12 =	sadd.s32 $0x8000000F, s11  }
0x207: {  	s13 =	sand.u32 $0xF, s12  }
0x208: {  	s24 =	sshra.s32 s12, $0x1F;
	p1 =	slt.s32 s12, $0x1;
	p0 =	sne.s32 s13, $0x0  }
0x209: {  	s13 =	sshrl.u32 s24, $0x1C;
	p0 =	por !p1, !p0  }
0x20a: {  	s12 =	sadd.s32 s13, s12;
	s13 =	simm.s32 $0x1;
	p0 =	por !p0, !p0  }
0x20b: {  	v7 =	vadd.s32 v62, v7;
	s12 =	sshra.s32 s12, $0x4;
	s13 =	simm.s32 @!p0 $0x0  }
0x20c: {  	v7 =	vadd.s32 $0xFFFFFFFF, v7;
	s13 =	ssub.s32 s12, s13  }
0x20d: {  	p0 =	slt.s32 s13, $0x1  }
.Ltmp19:
0x20e: {  	_ = 	snop;
	(pc) =	sbr.rel @p0 .LBB2_36-.Ltmp19, $3  }
0x20f: {  	_ =	sdelay $0x1  }
0x210: {  	[tilespmem:v7+s26+$0x0] =	vst.idx.msk vm0, v6;
	v6 =	vor.u32 s10, v2  }
0x211: {  	[tilespmem:v7+s28+$0x0] =	vst.idx.msk vm0, v6  }
0x212: {  	s10 =	simm.s32 $0x400  }
0x213: {  	v13 =	vld [tilespmem:s10+$0x0];
	_ =	sdelay $0x4  }
0x214: {  	s12 =	sxor.u32 $0x80000000, s11;
	s11 =	simm.s32 $0x0;
	v7 =	vsub.s32 v13, v1  }
0x215: {  	v6 =	vmov s12;
	v8 =	vor.u32 s11, v2;
	v7 =	vshrl.u32 v7, $0xD  }
0x216: {  	vm0 =	vlt.s32 v8, v6;
	vm1 =	veq.s32 v7, $0x0  }
0x217: {  	vm2 =	vmand vm0, vm1  }
0x218: {  	vm1 =	veq.s32 v7, $0x1;
	v8 =	vsel vm2, $0x1, v4  }
0x219: {  	vm3 =	vmand vm0, vm1;
	(xrf0) =	vadd.scan.msk.s32 $0xffff, v8  }
0x21a: {  	vm1 =	veq.s32 v7, $0x2;
	v8 =	vsel vm3, $0x1, v4  }
0x21b: {  	vm1 =	vmand vm0, vm1;
	(xrf0) =	vadd.scan.msk.s32 $0xffff, v8  }
0x21c: {  	vm4 =	veq.s32 v7, $0x3;
	v7 =	vsel vm1, $0x1, v4  }
0x21d: {  	vm0 =	vmand vm0, vm4;
	(xrf0) =	vadd.scan.msk.s32 $0xffff, v7  }
0x21e: {  	v7 =	vsel vm0, $0x1, v4  }
0x21f: {  	v10 =	vimm.s32 $0x0;
	v8, _, _ =	vpop (xrf0);
	(xrf0) =	vadd.scan.msk.s32 $0xffff, v7  }
0x220: {  	v7 =	vadd.s32 v8, v10  }
0x221: {  	s12 =	simm.s32 $0x800;
	v8, _, _ =	vpop (xrf0);
	v7 =	vadd.s32 $0xFFFFFFFF, v7  }
0x222: {  	v11 =	vld [tilespmem:s12+$0x0];
	v8 =	vadd.s32 v8, v10  }
0x223: {  	v9, _, _ =	vpop (xrf0);
	v8 =	vadd.s32 $0xFF, v8  }
0x224: {  	v9 =	vadd.s32 v9, v10  }
0x225: {  	v9 =	vadd.s32 $0x1FF, v9;
	v12, _, _ =	vpop (xrf0)  }
0x226: {  	[tilespmem:v7+s30+$0x0] =	vst.idx.msk vm2, v13;
	v12 =	vadd.s32 v12, v10  }
0x227: {  	p0 =	sne.s32 s13, $0x1;
	[tilespmem:v7+s31+$0x0] =	vst.idx.msk vm2, v11;
	v12 =	vadd.s32 $0x2FF, v12  }
.Ltmp20:
0x228: {  	[tilespmem:v8+s30+$0x0] =	vst.idx.msk vm3, v13;
	(pc) =	sbr.rel @!p0 .LBB2_39-.Ltmp20, $4  }
0x229: {  	v14 =	vmpcnt.ones.xlane vm3;
	v7 =	vmpcnt.ones.xlane vm2;
	[tilespmem:v8+s31+$0x0] =	vst.idx.msk vm3, v11  }
0x22a: {  	v15 =	vmpcnt.ones.xlane vm1;
	v16 =	vmpcnt.ones.xlane vm0;
	[tilespmem:v9+s30+$0x0] =	vst.idx.msk vm1, v13  }
0x22b: {  	v8 =	vadd.s32 v10, v7;
	v7 =	vadd.s32 v10, v14;
	[tilespmem:v9+s31+$0x0] =	vst.idx.msk vm1, v11  }
0x22c: {  	s13 =	sadd.s32 $0xFFFFFFFF, s13;
	v9 =	vadd.s32 v10, v15;
	v10 =	vadd.s32 v10, v16;
	[tilespmem:v12+s30+$0x0] =	vst.idx.msk vm0, v13  }
.LBB2_38:
0x22d: {  	[tilespmem:v12+s31+$0x0] =	vst.idx.msk vm0, v11;
	s10 =	sadd.s32 $0x10, s10;
	s12 =	sadd.s32 $0x10, s12;
	s11 =	sadd.s32 $0x10, s11;
	v11 =	vmovc v8;
	v12 =	vmov v7;
	v13 =	vmov v9;
	v14 =	vmov v10  }
0x22e: {  	p0 =	sne.s32 s13, $0x1;
	s13 =	sadd.s32 $0xFFFFFFFF, s13;
	v15 =	vld [tilespmem:s10+$0x0];
	_ =	sdelay $0x4  }
0x22f: {  	v16 =	vsub.s32 v15, v1  }
0x230: {  	v17 =	vor.u32 s11, v2;
	v16 =	vshrl.u32 v16, $0xD  }
0x231: {  	vm0 =	vlt.s32 v17, v6;
	vm1 =	veq.s32 v16, $0x0;
	vm2 =	veq.s32 v16, $0x1  }
0x232: {  	vm4 =	veq.s32 v16, $0x3;
	vm1 =	vmand vm0, vm1  }
0x233: {  	v17 =	vsel vm1, $0x1, v4;
	v18 =	vmpcnt.ones.xlane vm1  }
0x234: {  	vm2 =	vmand vm0, vm2;
	(xrf0) =	vadd.scan.msk.s32 $0xffff, v17  }
0x235: {  	vm3 =	veq.s32 v16, $0x2;
	v19 =	vmpcnt.ones.xlane vm2;
	v17 =	vsel vm2, $0x1, v4  }
0x236: {  	vm3 =	vmand vm0, vm3;
	v8 =	vadd.s32 v8, v18;
	(xrf0) =	vadd.scan.msk.s32 $0xffff, v17  }
0x237: {  	v16 =	vsel vm3, $0x1, v4;
	v7 =	vadd.s32 v7, v19;
	v17 =	vmpcnt.ones.xlane vm3  }
0x238: {  	vm0 =	vmand vm0, vm4;
	(xrf0) =	vadd.scan.msk.s32 $0xffff, v16  }
0x239: {  	v19 =	vmpcnt.ones.xlane vm0;
	v9 =	vadd.s32 v9, v17;
	v16 =	vsel vm0, $0x1, v4  }
0x23a: {  	v18, _, _ =	vpop (xrf0);
	(xrf0) =	vadd.scan.msk.s32 $0xffff, v16  }
0x23b: {  	v10 =	vadd.s32 v10, v19;
	v11 =	vadd.s32 v18, v11  }
0x23c: {  	v16 =	vadd.s32 $0xFFFFFFFF, v11;
	v17, _, _ =	vpop (xrf0)  }
0x23d: {  	v11 =	vld [tilespmem:s12+$0x0];
	v18 =	vadd.s32 v17, v12  }
0x23e: {  	v17 =	vadd.s32 $0xFF, v18;
	v12, _, _ =	vpop (xrf0)  }
0x23f: {  	v18 =	vadd.s32 v12, v13  }
0x240: {  	v13 =	vadd.s32 $0x1FF, v18;
	v12, _, _ =	vpop (xrf0)  }
0x241: {  	[tilespmem:v16+s30+$0x0] =	vst.idx.msk vm1, v15;
	v12 =	vadd.s32 v12, v14  }
0x242: {  	[tilespmem:v16+s31+$0x0] =	vst.idx.msk vm1, v11;
	v12 =	vadd.s32 $0x2FF, v12  }
.Ltmp21:
0x243: {  	[tilespmem:v17+s30+$0x0] =	vst.idx.msk vm2, v15;
	(pc) =	sbr.rel @p0 .LBB2_38-.Ltmp21, $4  }
0x244: {  	[tilespmem:v17+s31+$0x0] =	vst.idx.msk vm2, v11  }
0x245: {  	[tilespmem:v13+s30+$0x0] =	vst.idx.msk vm3, v15  }
0x246: {  	[tilespmem:v13+s31+$0x0] =	vst.idx.msk vm3, v11  }
0x247: {  	[tilespmem:v12+s30+$0x0] =	vst.idx.msk vm0, v15  }
.LBB2_39:
0x248: {  	_ = 	snop  }
.Ltmp22:
0x249: {  	_ = 	snop;
	(pc) =	sbr.rel .LBB2_40-.Ltmp22, $3  }
0x24a: {  	_ =	sdelay $0x1  }
0x24b: {  	v6 =	vxor.u32 $0x80000000, v8  }
0x24c: {  	[tilespmem:v12+s31+$0x0] =	vst.idx.msk vm0, v11;
	v7 =	vxor.u32 $0x80000000, v7;
	v8 =	vxor.u32 $0x80000000, v9;
	v9 =	vxor.u32 $0x80000000, v10  }
.LBB2_36:
0x24d: {  	v6 =	vimm.s32 $0x80000000  }
0x24e: {  	v7 =	vimm.s32 $0x80000000;
	v8 =	vimm.s32 $0x80000000;
	v9 =	vimm.s32 $0x80000000  }
.LBB2_40:
0x24f: {  	(xrf0) =	vmax.scan.msk.u32 $0xffff, v6  }
0x250: {  	(xrf0) =	vmax.scan.msk.u32 $0xffff, v7  }
0x251: {  	(xrf0) =	vmax.scan.msk.u32 $0xffff, v8  }
0x252: {  	(xrf0) =	vmax.scan.msk.u32 $0xffff, v9;
	_ =	sdelay $0x2  }
0x253: {  	v6, _, _ =	vpop (xrf0)  }
0x254: {  	v7, _, _ =	vpop (xrf0);
	(v2sf) =	vpush v6, $0xF  }
0x255: {  	v6, _, _ =	vpop (xrf0);
	(v2sf) =	vpush v7, $0xF  }
0x256: {  	(v2sf) =	vpush v6, $0xF;
	v6, _, _ =	vpop (xrf0)  }
0x257: {  	(v2sf) =	vpush v6, $0xF;
	_ =	sdelay $0x9  }
0x258: {  	s6 =	rddreg [dreg:$0x12]  }
0x259: {  	[tilespmem:s0], [sflag:$0x1] =	stream.strided.gather [hbm4b:s6+s31], $0x4000, s2, s31, $0x38;
	[tilespmem:$0x1D800] =	vst v63  }
.Ltmp23:
0x25a: {  	s10 =	spop (v2sf);
	(pc) =	sbr.rel .LBB2_41-.Ltmp23, $4  }
0x25b: {  	s11 =	spop (v2sf)  }
0x25c: {  	s12 =	spop (v2sf)  }
0x25d: {  	s14 =	simm.s32 $0x0;
	s10 =	sxor.u32 $0x80000000, s10;
	s13 =	spop (v2sf)  }
0x25e: {  	v6 =	vimm.s32 $0x0;
	s11 =	sxor.u32 $0x80000000, s11;
	s12 =	sxor.u32 $0x80000000, s12;
	s13 =	sxor.u32 $0x80000000, s13  }
.LBB2_55:
0x25f: {  	s14 =	sadd.s32 $0x1, s14  }
0x260: {  	p0 =	sne.s32 s14, $0x1F  }
.Ltmp24:
0x261: {  	_ = 	snop;
	(pc) =	sbr.rel @!p0 .LBB2_56-.Ltmp24, $1  }
0x262: {  	_ =	sdelay $0x3  }
.LBB2_41:
0x263: {  	s18 =	sshllo.u32 s14, $0x1;
	s16 =	sshrl.u32 s14, $0x3  }
0x264: {  	s20 =	smov.u32 s13;
	s15 =	sshll.u32 s18, $0x9;
	p0 =	seq.s32 s16, $0x0  }
0x265: {  	s17 =	sadd.s32 s5, s15;
	s20 =	smov.u32 @p0 s10;
	p0 =	seq.s32 s16, $0x1  }
0x266: {  	s15 =	sadd.s32 s3, s17;
	s20 =	smov.u32 @p0 s11;
	p0 =	seq.s32 s16, $0x2  }
0x267: {  	[tilespmem:s1], [sflag:$0x2] =	stream.strided.gather [hbm4b:s15+s31], $0x4000, s2, s31, $0x38;
	[tilespmem:$0x1D800] =	vst v63  }
0x268: {  	s20 =	smov.u32 @p0 s12  }
0x269: {  	s22 =	sadd.s32 $0xF, s20  }
0x26a: {  	s19 =	sand.u32 $0xF, s22  }
0x26b: {  	s21 =	sshra.s32 s22, $0x1F;
	p6 =	slt.s32 s22, $0x1;
	p1 =	sne.s32 s19, $0x0  }
0x26c: {  	s24 =	sshrl.u32 s21, $0x1C;
	p0 =	por !p6, !p1  }
0x26d: {  	s19 =	simm.s32 $0x1;
	s15 =	sadd.s32 s24, s22;
	p0 =	por !p0, !p0  }
0x26e: {  	s15 =	sshra.s32 s15, $0x4;
	s19 =	simm.s32 @!p0 $0x0  }
0x26f: {  	s15 =	ssub.s32 s15, s19  }
0x270: {  	p0 =	slt.s32 s15, $0x1  }
.Ltmp25:
0x271: {  	_ = 	snop;
	(pc) =	sbr.rel @p0 .LBB2_48-.Ltmp25, $4  }
0x272: {  	_ = 	snop  }
0x273: {  	_ =	swait.ge [sflag:s29], $0x4000  }
0x274: {  	[sflag:s29] =	ssyncset.done $0x0  }
0x275: {  	s16 =	sshll.u32 s16, $0x8;
	v7 =	vmov s20;
	[sflag:s29] =	ssyncadd.s32 $0xFFFFC000;
	s19 =	sshll.u32 s14, $0xA  }
.Ltmp26:
0x276: {  	(pc) =	sbr.rel .LBB2_43-.Ltmp26, $4  }
0x277: {  	_ = 	snop  }
0x278: {  	s20 =	sadd.s32 s5, s19  }
0x279: {  	s21 =	sadd.s32 $0x200, s20  }
0x27a: {  	v8 =	vmov s20;
	v9 =	vmov s21;
	s21 =	simm.s32 $0x0  }
.LBB2_46:
0x27b: {  	_ =	sdelay $0x2  }
0x27c: {  	v17 =	vshll.u32 v16, $0x9  }
0x27d: {  	v47 =	vshll.u32 v16, $0x7;
	v17 =	vand.u32 $0x3000, v17  }
0x27e: {  	[tilespmem:v15+s8+$0x0] =	vst.idx.msk vm0, v13;
	v49 =	vand.u32 $0x200, v47;
	v48 =	vadd.s32 v10, v17  }
0x27f: {  	v50 =	vor.u32 s20, v12;
	v14 =	vld.idx.msk [tilespmem:v14+s0+$0x0], vm0;
	v13 =	vor.u32 v49, v48  }
0x280: {  	s6 =	sadd.s32 $0x1, s22;
	v13 =	vor.u32 v11, v13  }
0x281: {  	v51 =	vmov s6  }
0x282: {  	v52 =	vshll.u32 v51, $0x9  }
0x283: {  	v16 =	vshll.u32 v51, $0x7;
	v17 =	vand.u32 $0x3000, v52  }
0x284: {  	v54 =	vand.u32 $0x280, v16;
	v53 =	vadd.s32 v10, v17;
	[tilespmem:v50+s8+$0x0] =	vst.idx.msk vm0, v14  }
0x285: {  	v55 =	vor.u32 s22, v12;
	v14 =	vor.u32 v54, v53;
	v13 =	vld.idx.msk [tilespmem:v13+s0+$0x0], vm0  }
0x286: {  	s20 =	sadd.s32 $0x2, s22;
	v14 =	vor.u32 v11, v14  }
0x287: {  	v56 =	vmov s20  }
0x288: {  	v57 =	vshll.u32 v56, $0x9  }
0x289: {  	v15 =	vshll.u32 v56, $0x7;
	v17 =	vand.u32 $0x3000, v57  }
0x28a: {  	v15 =	vand.u32 $0x300, v15;
	v58 =	vadd.s32 v10, v17;
	[tilespmem:v55+s8+$0x0] =	vst.idx.msk vm0, v13  }
0x28b: {  	v59 =	vor.u32 s6, v12;
	v13 =	vor.u32 v15, v58;
	v14 =	vld.idx.msk [tilespmem:v14+s0+$0x0], vm0  }
0x28c: {  	s24 =	sadd.s32 $0x3, s22;
	v13 =	vor.u32 v11, v13  }
0x28d: {  	v60 =	vmov s24  }
0x28e: {  	v61 =	vshll.u32 v60, $0x9  }
0x28f: {  	v17 =	vand.u32 $0x3000, v61;
	v15 =	vshll.u32 v60, $0x7  }
0x290: {  	v10 =	vadd.s32 v10, v17;
	v62 =	vand.u32 $0x380, v15;
	[tilespmem:v59+s8+$0x0] =	vst.idx.msk vm0, v14  }
0x291: {  	v63 =	vor.u32 s20, v12;
	v10 =	vor.u32 v62, v10;
	v13 =	vld.idx.msk [tilespmem:v13+s0+$0x0], vm0  }
0x292: {  	v10 =	vor.u32 v11, v10;
	_ =	sdelay $0x3  }
0x293: {  	[tilespmem:v63+s8+$0x0] =	vst.idx.msk vm0, v13  }
0x294: {  	v11 =	vor.u32 s24, v12;
	v10 =	vld.idx.msk [tilespmem:v10+s0+$0x0], vm0;
	_ =	sdelay $0x4  }
0x295: {  	[tilespmem:v11+s8+$0x0] =	vst.idx.msk vm0, v10  }
.LBB2_47:
0x296: {  	s21 =	sadd.s32 $0x1, s21  }
0x297: {  	p1 =	sne.s32 s21, s15  }
.Ltmp27:
0x298: {  	_ = 	snop;
	(pc) =	sbr.rel @!p1 .LBB2_48-.Ltmp27, $3  }
0x299: {  	_ = 	snop  }
0x29a: {  	v10 =	vmpcnt.ones.xlane vm0;
	_ =	sdelay $0x1  }
0x29b: {  	v6 =	vadd.s32 v6, v10  }
.LBB2_43:
0x29c: {  	s22 =	sshll.u32 s21, $0x4  }
0x29d: {  	s20 =	sadd.s32 s16, s22  }
0x29e: {  	s24 =	sand.u32 $0x70, s22;
	s20 =	sand.u32 $0xFFFFFF80, s20  }
0x29f: {  	s20 =	sor.u32 s24, s20  }
0x2a0: {  	v11 =	vld [tilespmem:s20+$0xC00];
	_ =	sdelay $0x3  }
0x2a1: {  	v10 =	vor.u32 s22, v2  }
0x2a2: {  	vm0 =	vlt.s32 v10, v7;
	vm1 =	vlt.s32 v11, v9  }
0x2a3: {  	vm2 =	vge.s32 v11, v8;
	vm0 =	vmand vm0, vm1  }
0x2a4: {  	vm0 =	vmand vm0, vm2  }
0x2a5: {  	v10 =	vsel vm0, $0x3F800000, v5  }
0x2a6: {  	(xrf0) =	vmax.scan.msk.f32 $0xffff, v10;
	_ =	sdelay $0x5  }
0x2a7: {  	v10, _, _ =	vpop (xrf0)  }
0x2a8: {  	(v2sf) =	vpush v10, $0xF;
	_ =	sdelay $0xe  }
0x2a9: {  	s24 =	spop (v2sf)  }
0x2aa: {  	p1 =	sgt.f32 s24, $0.0e+00  }
.Ltmp28:
0x2ab: {  	_ = 	snop;
	(pc) =	sbr.rel @!p1 .LBB2_47-.Ltmp28, $1  }
0x2ac: {  	_ =	sdelay $0x3  }
0x2ad: {  	v10 =	vsel vm0, $0x1, v4  }
0x2ae: {  	(xrf0) =	vadd.scan.msk.s32 $0xffff, v10;
	_ =	sdelay $0x2  }
0x2af: {  	s22 =	simm.s32 $0x0  }
0x2b0: {  	v10 =	vsub.s32 v11, v8;
	v12 =	vmov s22  }
0x2b1: {  	v10 =	vshll.u32 v10, $0x3;
	v13 =	vshll.u32 v12, $0x9  }
0x2b2: {  	v12 =	vshll.u32 v12, $0x7;
	v10 =	vand.u32 $0xFFFFFC00, v10;
	v13 =	vand.u32 $0x3000, v13;
	v14, _, _ =	vpop (xrf0)  }
0x2b3: {  	v12 =	vand.u32 $0x200, v12;
	v13 =	vadd.s32 v10, v13;
	v14 =	vadd.s32 v14, v6  }
0x2b4: {  	v15 =	vld [tilespmem:s20+$0x1000];
	v11 =	vand.u32 $0x7F, v11;
	v12 =	vor.u32 v12, v13;
	v14 =	vadd.s32 $0xFFFFFFFF, v14  }
0x2b5: {  	s6 =	simm.s32 $0x1;
	v13 =	vor.u32 v11, v12  }
0x2b6: {  	v12 =	vmov s6  }
0x2b7: {  	v16 =	vshll.u32 v12, $0x9  }
0x2b8: {  	v17 =	vshll.u32 v12, $0x7;
	v16 =	vand.u32 $0x3000, v16  }
0x2b9: {  	v12 =	vshll.u32 v14, $0x7;
	[tilespmem:v14+s7+$0x0] =	vst.idx.msk vm0, v15;
	v14 =	vadd.s32 v10, v16;
	v15 =	vand.u32 $0x280, v17  }
0x2ba: {  	v16 =	vor.u32 s22, v12;
	v13 =	vld.idx.msk [tilespmem:v13+s0+$0x0], vm0;
	v14 =	vor.u32 v15, v14  }
0x2bb: {  	s24 =	simm.s32 $0x2;
	v14 =	vor.u32 v11, v14  }
0x2bc: {  	v15 =	vmov s24  }
0x2bd: {  	v17 =	vshll.u32 v15, $0x9  }
0x2be: {  	v15 =	vshll.u32 v15, $0x7;
	v17 =	vand.u32 $0x3000, v17  }
0x2bf: {  	v15 =	vand.u32 $0x300, v15;
	[tilespmem:v16+s8+$0x0] =	vst.idx.msk vm0, v13;
	v13 =	vadd.s32 v10, v17  }
0x2c0: {  	v16 =	vor.u32 s6, v12;
	v14 =	vld.idx.msk [tilespmem:v14+s0+$0x0], vm0;
	v13 =	vor.u32 v15, v13  }
0x2c1: {  	s20 =	simm.s32 $0x3;
	v13 =	vor.u32 v11, v13  }
0x2c2: {  	v15 =	vmov s20  }
0x2c3: {  	v17 =	vshll.u32 v15, $0x9  }
0x2c4: {  	v15 =	vshll.u32 v15, $0x7;
	v17 =	vand.u32 $0x3000, v17  }
0x2c5: {  	v15 =	vand.u32 $0x380, v15;
	v17 =	vadd.s32 v10, v17;
	[tilespmem:v16+s8+$0x0] =	vst.idx.msk vm0, v14  }
0x2c6: {  	v14 =	vor.u32 v15, v17;
	v15 =	vor.u32 s24, v12;
	v13 =	vld.idx.msk [tilespmem:v13+s0+$0x0], vm0  }
0x2c7: {  	v14 =	vor.u32 v11, v14  }
0x2c8: {  	s22 =	simm.s32 $0x4  }
0x2c9: {  	v16 =	vmov s22;
	s24 =	simm.s32 $0x8  }
.LBB2_45:
0x2ca: {  	p1 =	sne.s32 s24, $0x1C;
	v17 =	vshll.u32 v16, $0x9  }
0x2cb: {  	v16 =	vshll.u32 v16, $0x7;
	v17 =	vand.u32 $0x3000, v17;
	[tilespmem:v15+s8+$0x0] =	vst.idx.msk vm0, v13  }
0x2cc: {  	v15 =	vand.u32 $0x200, v16;
	v13 =	vadd.s32 v10, v17;
	v14 =	vld.idx.msk [tilespmem:v14+s0+$0x0], vm0  }
0x2cd: {  	v13 =	vor.u32 v15, v13;
	v15 =	vor.u32 s20, v12  }
0x2ce: {  	v13 =	vor.u32 v11, v13  }
0x2cf: {  	s20 =	sadd.s32 $0x1, s22  }
0x2d0: {  	v16 =	vmov s20  }
0x2d1: {  	v17 =	vshll.u32 v16, $0x9  }
0x2d2: {  	v16 =	vshll.u32 v16, $0x7;
	v17 =	vand.u32 $0x3000, v17;
	[tilespmem:v15+s8+$0x0] =	vst.idx.msk vm0, v14  }
0x2d3: {  	v14 =	vadd.s32 v10, v17;
	v15 =	vand.u32 $0x280, v16;
	v13 =	vld.idx.msk [tilespmem:v13+s0+$0x0], vm0  }
0x2d4: {  	v16 =	vor.u32 s22, v12;
	v14 =	vor.u32 v15, v14  }
0x2d5: {  	v14 =	vor.u32 v11, v14  }
0x2d6: {  	s6 =	sadd.s32 $0x2, s22  }
0x2d7: {  	v15 =	vmov s6  }
0x2d8: {  	v17 =	vshll.u32 v15, $0x9  }
0x2d9: {  	v15 =	vshll.u32 v15, $0x7;
	[tilespmem:v16+s8+$0x0] =	vst.idx.msk vm0, v13;
	v13 =	vand.u32 $0x3000, v17  }
0x2da: {  	v15 =	vand.u32 $0x300, v15;
	v14 =	vld.idx.msk [tilespmem:v14+s0+$0x0], vm0;
	v13 =	vadd.s32 v10, v13  }
0x2db: {  	v16 =	vor.u32 s20, v12;
	v13 =	vor.u32 v15, v13  }
0x2dc: {  	v13 =	vor.u32 v11, v13  }
0x2dd: {  	s20 =	sadd.s32 $0x3, s22;
	s22 =	smov.u32 s24  }
0x2de: {  	v15 =	vmov s20  }
0x2df: {  	v17 =	vshll.u32 v15, $0x9  }
0x2e0: {  	v15 =	vshll.u32 v15, $0x7;
	[tilespmem:v16+s8+$0x0] =	vst.idx.msk vm0, v14;
	v14 =	vand.u32 $0x3000, v17  }
.Ltmp29:
0x2e1: {  	v16 =	vand.u32 $0x380, v15;
	v13 =	vld.idx.msk [tilespmem:v13+s0+$0x0], vm0;
	v14 =	vadd.s32 v10, v14;
	(pc) =	sbr.rel @p1 .LBB2_45-.Ltmp29, $3  }
0x2e2: {  	v15 =	vor.u32 s6, v12;
	v14 =	vor.u32 v16, v14  }
0x2e3: {  	v14 =	vor.u32 v11, v14;
	_ =	sdelay $0x1  }
0x2e4: {  	s24 =	sadd.s32 $0x4, s24;
	v16 =	vmov s22  }
.Ltmp30:
0x2e5: {  	_ = 	snop;
	(pc) =	sbr.rel .LBB2_46-.Ltmp30, $1  }
0x2e6: {  	_ =	sdelay $0x3  }
.LBB2_48:
0x2e7: {  	p1 =	sgt.u32 s18, $0x3C  }
0x2e8: {  	s6 =	sadd.s32 @!p1 s19, s23;
	s18 =	simm.s32 @!p1 $0x1000  }
.Ltmp31:
0x2e9: {  	s19 =	simm.s32 @!p1 $0x7A1400;
	s20 =	simm.s32 @!p1 $0x1800;
	(pc) =	sbr.rel @p0 .LBB2_55-.Ltmp31, $4  }
0x2ea: {  	[tilespmem:s20], [sflag:$0x1] =	stream.strided.gather @!p1 [hbm4b:s6+s18], $0x4000, s19, s18, $0x38;
	[tilespmem:$0x1D800] =	vst v63  }
0x2eb: {  	_ =	swait.ge [sflag:s9], $0x4000  }
0x2ec: {  	[sflag:s9] =	ssyncset.done $0x0  }
0x2ed: {  	[sflag:s9] =	ssyncadd.s32 $0xFFFFC000  }
.Ltmp32:
0x2ee: {  	(pc) =	sbr.rel .LBB2_50-.Ltmp32, $3  }
0x2ef: {  	_ =	sdelay $0x1  }
0x2f0: {  	s6 =	sadd.s32 $0x200, s17  }
0x2f1: {  	v8 =	vmov s17;
	s17 =	simm.s32 $0x0;
	v9 =	vmov s6  }
.LBB2_53:
0x2f2: {  	_ =	sdelay $0x2  }
0x2f3: {  	v17 =	vshll.u32 v16, $0x9  }
0x2f4: {  	v47 =	vshll.u32 v16, $0x7;
	v17 =	vand.u32 $0x3000, v17  }
0x2f5: {  	[tilespmem:v15+s8+$0x0] =	vst.idx.msk vm0, v13;
	v49 =	vand.u32 $0x200, v47;
	v48 =	vadd.s32 v10, v17  }
0x2f6: {  	v50 =	vor.u32 s20, v12;
	v14 =	vld.idx.msk [tilespmem:v14+s1+$0x0], vm0;
	v13 =	vor.u32 v49, v48  }
0x2f7: {  	s6 =	sadd.s32 $0x1, s18;
	v13 =	vor.u32 v11, v13  }
0x2f8: {  	v51 =	vmov s6  }
0x2f9: {  	v52 =	vshll.u32 v51, $0x9  }
0x2fa: {  	v16 =	vshll.u32 v51, $0x7;
	v17 =	vand.u32 $0x3000, v52  }
0x2fb: {  	v54 =	vand.u32 $0x280, v16;
	v53 =	vadd.s32 v10, v17;
	[tilespmem:v50+s8+$0x0] =	vst.idx.msk vm0, v14  }
0x2fc: {  	v55 =	vor.u32 s18, v12;
	v14 =	vor.u32 v54, v53;
	v13 =	vld.idx.msk [tilespmem:v13+s1+$0x0], vm0  }
0x2fd: {  	s19 =	sadd.s32 $0x2, s18;
	v14 =	vor.u32 v11, v14  }
0x2fe: {  	v56 =	vmov s19  }
0x2ff: {  	v57 =	vshll.u32 v56, $0x9  }
0x300: {  	v15 =	vshll.u32 v56, $0x7;
	v17 =	vand.u32 $0x3000, v57  }
0x301: {  	v15 =	vand.u32 $0x300, v15;
	v58 =	vadd.s32 v10, v17;
	[tilespmem:v55+s8+$0x0] =	vst.idx.msk vm0, v13  }
0x302: {  	v59 =	vor.u32 s6, v12;
	v13 =	vor.u32 v15, v58;
	v14 =	vld.idx.msk [tilespmem:v14+s1+$0x0], vm0  }
0x303: {  	s24 =	sadd.s32 $0x3, s18;
	v13 =	vor.u32 v11, v13  }
0x304: {  	v60 =	vmov s24  }
0x305: {  	v61 =	vshll.u32 v60, $0x9  }
0x306: {  	v17 =	vand.u32 $0x3000, v61;
	v15 =	vshll.u32 v60, $0x7  }
0x307: {  	v10 =	vadd.s32 v10, v17;
	v62 =	vand.u32 $0x380, v15;
	[tilespmem:v59+s8+$0x0] =	vst.idx.msk vm0, v14  }
0x308: {  	v63 =	vor.u32 s19, v12;
	v10 =	vor.u32 v62, v10;
	v13 =	vld.idx.msk [tilespmem:v13+s1+$0x0], vm0  }
0x309: {  	v10 =	vor.u32 v11, v10;
	_ =	sdelay $0x3  }
0x30a: {  	[tilespmem:v63+s8+$0x0] =	vst.idx.msk vm0, v13  }
0x30b: {  	v11 =	vor.u32 s24, v12;
	v10 =	vld.idx.msk [tilespmem:v10+s1+$0x0], vm0;
	_ =	sdelay $0x4  }
0x30c: {  	[tilespmem:v11+s8+$0x0] =	vst.idx.msk vm0, v10  }
.LBB2_54:
0x30d: {  	s17 =	sadd.s32 $0x1, s17  }
0x30e: {  	p0 =	sne.s32 s17, s15  }
.Ltmp33:
0x30f: {  	_ = 	snop;
	(pc) =	sbr.rel @!p0 .LBB2_55-.Ltmp33, $3  }
0x310: {  	_ = 	snop  }
0x311: {  	v10 =	vmpcnt.ones.xlane vm0;
	_ =	sdelay $0x1  }
0x312: {  	v6 =	vadd.s32 v6, v10  }
.LBB2_50:
0x313: {  	s6 =	sshll.u32 s17, $0x4  }
0x314: {  	s18 =	sadd.s32 s16, s6  }
0x315: {  	s19 =	sand.u32 $0x70, s6;
	s18 =	sand.u32 $0xFFFFFF80, s18  }
0x316: {  	s18 =	sor.u32 s19, s18  }
0x317: {  	v11 =	vld [tilespmem:s18+$0xC00];
	_ =	sdelay $0x3  }
0x318: {  	v10 =	vor.u32 s6, v2  }
0x319: {  	vm0 =	vlt.s32 v10, v7;
	vm1 =	vlt.s32 v11, v9  }
0x31a: {  	vm2 =	vge.s32 v11, v8;
	vm0 =	vmand vm0, vm1  }
0x31b: {  	vm0 =	vmand vm0, vm2  }
0x31c: {  	v10 =	vsel vm0, $0x3F800000, v5  }
0x31d: {  	(xrf0) =	vmax.scan.msk.f32 $0xffff, v10;
	_ =	sdelay $0x5  }
0x31e: {  	v10, _, _ =	vpop (xrf0)  }
0x31f: {  	(v2sf) =	vpush v10, $0xF;
	_ =	sdelay $0xe  }
0x320: {  	s24 =	spop (v2sf)  }
0x321: {  	p0 =	sgt.f32 s24, $0.0e+00  }
.Ltmp34:
0x322: {  	_ = 	snop;
	(pc) =	sbr.rel @!p0 .LBB2_54-.Ltmp34, $1  }
0x323: {  	_ =	sdelay $0x3  }
0x324: {  	v10 =	vsel vm0, $0x1, v4  }
0x325: {  	(xrf0) =	vadd.scan.msk.s32 $0xffff, v10;
	_ =	sdelay $0x2  }
0x326: {  	s6 =	simm.s32 $0x0  }
0x327: {  	v10 =	vsub.s32 v11, v8;
	v12 =	vmov s6  }
0x328: {  	v10 =	vshll.u32 v10, $0x3;
	v13 =	vshll.u32 v12, $0x9  }
0x329: {  	v12 =	vshll.u32 v12, $0x7;
	v10 =	vand.u32 $0xFFFFFC00, v10;
	v13 =	vand.u32 $0x3000, v13;
	v14, _, _ =	vpop (xrf0)  }
0x32a: {  	v12 =	vand.u32 $0x200, v12;
	v13 =	vadd.s32 v10, v13;
	v14 =	vadd.s32 v14, v6  }
0x32b: {  	v15 =	vld [tilespmem:s18+$0x1000];
	v11 =	vand.u32 $0x7F, v11;
	v12 =	vor.u32 v12, v13;
	v14 =	vadd.s32 $0xFFFFFFFF, v14  }
0x32c: {  	s22 =	simm.s32 $0x1;
	v13 =	vor.u32 v11, v12  }
0x32d: {  	v12 =	vmov s22  }
0x32e: {  	v16 =	vshll.u32 v12, $0x9  }
0x32f: {  	v17 =	vshll.u32 v12, $0x7;
	v16 =	vand.u32 $0x3000, v16  }
0x330: {  	v12 =	vshll.u32 v14, $0x7;
	[tilespmem:v14+s7+$0x0] =	vst.idx.msk vm0, v15;
	v14 =	vadd.s32 v10, v16;
	v15 =	vand.u32 $0x280, v17  }
0x331: {  	v16 =	vor.u32 s6, v12;
	v13 =	vld.idx.msk [tilespmem:v13+s1+$0x0], vm0;
	v14 =	vor.u32 v15, v14  }
0x332: {  	s24 =	simm.s32 $0x2;
	v14 =	vor.u32 v11, v14  }
0x333: {  	v15 =	vmov s24  }
0x334: {  	v17 =	vshll.u32 v15, $0x9  }
0x335: {  	v15 =	vshll.u32 v15, $0x7;
	v17 =	vand.u32 $0x3000, v17  }
0x336: {  	v15 =	vand.u32 $0x300, v15;
	[tilespmem:v16+s8+$0x0] =	vst.idx.msk vm0, v13;
	v13 =	vadd.s32 v10, v17  }
0x337: {  	v16 =	vor.u32 s22, v12;
	v14 =	vld.idx.msk [tilespmem:v14+s1+$0x0], vm0;
	v13 =	vor.u32 v15, v13  }
0x338: {  	s20 =	simm.s32 $0x3;
	v13 =	vor.u32 v11, v13  }
0x339: {  	v15 =	vmov s20  }
0x33a: {  	v17 =	vshll.u32 v15, $0x9  }
0x33b: {  	v15 =	vshll.u32 v15, $0x7;
	v17 =	vand.u32 $0x3000, v17  }
0x33c: {  	v15 =	vand.u32 $0x380, v15;
	v17 =	vadd.s32 v10, v17;
	[tilespmem:v16+s8+$0x0] =	vst.idx.msk vm0, v14  }
0x33d: {  	v14 =	vor.u32 v15, v17;
	v15 =	vor.u32 s24, v12;
	v13 =	vld.idx.msk [tilespmem:v13+s1+$0x0], vm0  }
0x33e: {  	v14 =	vor.u32 v11, v14  }
0x33f: {  	s18 =	simm.s32 $0x4  }
0x340: {  	s19 =	simm.s32 $0x8;
	v16 =	vmov s18  }
.LBB2_52:
0x341: {  	p0 =	sne.s32 s19, $0x1C;
	v17 =	vshll.u32 v16, $0x9  }
0x342: {  	v16 =	vshll.u32 v16, $0x7;
	v17 =	vand.u32 $0x3000, v17;
	[tilespmem:v15+s8+$0x0] =	vst.idx.msk vm0, v13  }
0x343: {  	v15 =	vand.u32 $0x200, v16;
	v13 =	vadd.s32 v10, v17;
	v14 =	vld.idx.msk [tilespmem:v14+s1+$0x0], vm0  }
0x344: {  	v13 =	vor.u32 v15, v13;
	v15 =	vor.u32 s20, v12  }
0x345: {  	v13 =	vor.u32 v11, v13  }
0x346: {  	s6 =	sadd.s32 $0x1, s18  }
0x347: {  	v16 =	vmov s6  }
0x348: {  	v17 =	vshll.u32 v16, $0x9  }
0x349: {  	v16 =	vshll.u32 v16, $0x7;
	v17 =	vand.u32 $0x3000, v17;
	[tilespmem:v15+s8+$0x0] =	vst.idx.msk vm0, v14  }
0x34a: {  	v14 =	vadd.s32 v10, v17;
	v15 =	vand.u32 $0x280, v16;
	v13 =	vld.idx.msk [tilespmem:v13+s1+$0x0], vm0  }
0x34b: {  	v16 =	vor.u32 s18, v12;
	v14 =	vor.u32 v15, v14  }
0x34c: {  	v14 =	vor.u32 v11, v14  }
0x34d: {  	s21 =	sadd.s32 $0x2, s18  }
0x34e: {  	v15 =	vmov s21  }
0x34f: {  	v17 =	vshll.u32 v15, $0x9  }
0x350: {  	v15 =	vshll.u32 v15, $0x7;
	[tilespmem:v16+s8+$0x0] =	vst.idx.msk vm0, v13;
	v13 =	vand.u32 $0x3000, v17  }
0x351: {  	v15 =	vand.u32 $0x300, v15;
	v14 =	vld.idx.msk [tilespmem:v14+s1+$0x0], vm0;
	v13 =	vadd.s32 v10, v13  }
0x352: {  	v16 =	vor.u32 s6, v12;
	v13 =	vor.u32 v15, v13  }
0x353: {  	v13 =	vor.u32 v11, v13  }
0x354: {  	s20 =	sadd.s32 $0x3, s18;
	s18 =	smov.u32 s19  }
0x355: {  	v15 =	vmov s20  }
0x356: {  	v17 =	vshll.u32 v15, $0x9  }
0x357: {  	v15 =	vshll.u32 v15, $0x7;
	[tilespmem:v16+s8+$0x0] =	vst.idx.msk vm0, v14;
	v14 =	vand.u32 $0x3000, v17  }
.Ltmp35:
0x358: {  	v16 =	vand.u32 $0x380, v15;
	v13 =	vld.idx.msk [tilespmem:v13+s1+$0x0], vm0;
	v14 =	vadd.s32 v10, v14;
	(pc) =	sbr.rel @p0 .LBB2_52-.Ltmp35, $3  }
0x359: {  	v15 =	vor.u32 s21, v12;
	v14 =	vor.u32 v16, v14  }
0x35a: {  	v14 =	vor.u32 v11, v14;
	_ =	sdelay $0x1  }
0x35b: {  	s19 =	sadd.s32 $0x4, s19;
	v16 =	vmov s18  }
.Ltmp36:
0x35c: {  	_ = 	snop;
	(pc) =	sbr.rel .LBB2_53-.Ltmp36, $1  }
0x35d: {  	_ =	sdelay $0x3  }
.LBB2_56:
0x35e: {  	s6 =	sadd.s32 s10, s11  }
0x35f: {  	s6 =	sadd.s32 s12, s6  }
0x360: {  	s10 =	sadd.s32 s13, s6  }
0x361: {  	p0 =	slt.s32 s10, $0x1  }
.Ltmp37:
0x362: {  	_ = 	snop;
	(pc) =	sbr.rel @p0 .LBB2_58-.Ltmp37, $1  }
0x363: {  	_ =	sdelay $0x3  }
0x364: {  	s13 =	rddreg [dreg:$0x4];
	s6 =	simm.s32 $0x80;
	s24 =	simm.s32 $0x3  }
0x365: {  	[hbm4b:s13+s6] =	stream.indirect.scatter [tilespmem:s8], [sflag:$0x3], $0x80, s7, s6, $0xb8;
	[tilespmem:$0x1D800] =	vst v63  }
0x366: {  	p0 =	slt.u32 s10, $0x81;
	_ =	swait.ge [sflag:s24], $0x4000  }
0x367: {  	s6 =	simm.s32 @!p0 $0x80;
	s11 =	simm.s32 @!p0 $0x1480;
	[sflag:s24] =	ssyncset.done $0x0  }
0x368: {  	s12 =	simm.s32 @!p0 $0xD800;
	p1 =	slt.u32 @!p0 s10, $0x101;
	[sflag:s24] =	ssyncadd.s32 $0xFFFFC000  }
0x369: {  	[hbm4b:s13+s6] =	stream.indirect.scatter @!p0 [tilespmem:s12], [sflag:$0x3], $0x80, s11, s6, $0xb8;
	[tilespmem:$0x1D800] =	vst v63  }
0x36a: {  	p2 =	por p1, p0;
	s6 =	simm.s32 @!p0 $0x3  }
0x36b: {  	p3 =	slt.u32 @!p2 s10, $0x181;
	_ =	swait.ge @!p0 [sflag:s6], $0x4000  }
0x36c: {  	p4 =	por @!p0 p3, p1;
	s11 =	simm.s32 @!p2 $0x1500;
	[sflag:s6] =	ssyncset.done @!p0 $0x0  }
0x36d: {  	s12 =	simm.s32 @!p2 $0x11800;
	[sflag:s6] =	ssyncadd.s32 @!p0 $0xFFFFC000;
	s6 =	simm.s32 @!p2 $0x80  }
0x36e: {  	[hbm4b:s13+s6] =	stream.indirect.scatter @!p2 [tilespmem:s12], [sflag:$0x3], $0x80, s11, s6, $0xb8;
	[tilespmem:$0x1D800] =	vst v63  }
0x36f: {  	p4 =	por p4, p0;
	s6 =	simm.s32 @!p2 $0x3  }
0x370: {  	p5 =	slt.u32 @!p4 s10, $0x201;
	_ =	swait.ge @!p2 [sflag:s6], $0x4000  }
0x371: {  	s11 =	simm.s32 @!p4 $0x1580;
	s12 =	simm.s32 @!p4 $0x15800;
	[sflag:s6] =	ssyncset.done @!p2 $0x0  }
0x372: {  	[sflag:s6] =	ssyncadd.s32 @!p2 $0xFFFFC000;
	s6 =	simm.s32 @!p4 $0x80;
	p2 =	por @!p2 p5, p3  }
0x373: {  	[hbm4b:s13+s6] =	stream.indirect.scatter @!p4 [tilespmem:s12], [sflag:$0x3], $0x80, s11, s6, $0xb8;
	[tilespmem:$0x1D800] =	vst v63  }
0x374: {  	s6 =	simm.s32 @!p4 $0x3;
	p1 =	por @!p0 p2, p1  }
0x375: {  	_ =	swait.ge @!p4 [sflag:s6], $0x4000;
	p0 =	por p1, p0  }
0x376: {  	[sflag:s6] =	ssyncset.done @!p4 $0x0;
	s10 =	simm.s32 @!p0 $0x1600  }
0x377: {  	s11 =	simm.s32 @!p0 $0x19800;
	[sflag:s6] =	ssyncadd.s32 @!p4 $0xFFFFC000;
	s6 =	simm.s32 @!p0 $0x80  }
0x378: {  	[hbm4b:s13+s6] =	stream.indirect.scatter @!p0 [tilespmem:s11], [sflag:$0x3], $0x80, s10, s6, $0xb8;
	[tilespmem:$0x1D800] =	vst v63  }
.Ltmp38:
0x379: {  	_ = 	snop;
	(pc) =	sbr.rel .LBB2_58-.Ltmp38, $4  }
0x37a: {  	s6 =	simm.s32 @!p0 $0x3  }
0x37b: {  	_ =	swait.ge @!p0 [sflag:s6], $0x4000  }
0x37c: {  	[sflag:s6] =	ssyncset.done @!p0 $0x0  }
0x37d: {  	[sflag:s6] =	ssyncadd.s32 @!p0 $0xFFFFC000  }
.LBB2_59:
0x37e: {  	_ =	sfence.sel $0x180000  }
0x37f: {  	[bflag:$0x0] =	sbarrier.arrive $0xFFFF  }
0x380: {  	_ =	strace $0x90000047  }
0x381: {  	s0 =	stileid.u32;
	[bflag:$0x2] =	sbarrier.arrive $0xFFFF  }
0x382: {  	p0 =	sne.s32 s0, $0x0;
	s0 =	rddreg [dreg:$0x3]  }
0x383: {  	s0 =	sadd.s32 @!p0 $0x100000, s0  }
0x384: {  	[sflag:s0] =	ssyncadd.tile.s32 @!p0 $0x1;
	_ =	shalt  }
.Lfunc_end2:
_tile_overlayer_lowered:
.L_overlay_start_2:
0x385: {  	(tag) =	ssettag $0x2  }
0x386: {  	s0 =	rddreg [dreg:$0x0];
	s2 =	stileid.u32  }
0x387: {  	s1 =	rddreg [dreg:$0x1];
	p0 =	sne.s32 s2, $0x0  }
0x388: {  	s3 =	rddreg [dreg:$0x2];
	[bflag:$0x3] =	sbarrier.arrive $0xFFFF;
	s2 =	simm.s32 @!p0 $0x1C04  }
0x389: {  	[timem:s3], [sflag:s2] =	dma.local @!p0 [hbm:s0], s1  }
0x38a: {  	s0 =	simm.s32 @!p0 $0x4  }
0x38b: {  	_ =	swait.ge @!p0 [sflag:s0], s1  }
0x38c: {  	s1 =	ssub.s32 @!p0 $0x0, s1;
	[sflag:s0] =	ssyncset.done @!p0 $0x0  }
0x38d: {  	[sflag:s0] =	ssyncadd.s32 @!p0 s1  }
0x38e: {  	[bflag:$0x3] =	sbarrier.arrive $0xFFFF  }
0x38f: {  	_ =	shalt  }

</sc_bundles>
